<compile_context>
chip_gen: v7x
topology: tpu7x:2x2x1
jax: 0.10.2.dev20260603
libtpu: 0.0.44.dev20260713+nightly
codegen_flags: <defaults>
</compile_context>

<pallas_src>
import functools

import jax
import jax.numpy as jnp
from jax import lax
from jax.experimental import pallas as pl
from jax.experimental.pallas import tpu as pltpu
from jax.experimental.pallas import tpu_sc as plsc

_L = 16
_NW = 32
_CHUNK = 32

_PLANE = (
    ((1, 2, -1.0), (2, 1, 1.0)),
    ((0, 2, 1.0), (2, 0, -1.0)),
    ((0, 1, -1.0), (1, 0, 1.0)),
)


@functools.lru_cache(maxsize=None)
def _make_skew(cts):
    ct_w = cts // _NW
    nchunk = ct_w // _CHUNK
    mesh = plsc.VectorSubcoreMesh(core_axis_name="c", subcore_axis_name="s")

    @functools.partial(
        pl.kernel,
        out_type=jax.ShapeDtypeStruct((3, cts * 4, 128), jnp.float32),
        mesh=mesh,
        compiler_params=pltpu.CompilerParams(needs_layout_passes=False),
        scratch_types=[
            pltpu.VMEM((2, 3, _CHUNK, 128), jnp.float32),
            pltpu.VMEM((2, 3, _CHUNK * 4, 128), jnp.float32),
            pltpu.SemaphoreType.DMA,
            pltpu.SemaphoreType.DMA,
            pltpu.SemaphoreType.DMA,
            pltpu.SemaphoreType.DMA,
        ],
    )
    def skew(x_hbm, y_hbm, z_hbm, o_hbm, in_v, out_v, si_a, si_b, so_a, so_b):
        wid = lax.axis_index("s") * 2 + lax.axis_index("c")
        ct0 = wid * ct_w
        comps = (x_hbm, y_hbm, z_hbm)
        sis = (si_a, si_b)
        sos = (so_a, so_b)

        zero = jnp.zeros((_L,), jnp.float32)

        for s in range(2):
            for i in range(3):

                @functools.partial(plsc.parallel_loop, 0, _CHUNK, unroll=2)
                def zbody(ct, s=s, i=i):
                    for k in (i, 3):
                        for j in range(8):
                            out_v[s, i, ct * 4 + k, pl.ds(j * _L, _L)] = zero

        def start_in(ci):
            s = ci % 2
            base = ct0 + ci * _CHUNK
            return [
                pltpu.async_copy(
                    comps[c].at[pl.ds(base, _CHUNK), :], in_v.at[s, c], sis[s])
                for c in range(3)
            ]

        def start_out(ci):
            s = ci % 2
            rbase = (ct0 + ci * _CHUNK) * 4
            return [
                pltpu.async_copy(
                    out_v.at[s, i], o_hbm.at[i, pl.ds(rbase, _CHUNK * 4), :],
                    sos[s])
                for i in range(3)
            ]

        def compute(s):
            for i in range(3):

                @functools.partial(plsc.parallel_loop, 0, _CHUNK, unroll=2)
                def body(ct, s=s, i=i):
                    vals = []
                    for k, c, sign in _PLANE[i]:
                        for j in range(8):
                            v = in_v[s, c, ct, pl.ds(j * _L, _L)]
                            vals.append((k, j, -v if sign < 0 else v))
                    for k, j, v in vals:
                        out_v[s, i, ct * 4 + k, pl.ds(j * _L, _L)] = v

        in_h = {}
        out_h = {}
        in_h[0] = start_in(0)
        for ci in range(nchunk):
            if ci + 1 < nchunk:
                in_h[ci + 1] = start_in(ci + 1)
            for h in in_h.pop(ci):
                h.wait()
            if ci >= 2:
                for h in out_h.pop(ci - 2):
                    h.wait()
            compute(ci % 2)
            out_h[ci] = start_out(ci)
        for ci in sorted(out_h):
            for h in out_h[ci]:
                h.wait()

    return skew


def kernel(dw):
    bn = dw.shape[0]
    cts = bn // 128
    x = dw[:, 0].reshape(cts, 128)
    y = dw[:, 1].reshape(cts, 128)
    z = dw[:, 2].reshape(cts, 128)
    o = _make_skew(cts)(x, y, z)
    return (
        o.reshape(3, cts, 4, 128)
        .transpose(1, 3, 0, 2)[:, :, :, :3]
        .reshape(bn, 3, 3)
    )

# --- scband reference (transcript-rebuilt; emitter-appended) ---
"""Pipeline reference for scband-get-skew-30502857736911 (READ-ONLY COPY).

The authoritative reference and input builder live on the scoring server;
editing this copy changes nothing except your own understanding.
"""

import jax, jax.numpy as jnp
import numpy as np


def setup_inputs(seed: int = 0) -> dict:
    key = jax.random.key(seed)
    dw = jax.random.normal(key, (1048576, 3), dtype=jnp.float32)
    return {"dw": dw}


def reference(dw) -> jnp.ndarray:
    bn = dw.shape[0]
    skew = jnp.zeros((bn, 3, 3), dtype=jnp.float32)
    skew = skew.at[:, 0, 1].set(-dw[:, 2])
    skew = skew.at[:, 0, 2].set(dw[:, 1])
    skew = skew.at[:, 1, 2].set(-dw[:, 0])
    skew = skew.at[:, 1, 0].set(dw[:, 2])
    skew = skew.at[:, 2, 0].set(-dw[:, 1])
    skew = skew.at[:, 2, 1].set(dw[:, 0])
    return skew

if __name__ == "__main__":
    import jax
    _d = setup_inputs()
    print(jax.jit(kernel)(*tuple(_d.values())))

</pallas_src>

<mosaic_0001>
#map = affine_map<(d0, d1) -> (0, 0)>
#map1 = affine_map<(d0, d1) -> (0, 0, 0)>
module attributes {stable_mosaic.version = 14 : i64} {
  func.func @skew(%arg0: i32, %arg1: i32, %arg2: memref<8192x128xf32, #tpu.memory_space<hbm>>, %arg3: memref<8192x128xf32, #tpu.memory_space<hbm>>, %arg4: memref<8192x128xf32, #tpu.memory_space<hbm>>, %arg5: memref<3x32768x128xf32, #tpu.memory_space<hbm>>, %arg6: memref<2x3x32x128xf32, #tpu.memory_space<vmem>>, %arg7: memref<2x3x128x128xf32, #tpu.memory_space<vmem>>, %arg8: memref<!tpu.dma_semaphore, #tpu.memory_space<semaphore_mem>>, %arg9: memref<!tpu.dma_semaphore, #tpu.memory_space<semaphore_mem>>, %arg10: memref<!tpu.dma_semaphore, #tpu.memory_space<semaphore_mem>>, %arg11: memref<!tpu.dma_semaphore, #tpu.memory_space<semaphore_mem>>) attributes {dimension_semantics = [#tpu.dimension_semantics<core_parallel>, #tpu.dimension_semantics<subcore_parallel>], iteration_bounds = array<i64: 2, 16>, scalar_prefetch = 0 : i64, scratch_operands = 6 : i64, tpu.core_type = #tpu.core_type<sc_vector_subcore>, window_params = [{transform_indices = #map}, {transform_indices = #map}, {transform_indices = #map}, {transform_indices = #map1}]} {
    %mul3A = arith.constant 2 : i32
    %mul3A_0 = arith.muli %arg1, %mul3A : i32
    %add3A = arith.addi %mul3A_0, %arg0 : i32
    %mul3A_1 = arith.constant 256 : i32
    %mul3A_2 = arith.muli %add3A, %mul3A_1 : i32
    %broadcast_in_dim3A = arith.constant 0.000000e+00 : f32
    %broadcast_in_dim3A_3 = vector.broadcast %broadcast_in_dim3A : f32 to vector<16xf32>
    %add3A_4 = arith.constant 0 : i32
    %add3A_5 = arith.addi %mul3A_2, %add3A_4 : i32
    %dma_start3A = arith.constant 0 : i32
    %dma_start3A_6 = arith.constant 0 : i32
    %dma_start3A_7 = arith.constant 0 : i32
    %dma_start3A_8 = arith.constant 0 : i32
    %dma_start3A_9 = tpu.memref_slice %arg6[%dma_start3A, %dma_start3A_6, %dma_start3A_7, %dma_start3A_8] : memref<2x3x32x128xf32, #tpu.memory_space<vmem>> -> memref<1x1x32x128xf32, #tpu.memory_space<vmem>>
    %dma_start3A_10 = tpu.memref_squeeze %dma_start3A_9 : memref<1x1x32x128xf32, #tpu.memory_space<vmem>> -> memref<32x128xf32, #tpu.memory_space<vmem>>
    %dma_start3A_11 = arith.constant 0 : i32
    %dma_start3A_12 = tpu.memref_slice %arg2[%add3A_5, %dma_start3A_11] : memref<8192x128xf32, #tpu.memory_space<hbm>> -> memref<32x128xf32, #tpu.memory_space<hbm>>
    %dma_start3A_13 = arith.constant 0 : i32
    %dma_start3A_14 = arith.constant 0 : i32
    %dma_start3A_15 = tpu.memref_slice %arg6[%dma_start3A, %dma_start3A_6, %dma_start3A_13, %dma_start3A_14] : memref<2x3x32x128xf32, #tpu.memory_space<vmem>> -> memref<1x1x32x128xf32, #tpu.memory_space<vmem>>
    %dma_start3A_16 = tpu.memref_squeeze %dma_start3A_15 : memref<1x1x32x128xf32, #tpu.memory_space<vmem>> -> memref<32x128xf32, #tpu.memory_space<vmem>>
    %dma_start3A_17 = arith.constant 0 : i32
    %dma_start3A_18 = tpu.memref_slice %arg2[%add3A_5, %dma_start3A_17] : memref<8192x128xf32, #tpu.memory_space<hbm>> -> memref<32x128xf32, #tpu.memory_space<hbm>>
    tpu.enqueue_dma source(%dma_start3A_18 : memref<32x128xf32, #tpu.memory_space<hbm>>) target(%dma_start3A_16 : memref<32x128xf32, #tpu.memory_space<vmem>>) target_semaphore(%arg8 : memref<!tpu.dma_semaphore, #tpu.memory_space<semaphore_mem>>)
    %dma_start3A_19 = arith.constant 0 : i32
    %dma_start3A_20 = arith.constant 1 : i32
    %dma_start3A_21 = arith.constant 0 : i32
    %dma_start3A_22 = arith.constant 0 : i32
    %dma_start3A_23 = tpu.memref_slice %arg6[%dma_start3A_19, %dma_start3A_20, %dma_start3A_21, %dma_start3A_22] : memref<2x3x32x128xf32, #tpu.memory_space<vmem>> -> memref<1x1x32x128xf32, #tpu.memory_space<vmem>>
    %dma_start3A_24 = tpu.memref_squeeze %dma_start3A_23 : memref<1x1x32x128xf32, #tpu.memory_space<vmem>> -> memref<32x128xf32, #tpu.memory_space<vmem>>
    %dma_start3A_25 = arith.constant 0 : i32
    %dma_start3A_26 = tpu.memref_slice %arg3[%add3A_5, %dma_start3A_25] : memref<8192x128xf32, #tpu.memory_space<hbm>> -> memref<32x128xf32, #tpu.memory_space<hbm>>
    %dma_start3A_27 = arith.constant 0 : i32
    %dma_start3A_28 = arith.constant 0 : i32
    %dma_start3A_29 = tpu.memref_slice %arg6[%dma_start3A_19, %dma_start3A_20, %dma_start3A_27, %dma_start3A_28] : memref<2x3x32x128xf32, #tpu.memory_space<vmem>> -> memref<1x1x32x128xf32, #tpu.memory_space<vmem>>
    %dma_start3A_30 = tpu.memref_squeeze %dma_start3A_29 : memref<1x1x32x128xf32, #tpu.memory_space<vmem>> -> memref<32x128xf32, #tpu.memory_space<vmem>>
    %dma_start3A_31 = arith.constant 0 : i32
    %dma_start3A_32 = tpu.memref_slice %arg3[%add3A_5, %dma_start3A_31] : memref<8192x128xf32, #tpu.memory_space<hbm>> -> memref<32x128xf32, #tpu.memory_space<hbm>>
    tpu.enqueue_dma source(%dma_start3A_32 : memref<32x128xf32, #tpu.memory_space<hbm>>) target(%dma_start3A_30 : memref<32x128xf32, #tpu.memory_space<vmem>>) target_semaphore(%arg8 : memref<!tpu.dma_semaphore, #tpu.memory_space<semaphore_mem>>)
    %dma_start3A_33 = arith.constant 0 : i32
    %dma_start3A_34 = arith.constant 2 : i32
    %dma_start3A_35 = arith.constant 0 : i32
    %dma_start3A_36 = arith.constant 0 : i32
    %dma_start3A_37 = tpu.memref_slice %arg6[%dma_start3A_33, %dma_start3A_34, %dma_start3A_35, %dma_start3A_36] : memref<2x3x32x128xf32, #tpu.memory_space<vmem>> -> memref<1x1x32x128xf32, #tpu.memory_space<vmem>>
    %dma_start3A_38 = tpu.memref_squeeze %dma_start3A_37 : memref<1x1x32x128xf32, #tpu.memory_space<vmem>> -> memref<32x128xf32, #tpu.memory_space<vmem>>
    %dma_start3A_39 = arith.constant 0 : i32
    %dma_start3A_40 = tpu.memref_slice %arg4[%add3A_5, %dma_start3A_39] : memref<8192x128xf32, #tpu.memory_space<hbm>> -> memref<32x128xf32, #tpu.memory_space<hbm>>
    %dma_start3A_41 = arith.constant 0 : i32
    %dma_start3A_42 = arith.constant 0 : i32
    %dma_start3A_43 = tpu.memref_slice %arg6[%dma_start3A_33, %dma_start3A_34, %dma_start3A_41, %dma_start3A_42] : memref<2x3x32x128xf32, #tpu.memory_space<vmem>> -> memref<1x1x32x128xf32, #tpu.memory_space<vmem>>
    %dma_start3A_44 = tpu.memref_squeeze %dma_start3A_43 : memref<1x1x32x128xf32, #tpu.memory_space<vmem>> -> memref<32x128xf32, #tpu.memory_space<vmem>>
    %dma_start3A_45 = arith.constant 0 : i32
    %dma_start3A_46 = tpu.memref_slice %arg4[%add3A_5, %dma_start3A_45] : memref<8192x128xf32, #tpu.memory_space<hbm>> -> memref<32x128xf32, #tpu.memory_space<hbm>>
    tpu.enqueue_dma source(%dma_start3A_46 : memref<32x128xf32, #tpu.memory_space<hbm>>) target(%dma_start3A_44 : memref<32x128xf32, #tpu.memory_space<vmem>>) target_semaphore(%arg8 : memref<!tpu.dma_semaphore, #tpu.memory_space<semaphore_mem>>)
    %add3A_47 = arith.constant 32 : i32
    %add3A_48 = arith.addi %mul3A_2, %add3A_47 : i32
    %dma_start3A_49 = arith.constant 1 : i32
    %dma_start3A_50 = arith.constant 0 : i32
    %dma_start3A_51 = arith.constant 0 : i32
    %dma_start3A_52 = arith.constant 0 : i32
    %dma_start3A_53 = tpu.memref_slice %arg6[%dma_start3A_49, %dma_start3A_50, %dma_start3A_51, %dma_start3A_52] : memref<2x3x32x128xf32, #tpu.memory_space<vmem>> -> memref<1x1x32x128xf32, #tpu.memory_space<vmem>>
    %dma_start3A_54 = tpu.memref_squeeze %dma_start3A_53 : memref<1x1x32x128xf32, #tpu.memory_space<vmem>> -> memref<32x128xf32, #tpu.memory_space<vmem>>
    %dma_start3A_55 = arith.constant 0 : i32
    %dma_start3A_56 = tpu.memref_slice %arg2[%add3A_48, %dma_start3A_55] : memref<8192x128xf32, #tpu.memory_space<hbm>> -> memref<32x128xf32, #tpu.memory_space<hbm>>
    %dma_start3A_57 = arith.constant 0 : i32
    %dma_start3A_58 = arith.constant 0 : i32
    %dma_start3A_59 = tpu.memref_slice %arg6[%dma_start3A_49, %dma_start3A_50, %dma_start3A_57, %dma_start3A_58] : memref<2x3x32x128xf32, #tpu.memory_space<vmem>> -> memref<1x1x32x128xf32, #tpu.memory_space<vmem>>
    %dma_start3A_60 = tpu.memref_squeeze %dma_start3A_59 : memref<1x1x32x128xf32, #tpu.memory_space<vmem>> -> memref<32x128xf32, #tpu.memory_space<vmem>>
    %dma_start3A_61 = arith.constant 0 : i32
    %dma_start3A_62 = tpu.memref_slice %arg2[%add3A_48, %dma_start3A_61] : memref<8192x128xf32, #tpu.memory_space<hbm>> -> memref<32x128xf32, #tpu.memory_space<hbm>>
    tpu.enqueue_dma source(%dma_start3A_62 : memref<32x128xf32, #tpu.memory_space<hbm>>) target(%dma_start3A_60 : memref<32x128xf32, #tpu.memory_space<vmem>>) target_semaphore(%arg9 : memref<!tpu.dma_semaphore, #tpu.memory_space<semaphore_mem>>)
    %dma_start3A_63 = arith.constant 1 : i32
    %dma_start3A_64 = arith.constant 1 : i32
    %dma_start3A_65 = arith.constant 0 : i32
    %dma_start3A_66 = arith.constant 0 : i32
    %dma_start3A_67 = tpu.memref_slice %arg6[%dma_start3A_63, %dma_start3A_64, %dma_start3A_65, %dma_start3A_66] : memref<2x3x32x128xf32, #tpu.memory_space<vmem>> -> memref<1x1x32x128xf32, #tpu.memory_space<vmem>>
    %dma_start3A_68 = tpu.memref_squeeze %dma_start3A_67 : memref<1x1x32x128xf32, #tpu.memory_space<vmem>> -> memref<32x128xf32, #tpu.memory_space<vmem>>
    %dma_start3A_69 = arith.constant 0 : i32
    %dma_start3A_70 = tpu.memref_slice %arg3[%add3A_48, %dma_start3A_69] : memref<8192x128xf32, #tpu.memory_space<hbm>> -> memref<32x128xf32, #tpu.memory_space<hbm>>
    %dma_start3A_71 = arith.constant 0 : i32
    %dma_start3A_72 = arith.constant 0 : i32
    %dma_start3A_73 = tpu.memref_slice %arg6[%dma_start3A_63, %dma_start3A_64, %dma_start3A_71, %dma_start3A_72] : memref<2x3x32x128xf32, #tpu.memory_space<vmem>> -> memref<1x1x32x128xf32, #tpu.memory_space<vmem>>
    %dma_start3A_74 = tpu.memref_squeeze %dma_start3A_73 : memref<1x1x32x128xf32, #tpu.memory_space<vmem>> -> memref<32x128xf32, #tpu.memory_space<vmem>>
    %dma_start3A_75 = arith.constant 0 : i32
    %dma_start3A_76 = tpu.memref_slice %arg3[%add3A_48, %dma_start3A_75] : memref<8192x128xf32, #tpu.memory_space<hbm>> -> memref<32x128xf32, #tpu.memory_space<hbm>>
    tpu.enqueue_dma source(%dma_start3A_76 : memref<32x128xf32, #tpu.memory_space<hbm>>) target(%dma_start3A_74 : memref<32x128xf32, #tpu.memory_space<vmem>>) target_semaphore(%arg9 : memref<!tpu.dma_semaphore, #tpu.memory_space<semaphore_mem>>)
    %dma_start3A_77 = arith.constant 1 : i32
    %dma_start3A_78 = arith.constant 2 : i32
    %dma_start3A_79 = arith.constant 0 : i32
    %dma_start3A_80 = arith.constant 0 : i32
    %dma_start3A_81 = tpu.memref_slice %arg6[%dma_start3A_77, %dma_start3A_78, %dma_start3A_79, %dma_start3A_80] : memref<2x3x32x128xf32, #tpu.memory_space<vmem>> -> memref<1x1x32x128xf32, #tpu.memory_space<vmem>>
    %dma_start3A_82 = tpu.memref_squeeze %dma_start3A_81 : memref<1x1x32x128xf32, #tpu.memory_space<vmem>> -> memref<32x128xf32, #tpu.memory_space<vmem>>
    %dma_start3A_83 = arith.constant 0 : i32
    %dma_start3A_84 = tpu.memref_slice %arg4[%add3A_48, %dma_start3A_83] : memref<8192x128xf32, #tpu.memory_space<hbm>> -> memref<32x128xf32, #tpu.memory_space<hbm>>
    %dma_start3A_85 = arith.constant 0 : i32
    %dma_start3A_86 = arith.constant 0 : i32
    %dma_start3A_87 = tpu.memref_slice %arg6[%dma_start3A_77, %dma_start3A_78, %dma_start3A_85, %dma_start3A_86] : memref<2x3x32x128xf32, #tpu.memory_space<vmem>> -> memref<1x1x32x128xf32, #tpu.memory_space<vmem>>
    %dma_start3A_88 = tpu.memref_squeeze %dma_start3A_87 : memref<1x1x32x128xf32, #tpu.memory_space<vmem>> -> memref<32x128xf32, #tpu.memory_space<vmem>>
    %dma_start3A_89 = arith.constant 0 : i32
    %dma_start3A_90 = tpu.memref_slice %arg4[%add3A_48, %dma_start3A_89] : memref<8192x128xf32, #tpu.memory_space<hbm>> -> memref<32x128xf32, #tpu.memory_space<hbm>>
    tpu.enqueue_dma source(%dma_start3A_90 : memref<32x128xf32, #tpu.memory_space<hbm>>) target(%dma_start3A_88 : memref<32x128xf32, #tpu.memory_space<vmem>>) target_semaphore(%arg9 : memref<!tpu.dma_semaphore, #tpu.memory_space<semaphore_mem>>)
    %dma_wait3A = arith.constant 0 : i32
    %dma_wait3A_91 = arith.constant 0 : i32
    %dma_wait3A_92 = arith.constant 0 : i32
    %dma_wait3A_93 = arith.constant 0 : i32
    %dma_wait3A_94 = tpu.memref_slice %arg6[%dma_wait3A, %dma_wait3A_91, %dma_wait3A_92, %dma_wait3A_93] : memref<2x3x32x128xf32, #tpu.memory_space<vmem>> -> memref<1x1x32x128xf32, #tpu.memory_space<vmem>>
    %dma_wait3A_95 = tpu.memref_squeeze %dma_wait3A_94 : memref<1x1x32x128xf32, #tpu.memory_space<vmem>> -> memref<32x128xf32, #tpu.memory_space<vmem>>
    %dma_wait3A_96 = arith.constant 0 : i32
    %dma_wait3A_97 = tpu.memref_slice %arg2[%add3A_5, %dma_wait3A_96] : memref<8192x128xf32, #tpu.memory_space<hbm>> -> memref<32x128xf32, #tpu.memory_space<hbm>>
    %dma_wait3A_98 = arith.constant 0 : i32
    %dma_wait3A_99 = arith.constant 0 : i32
    %dma_wait3A_100 = tpu.memref_slice %arg6[%dma_wait3A, %dma_wait3A_91, %dma_wait3A_98, %dma_wait3A_99] : memref<2x3x32x128xf32, #tpu.memory_space<vmem>> -> memref<1x1x32x128xf32, #tpu.memory_space<vmem>>
    %dma_wait3A_101 = tpu.memref_squeeze %dma_wait3A_100 : memref<1x1x32x128xf32, #tpu.memory_space<vmem>> -> memref<32x128xf32, #tpu.memory_space<vmem>>
    %dma_wait3A_102 = arith.constant 0 : i32
    %dma_wait3A_103 = tpu.memref_slice %arg2[%add3A_5, %dma_wait3A_102] : memref<8192x128xf32, #tpu.memory_space<hbm>> -> memref<32x128xf32, #tpu.memory_space<hbm>>
    tpu.wait_dma2 semaphore(%arg8 : memref<!tpu.dma_semaphore, #tpu.memory_space<semaphore_mem>>) src(%dma_wait3A_103 : memref<32x128xf32, #tpu.memory_space<hbm>>) dst(%dma_wait3A_101 : memref<32x128xf32, #tpu.memory_space<vmem>>)
    %dma_wait3A_104 = arith.constant 0 : i32
    %dma_wait3A_105 = arith.constant 1 : i32
    %dma_wait3A_106 = arith.constant 0 : i32
    %dma_wait3A_107 = arith.constant 0 : i32
    %dma_wait3A_108 = tpu.memref_slice %arg6[%dma_wait3A_104, %dma_wait3A_105, %dma_wait3A_106, %dma_wait3A_107] : memref<2x3x32x128xf32, #tpu.memory_space<vmem>> -> memref<1x1x32x128xf32, #tpu.memory_space<vmem>>
    %dma_wait3A_109 = tpu.memref_squeeze %dma_wait3A_108 : memref<1x1x32x128xf32, #tpu.memory_space<vmem>> -> memref<32x128xf32, #tpu.memory_space<vmem>>
    %dma_wait3A_110 = arith.constant 0 : i32
    %dma_wait3A_111 = tpu.memref_slice %arg3[%add3A_5, %dma_wait3A_110] : memref<8192x128xf32, #tpu.memory_space<hbm>> -> memref<32x128xf32, #tpu.memory_space<hbm>>
    %dma_wait3A_112 = arith.constant 0 : i32
    %dma_wait3A_113 = arith.constant 0 : i32
    %dma_wait3A_114 = tpu.memref_slice %arg6[%dma_wait3A_104, %dma_wait3A_105, %dma_wait3A_112, %dma_wait3A_113] : memref<2x3x32x128xf32, #tpu.memory_space<vmem>> -> memref<1x1x32x128xf32, #tpu.memory_space<vmem>>
    %dma_wait3A_115 = tpu.memref_squeeze %dma_wait3A_114 : memref<1x1x32x128xf32, #tpu.memory_space<vmem>> -> memref<32x128xf32, #tpu.memory_space<vmem>>
    %dma_wait3A_116 = arith.constant 0 : i32
    %dma_wait3A_117 = tpu.memref_slice %arg3[%add3A_5, %dma_wait3A_116] : memref<8192x128xf32, #tpu.memory_space<hbm>> -> memref<32x128xf32, #tpu.memory_space<hbm>>
    tpu.wait_dma2 semaphore(%arg8 : memref<!tpu.dma_semaphore, #tpu.memory_space<semaphore_mem>>) src(%dma_wait3A_117 : memref<32x128xf32, #tpu.memory_space<hbm>>) dst(%dma_wait3A_115 : memref<32x128xf32, #tpu.memory_space<vmem>>)
    %dma_wait3A_118 = arith.constant 0 : i32
    %dma_wait3A_119 = arith.constant 2 : i32
    %dma_wait3A_120 = arith.constant 0 : i32
    %dma_wait3A_121 = arith.constant 0 : i32
    %dma_wait3A_122 = tpu.memref_slice %arg6[%dma_wait3A_118, %dma_wait3A_119, %dma_wait3A_120, %dma_wait3A_121] : memref<2x3x32x128xf32, #tpu.memory_space<vmem>> -> memref<1x1x32x128xf32, #tpu.memory_space<vmem>>
    %dma_wait3A_123 = tpu.memref_squeeze %dma_wait3A_122 : memref<1x1x32x128xf32, #tpu.memory_space<vmem>> -> memref<32x128xf32, #tpu.memory_space<vmem>>
    %dma_wait3A_124 = arith.constant 0 : i32
    %dma_wait3A_125 = tpu.memref_slice %arg4[%add3A_5, %dma_wait3A_124] : memref<8192x128xf32, #tpu.memory_space<hbm>> -> memref<32x128xf32, #tpu.memory_space<hbm>>
    %dma_wait3A_126 = arith.constant 0 : i32
    %dma_wait3A_127 = arith.constant 0 : i32
    %dma_wait3A_128 = tpu.memref_slice %arg6[%dma_wait3A_118, %dma_wait3A_119, %dma_wait3A_126, %dma_wait3A_127] : memref<2x3x32x128xf32, #tpu.memory_space<vmem>> -> memref<1x1x32x128xf32, #tpu.memory_space<vmem>>
    %dma_wait3A_129 = tpu.memref_squeeze %dma_wait3A_128 : memref<1x1x32x128xf32, #tpu.memory_space<vmem>> -> memref<32x128xf32, #tpu.memory_space<vmem>>
    %dma_wait3A_130 = arith.constant 0 : i32
    %dma_wait3A_131 = tpu.memref_slice %arg4[%add3A_5, %dma_wait3A_130] : memref<8192x128xf32, #tpu.memory_space<hbm>> -> memref<32x128xf32, #tpu.memory_space<hbm>>
    tpu.wait_dma2 semaphore(%arg8 : memref<!tpu.dma_semaphore, #tpu.memory_space<semaphore_mem>>) src(%dma_wait3A_131 : memref<32x128xf32, #tpu.memory_space<hbm>>) dst(%dma_wait3A_129 : memref<32x128xf32, #tpu.memory_space<vmem>>)
    %add3A_132 = arith.constant 0 : i32
    %add3A_133 = arith.addi %mul3A_2, %add3A_132 : i32
    %mul3A_134 = arith.constant 4 : i32
    %mul3A_135 = arith.muli %add3A_133, %mul3A_134 : i32
    %dma_start3A_136 = arith.constant 0 : i32
    %dma_start3A_137 = arith.constant 0 : i32
    %dma_start3A_138 = arith.constant 0 : i32
    %dma_start3A_139 = arith.constant 0 : i32
    %dma_start3A_140 = arith.constant 0 : i32
    %dma_start3A_141 = tpu.memref_slice %arg7[%dma_start3A_136, %dma_start3A_137, %dma_start3A_139, %dma_start3A_140] : memref<2x3x128x128xf32, #tpu.memory_space<vmem>> -> memref<1x1x128x128xf32, #tpu.memory_space<vmem>>
    %dma_start3A_142 = tpu.memref_squeeze %dma_start3A_141 : memref<1x1x128x128xf32, #tpu.memory_space<vmem>> -> memref<128x128xf32, #tpu.memory_space<vmem>>
    %dma_start3A_143 = arith.constant 0 : i32
    %dma_start3A_144 = tpu.memref_slice %arg5[%dma_start3A_138, %mul3A_135, %dma_start3A_143] : memref<3x32768x128xf32, #tpu.memory_space<hbm>> -> memref<1x128x128xf32, #tpu.memory_space<hbm>>
    %dma_start3A_145 = tpu.memref_squeeze %dma_start3A_144 : memref<1x128x128xf32, #tpu.memory_space<hbm>> -> memref<128x128xf32, #tpu.memory_space<hbm>>
    %dma_start3A_146 = arith.constant 0 : i32
    %dma_start3A_147 = tpu.memref_slice %arg5[%dma_start3A_138, %mul3A_135, %dma_start3A_146] : memref<3x32768x128xf32, #tpu.memory_space<hbm>> -> memref<1x128x128xf32, #tpu.memory_space<hbm>>
    %dma_start3A_148 = tpu.memref_squeeze %dma_start3A_147 : memref<1x128x128xf32, #tpu.memory_space<hbm>> -> memref<128x128xf32, #tpu.memory_space<hbm>>
    %dma_start3A_149 = arith.constant 0 : i32
    %dma_start3A_150 = arith.constant 0 : i32
    %dma_start3A_151 = tpu.memref_slice %arg7[%dma_start3A_136, %dma_start3A_137, %dma_start3A_149, %dma_start3A_150] : memref<2x3x128x128xf32, #tpu.memory_space<vmem>> -> memref<1x1x128x128xf32, #tpu.memory_space<vmem>>
    %dma_start3A_152 = tpu.memref_squeeze %dma_start3A_151 : memref<1x1x128x128xf32, #tpu.memory_space<vmem>> -> memref<128x128xf32, #tpu.memory_space<vmem>>
    tpu.enqueue_dma source(%dma_start3A_152 : memref<128x128xf32, #tpu.memory_space<vmem>>) target(%dma_start3A_148 : memref<128x128xf32, #tpu.memory_space<hbm>>) target_semaphore(%arg10 : memref<!tpu.dma_semaphore, #tpu.memory_space<semaphore_mem>>)
    %dma_start3A_153 = arith.constant 0 : i32
    %dma_start3A_154 = arith.constant 1 : i32
    %dma_start3A_155 = arith.constant 1 : i32
    %dma_start3A_156 = arith.constant 0 : i32
    %dma_start3A_157 = arith.constant 0 : i32
    %dma_start3A_158 = tpu.memref_slice %arg7[%dma_start3A_153, %dma_start3A_154, %dma_start3A_156, %dma_start3A_157] : memref<2x3x128x128xf32, #tpu.memory_space<vmem>> -> memref<1x1x128x128xf32, #tpu.memory_space<vmem>>
    %dma_start3A_159 = tpu.memref_squeeze %dma_start3A_158 : memref<1x1x128x128xf32, #tpu.memory_space<vmem>> -> memref<128x128xf32, #tpu.memory_space<vmem>>
    %dma_start3A_160 = arith.constant 0 : i32
    %dma_start3A_161 = tpu.memref_slice %arg5[%dma_start3A_155, %mul3A_135, %dma_start3A_160] : memref<3x32768x128xf32, #tpu.memory_space<hbm>> -> memref<1x128x128xf32, #tpu.memory_space<hbm>>
    %dma_start3A_162 = tpu.memref_squeeze %dma_start3A_161 : memref<1x128x128xf32, #tpu.memory_space<hbm>> -> memref<128x128xf32, #tpu.memory_space<hbm>>
    %dma_start3A_163 = arith.constant 0 : i32
    %dma_start3A_164 = tpu.memref_slice %arg5[%dma_start3A_155, %mul3A_135, %dma_start3A_163] : memref<3x32768x128xf32, #tpu.memory_space<hbm>> -> memref<1x128x128xf32, #tpu.memory_space<hbm>>
    %dma_start3A_165 = tpu.memref_squeeze %dma_start3A_164 : memref<1x128x128xf32, #tpu.memory_space<hbm>> -> memref<128x128xf32, #tpu.memory_space<hbm>>
    %dma_start3A_166 = arith.constant 0 : i32
    %dma_start3A_167 = arith.constant 0 : i32
    %dma_start3A_168 = tpu.memref_slice %arg7[%dma_start3A_153, %dma_start3A_154, %dma_start3A_166, %dma_start3A_167] : memref<2x3x128x128xf32, #tpu.memory_space<vmem>> -> memref<1x1x128x128xf32, #tpu.memory_space<vmem>>
    %dma_start3A_169 = tpu.memref_squeeze %dma_start3A_168 : memref<1x1x128x128xf32, #tpu.memory_space<vmem>> -> memref<128x128xf32, #tpu.memory_space<vmem>>
    tpu.enqueue_dma source(%dma_start3A_169 : memref<128x128xf32, #tpu.memory_space<vmem>>) target(%dma_start3A_165 : memref<128x128xf32, #tpu.memory_space<hbm>>) target_semaphore(%arg10 : memref<!tpu.dma_semaphore, #tpu.memory_space<semaphore_mem>>)
    %dma_start3A_170 = arith.constant 0 : i32
    %dma_start3A_171 = arith.constant 2 : i32
    %dma_start3A_172 = arith.constant 2 : i32
    %dma_start3A_173 = arith.constant 0 : i32
    %dma_start3A_174 = arith.constant 0 : i32
    %dma_start3A_175 = tpu.memref_slice %arg7[%dma_start3A_170, %dma_start3A_171, %dma_start3A_173, %dma_start3A_174] : memref<2x3x128x128xf32, #tpu.memory_space<vmem>> -> memref<1x1x128x128xf32, #tpu.memory_space<vmem>>
    %dma_start3A_176 = tpu.memref_squeeze %dma_start3A_175 : memref<1x1x128x128xf32, #tpu.memory_space<vmem>> -> memref<128x128xf32, #tpu.memory_space<vmem>>
    %dma_start3A_177 = arith.constant 0 : i32
    %dma_start3A_178 = tpu.memref_slice %arg5[%dma_start3A_172, %mul3A_135, %dma_start3A_177] : memref<3x32768x128xf32, #tpu.memory_space<hbm>> -> memref<1x128x128xf32, #tpu.memory_space<hbm>>
    %dma_start3A_179 = tpu.memref_squeeze %dma_start3A_178 : memref<1x128x128xf32, #tpu.memory_space<hbm>> -> memref<128x128xf32, #tpu.memory_space<hbm>>
    %dma_start3A_180 = arith.constant 0 : i32
    %dma_start3A_181 = tpu.memref_slice %arg5[%dma_start3A_172, %mul3A_135, %dma_start3A_180] : memref<3x32768x128xf32, #tpu.memory_space<hbm>> -> memref<1x128x128xf32, #tpu.memory_space<hbm>>
    %dma_start3A_182 = tpu.memref_squeeze %dma_start3A_181 : memref<1x128x128xf32, #tpu.memory_space<hbm>> -> memref<128x128xf32, #tpu.memory_space<hbm>>
    %dma_start3A_183 = arith.constant 0 : i32
    %dma_start3A_184 = arith.constant 0 : i32
    %dma_start3A_185 = tpu.memref_slice %arg7[%dma_start3A_170, %dma_start3A_171, %dma_start3A_183, %dma_start3A_184] : memref<2x3x128x128xf32, #tpu.memory_space<vmem>> -> memref<1x1x128x128xf32, #tpu.memory_space<vmem>>
    %dma_start3A_186 = tpu.memref_squeeze %dma_start3A_185 : memref<1x1x128x128xf32, #tpu.memory_space<vmem>> -> memref<128x128xf32, #tpu.memory_space<vmem>>
    tpu.enqueue_dma source(%dma_start3A_186 : memref<128x128xf32, #tpu.memory_space<vmem>>) target(%dma_start3A_182 : memref<128x128xf32, #tpu.memory_space<hbm>>) target_semaphore(%arg10 : memref<!tpu.dma_semaphore, #tpu.memory_space<semaphore_mem>>)
    %add3A_187 = arith.constant 64 : i32
    %add3A_188 = arith.addi %mul3A_2, %add3A_187 : i32
    %dma_start3A_189 = arith.constant 0 : i32
    %dma_start3A_190 = arith.constant 0 : i32
    %dma_start3A_191 = arith.constant 0 : i32
    %dma_start3A_192 = arith.constant 0 : i32
    %dma_start3A_193 = tpu.memref_slice %arg6[%dma_start3A_189, %dma_start3A_190, %dma_start3A_191, %dma_start3A_192] : memref<2x3x32x128xf32, #tpu.memory_space<vmem>> -> memref<1x1x32x128xf32, #tpu.memory_space<vmem>>
    %dma_start3A_194 = tpu.memref_squeeze %dma_start3A_193 : memref<1x1x32x128xf32, #tpu.memory_space<vmem>> -> memref<32x128xf32, #tpu.memory_space<vmem>>
    %dma_start3A_195 = arith.constant 0 : i32
    %dma_start3A_196 = tpu.memref_slice %arg2[%add3A_188, %dma_start3A_195] : memref<8192x128xf32, #tpu.memory_space<hbm>> -> memref<32x128xf32, #tpu.memory_space<hbm>>
    %dma_start3A_197 = arith.constant 0 : i32
    %dma_start3A_198 = arith.constant 0 : i32
    %dma_start3A_199 = tpu.memref_slice %arg6[%dma_start3A_189, %dma_start3A_190, %dma_start3A_197, %dma_start3A_198] : memref<2x3x32x128xf32, #tpu.memory_space<vmem>> -> memref<1x1x32x128xf32, #tpu.memory_space<vmem>>
    %dma_start3A_200 = tpu.memref_squeeze %dma_start3A_199 : memref<1x1x32x128xf32, #tpu.memory_space<vmem>> -> memref<32x128xf32, #tpu.memory_space<vmem>>
    %dma_start3A_201 = arith.constant 0 : i32
    %dma_start3A_202 = tpu.memref_slice %arg2[%add3A_188, %dma_start3A_201] : memref<8192x128xf32, #tpu.memory_space<hbm>> -> memref<32x128xf32, #tpu.memory_space<hbm>>
    tpu.enqueue_dma source(%dma_start3A_202 : memref<32x128xf32, #tpu.memory_space<hbm>>) target(%dma_start3A_200 : memref<32x128xf32, #tpu.memory_space<vmem>>) target_semaphore(%arg8 : memref<!tpu.dma_semaphore, #tpu.memory_space<semaphore_mem>>)
    %dma_start3A_203 = arith.constant 0 : i32
    %dma_start3A_204 = arith.constant 1 : i32
    %dma_start3A_205 = arith.constant 0 : i32
    %dma_start3A_206 = arith.constant 0 : i32
    %dma_start3A_207 = tpu.memref_slice %arg6[%dma_start3A_203, %dma_start3A_204, %dma_start3A_205, %dma_start3A_206] : memref<2x3x32x128xf32, #tpu.memory_space<vmem>> -> memref<1x1x32x128xf32, #tpu.memory_space<vmem>>
    %dma_start3A_208 = tpu.memref_squeeze %dma_start3A_207 : memref<1x1x32x128xf32, #tpu.memory_space<vmem>> -> memref<32x128xf32, #tpu.memory_space<vmem>>
    %dma_start3A_209 = arith.constant 0 : i32
    %dma_start3A_210 = tpu.memref_slice %arg3[%add3A_188, %dma_start3A_209] : memref<8192x128xf32, #tpu.memory_space<hbm>> -> memref<32x128xf32, #tpu.memory_space<hbm>>
    %dma_start3A_211 = arith.constant 0 : i32
    %dma_start3A_212 = arith.constant 0 : i32
    %dma_start3A_213 = tpu.memref_slice %arg6[%dma_start3A_203, %dma_start3A_204, %dma_start3A_211, %dma_start3A_212] : memref<2x3x32x128xf32, #tpu.memory_space<vmem>> -> memref<1x1x32x128xf32, #tpu.memory_space<vmem>>
    %dma_start3A_214 = tpu.memref_squeeze %dma_start3A_213 : memref<1x1x32x128xf32, #tpu.memory_space<vmem>> -> memref<32x128xf32, #tpu.memory_space<vmem>>
    %dma_start3A_215 = arith.constant 0 : i32
    %dma_start3A_216 = tpu.memref_slice %arg3[%add3A_188, %dma_start3A_215] : memref<8192x128xf32, #tpu.memory_space<hbm>> -> memref<32x128xf32, #tpu.memory_space<hbm>>
    tpu.enqueue_dma source(%dma_start3A_216 : memref<32x128xf32, #tpu.memory_space<hbm>>) target(%dma_start3A_214 : memref<32x128xf32, #tpu.memory_space<vmem>>) target_semaphore(%arg8 : memref<!tpu.dma_semaphore, #tpu.memory_space<semaphore_mem>>)
    %dma_start3A_217 = arith.constant 0 : i32
    %dma_start3A_218 = arith.constant 2 : i32
    %dma_start3A_219 = arith.constant 0 : i32
    %dma_start3A_220 = arith.constant 0 : i32
    %dma_start3A_221 = tpu.memref_slice %arg6[%dma_start3A_217, %dma_start3A_218, %dma_start3A_219, %dma_start3A_220] : memref<2x3x32x128xf32, #tpu.memory_space<vmem>> -> memref<1x1x32x128xf32, #tpu.memory_space<vmem>>
    %dma_start3A_222 = tpu.memref_squeeze %dma_start3A_221 : memref<1x1x32x128xf32, #tpu.memory_space<vmem>> -> memref<32x128xf32, #tpu.memory_space<vmem>>
    %dma_start3A_223 = arith.constant 0 : i32
    %dma_start3A_224 = tpu.memref_slice %arg4[%add3A_188, %dma_start3A_223] : memref<8192x128xf32, #tpu.memory_space<hbm>> -> memref<32x128xf32, #tpu.memory_space<hbm>>
    %dma_start3A_225 = arith.constant 0 : i32
    %dma_start3A_226 = arith.constant 0 : i32
    %dma_start3A_227 = tpu.memref_slice %arg6[%dma_start3A_217, %dma_start3A_218, %dma_start3A_225, %dma_start3A_226] : memref<2x3x32x128xf32, #tpu.memory_space<vmem>> -> memref<1x1x32x128xf32, #tpu.memory_space<vmem>>
    %dma_start3A_228 = tpu.memref_squeeze %dma_start3A_227 : memref<1x1x32x128xf32, #tpu.memory_space<vmem>> -> memref<32x128xf32, #tpu.memory_space<vmem>>
    %dma_start3A_229 = arith.constant 0 : i32
    %dma_start3A_230 = tpu.memref_slice %arg4[%add3A_188, %dma_start3A_229] : memref<8192x128xf32, #tpu.memory_space<hbm>> -> memref<32x128xf32, #tpu.memory_space<hbm>>
    tpu.enqueue_dma source(%dma_start3A_230 : memref<32x128xf32, #tpu.memory_space<hbm>>) target(%dma_start3A_228 : memref<32x128xf32, #tpu.memory_space<vmem>>) target_semaphore(%arg8 : memref<!tpu.dma_semaphore, #tpu.memory_space<semaphore_mem>>)
    %dma_wait3A_231 = arith.constant 1 : i32
    %dma_wait3A_232 = arith.constant 0 : i32
    %dma_wait3A_233 = arith.constant 0 : i32
    %dma_wait3A_234 = arith.constant 0 : i32
    %dma_wait3A_235 = tpu.memref_slice %arg6[%dma_wait3A_231, %dma_wait3A_232, %dma_wait3A_233, %dma_wait3A_234] : memref<2x3x32x128xf32, #tpu.memory_space<vmem>> -> memref<1x1x32x128xf32, #tpu.memory_space<vmem>>
    %dma_wait3A_236 = tpu.memref_squeeze %dma_wait3A_235 : memref<1x1x32x128xf32, #tpu.memory_space<vmem>> -> memref<32x128xf32, #tpu.memory_space<vmem>>
    %dma_wait3A_237 = arith.constant 0 : i32
    %dma_wait3A_238 = tpu.memref_slice %arg2[%add3A_48, %dma_wait3A_237] : memref<8192x128xf32, #tpu.memory_space<hbm>> -> memref<32x128xf32, #tpu.memory_space<hbm>>
    %dma_wait3A_239 = arith.constant 0 : i32
    %dma_wait3A_240 = arith.constant 0 : i32
    %dma_wait3A_241 = tpu.memref_slice %arg6[%dma_wait3A_231, %dma_wait3A_232, %dma_wait3A_239, %dma_wait3A_240] : memref<2x3x32x128xf32, #tpu.memory_space<vmem>> -> memref<1x1x32x128xf32, #tpu.memory_space<vmem>>
    %dma_wait3A_242 = tpu.memref_squeeze %dma_wait3A_241 : memref<1x1x32x128xf32, #tpu.memory_space<vmem>> -> memref<32x128xf32, #tpu.memory_space<vmem>>
    %dma_wait3A_243 = arith.constant 0 : i32
    %dma_wait3A_244 = tpu.memref_slice %arg2[%add3A_48, %dma_wait3A_243] : memref<8192x128xf32, #tpu.memory_space<hbm>> -> memref<32x128xf32, #tpu.memory_space<hbm>>
    tpu.wait_dma2 semaphore(%arg9 : memref<!tpu.dma_semaphore, #tpu.memory_space<semaphore_mem>>) src(%dma_wait3A_244 : memref<32x128xf32, #tpu.memory_space<hbm>>) dst(%dma_wait3A_242 : memref<32x128xf32, #tpu.memory_space<vmem>>)
    %dma_wait3A_245 = arith.constant 1 : i32
    %dma_wait3A_246 = arith.constant 1 : i32
    %dma_wait3A_247 = arith.constant 0 : i32
    %dma_wait3A_248 = arith.constant 0 : i32
    %dma_wait3A_249 = tpu.memref_slice %arg6[%dma_wait3A_245, %dma_wait3A_246, %dma_wait3A_247, %dma_wait3A_248] : memref<2x3x32x128xf32, #tpu.memory_space<vmem>> -> memref<1x1x32x128xf32, #tpu.memory_space<vmem>>
    %dma_wait3A_250 = tpu.memref_squeeze %dma_wait3A_249 : memref<1x1x32x128xf32, #tpu.memory_space<vmem>> -> memref<32x128xf32, #tpu.memory_space<vmem>>
    %dma_wait3A_251 = arith.constant 0 : i32
    %dma_wait3A_252 = tpu.memref_slice %arg3[%add3A_48, %dma_wait3A_251] : memref<8192x128xf32, #tpu.memory_space<hbm>> -> memref<32x128xf32, #tpu.memory_space<hbm>>
    %dma_wait3A_253 = arith.constant 0 : i32
    %dma_wait3A_254 = arith.constant 0 : i32
    %dma_wait3A_255 = tpu.memref_slice %arg6[%dma_wait3A_245, %dma_wait3A_246, %dma_wait3A_253, %dma_wait3A_254] : memref<2x3x32x128xf32, #tpu.memory_space<vmem>> -> memref<1x1x32x128xf32, #tpu.memory_space<vmem>>
    %dma_wait3A_256 = tpu.memref_squeeze %dma_wait3A_255 : memref<1x1x32x128xf32, #tpu.memory_space<vmem>> -> memref<32x128xf32, #tpu.memory_space<vmem>>
    %dma_wait3A_257 = arith.constant 0 : i32
    %dma_wait3A_258 = tpu.memref_slice %arg3[%add3A_48, %dma_wait3A_257] : memref<8192x128xf32, #tpu.memory_space<hbm>> -> memref<32x128xf32, #tpu.memory_space<hbm>>
    tpu.wait_dma2 semaphore(%arg9 : memref<!tpu.dma_semaphore, #tpu.memory_space<semaphore_mem>>) src(%dma_wait3A_258 : memref<32x128xf32, #tpu.memory_space<hbm>>) dst(%dma_wait3A_256 : memref<32x128xf32, #tpu.memory_space<vmem>>)
    %dma_wait3A_259 = arith.constant 1 : i32
    %dma_wait3A_260 = arith.constant 2 : i32
    %dma_wait3A_261 = arith.constant 0 : i32
    %dma_wait3A_262 = arith.constant 0 : i32
    %dma_wait3A_263 = tpu.memref_slice %arg6[%dma_wait3A_259, %dma_wait3A_260, %dma_wait3A_261, %dma_wait3A_262] : memref<2x3x32x128xf32, #tpu.memory_space<vmem>> -> memref<1x1x32x128xf32, #tpu.memory_space<vmem>>
    %dma_wait3A_264 = tpu.memref_squeeze %dma_wait3A_263 : memref<1x1x32x128xf32, #tpu.memory_space<vmem>> -> memref<32x128xf32, #tpu.memory_space<vmem>>
    %dma_wait3A_265 = arith.constant 0 : i32
    %dma_wait3A_266 = tpu.memref_slice %arg4[%add3A_48, %dma_wait3A_265] : memref<8192x128xf32, #tpu.memory_space<hbm>> -> memref<32x128xf32, #tpu.memory_space<hbm>>
    %dma_wait3A_267 = arith.constant 0 : i32
    %dma_wait3A_268 = arith.constant 0 : i32
    %dma_wait3A_269 = tpu.memref_slice %arg6[%dma_wait3A_259, %dma_wait3A_260, %dma_wait3A_267, %dma_wait3A_268] : memref<2x3x32x128xf32, #tpu.memory_space<vmem>> -> memref<1x1x32x128xf32, #tpu.memory_space<vmem>>
    %dma_wait3A_270 = tpu.memref_squeeze %dma_wait3A_269 : memref<1x1x32x128xf32, #tpu.memory_space<vmem>> -> memref<32x128xf32, #tpu.memory_space<vmem>>
    %dma_wait3A_271 = arith.constant 0 : i32
    %dma_wait3A_272 = tpu.memref_slice %arg4[%add3A_48, %dma_wait3A_271] : memref<8192x128xf32, #tpu.memory_space<hbm>> -> memref<32x128xf32, #tpu.memory_space<hbm>>
    tpu.wait_dma2 semaphore(%arg9 : memref<!tpu.dma_semaphore, #tpu.memory_space<semaphore_mem>>) src(%dma_wait3A_272 : memref<32x128xf32, #tpu.memory_space<hbm>>) dst(%dma_wait3A_270 : memref<32x128xf32, #tpu.memory_space<vmem>>)
    %add3A_273 = arith.constant 32 : i32
    %add3A_274 = arith.addi %mul3A_2, %add3A_273 : i32
    %mul3A_275 = arith.constant 4 : i32
    %mul3A_276 = arith.muli %add3A_274, %mul3A_275 : i32
    %dma_start3A_277 = arith.constant 1 : i32
    %dma_start3A_278 = arith.constant 0 : i32
    %dma_start3A_279 = arith.constant 0 : i32
    %dma_start3A_280 = arith.constant 0 : i32
    %dma_start3A_281 = arith.constant 0 : i32
    %dma_start3A_282 = tpu.memref_slice %arg7[%dma_start3A_277, %dma_start3A_278, %dma_start3A_280, %dma_start3A_281] : memref<2x3x128x128xf32, #tpu.memory_space<vmem>> -> memref<1x1x128x128xf32, #tpu.memory_space<vmem>>
    %dma_start3A_283 = tpu.memref_squeeze %dma_start3A_282 : memref<1x1x128x128xf32, #tpu.memory_space<vmem>> -> memref<128x128xf32, #tpu.memory_space<vmem>>
    %dma_start3A_284 = arith.constant 0 : i32
    %dma_start3A_285 = tpu.memref_slice %arg5[%dma_start3A_279, %mul3A_276, %dma_start3A_284] : memref<3x32768x128xf32, #tpu.memory_space<hbm>> -> memref<1x128x128xf32, #tpu.memory_space<hbm>>
    %dma_start3A_286 = tpu.memref_squeeze %dma_start3A_285 : memref<1x128x128xf32, #tpu.memory_space<hbm>> -> memref<128x128xf32, #tpu.memory_space<hbm>>
    %dma_start3A_287 = arith.constant 0 : i32
    %dma_start3A_288 = tpu.memref_slice %arg5[%dma_start3A_279, %mul3A_276, %dma_start3A_287] : memref<3x32768x128xf32, #tpu.memory_space<hbm>> -> memref<1x128x128xf32, #tpu.memory_space<hbm>>
    %dma_start3A_289 = tpu.memref_squeeze %dma_start3A_288 : memref<1x128x128xf32, #tpu.memory_space<hbm>> -> memref<128x128xf32, #tpu.memory_space<hbm>>
    %dma_start3A_290 = arith.constant 0 : i32
    %dma_start3A_291 = arith.constant 0 : i32
    %dma_start3A_292 = tpu.memref_slice %arg7[%dma_start3A_277, %dma_start3A_278, %dma_start3A_290, %dma_start3A_291] : memref<2x3x128x128xf32, #tpu.memory_space<vmem>> -> memref<1x1x128x128xf32, #tpu.memory_space<vmem>>
    %dma_start3A_293 = tpu.memref_squeeze %dma_start3A_292 : memref<1x1x128x128xf32, #tpu.memory_space<vmem>> -> memref<128x128xf32, #tpu.memory_space<vmem>>
    tpu.enqueue_dma source(%dma_start3A_293 : memref<128x128xf32, #tpu.memory_space<vmem>>) target(%dma_start3A_289 : memref<128x128xf32, #tpu.memory_space<hbm>>) target_semaphore(%arg11 : memref<!tpu.dma_semaphore, #tpu.memory_space<semaphore_mem>>)
    %dma_start3A_294 = arith.constant 1 : i32
    %dma_start3A_295 = arith.constant 1 : i32
    %dma_start3A_296 = arith.constant 1 : i32
    %dma_start3A_297 = arith.constant 0 : i32
    %dma_start3A_298 = arith.constant 0 : i32
    %dma_start3A_299 = tpu.memref_slice %arg7[%dma_start3A_294, %dma_start3A_295, %dma_start3A_297, %dma_start3A_298] : memref<2x3x128x128xf32, #tpu.memory_space<vmem>> -> memref<1x1x128x128xf32, #tpu.memory_space<vmem>>
    %dma_start3A_300 = tpu.memref_squeeze %dma_start3A_299 : memref<1x1x128x128xf32, #tpu.memory_space<vmem>> -> memref<128x128xf32, #tpu.memory_space<vmem>>
    %dma_start3A_301 = arith.constant 0 : i32
    %dma_start3A_302 = tpu.memref_slice %arg5[%dma_start3A_296, %mul3A_276, %dma_start3A_301] : memref<3x32768x128xf32, #tpu.memory_space<hbm>> -> memref<1x128x128xf32, #tpu.memory_space<hbm>>
    %dma_start3A_303 = tpu.memref_squeeze %dma_start3A_302 : memref<1x128x128xf32, #tpu.memory_space<hbm>> -> memref<128x128xf32, #tpu.memory_space<hbm>>
    %dma_start3A_304 = arith.constant 0 : i32
    %dma_start3A_305 = tpu.memref_slice %arg5[%dma_start3A_296, %mul3A_276, %dma_start3A_304] : memref<3x32768x128xf32, #tpu.memory_space<hbm>> -> memref<1x128x128xf32, #tpu.memory_space<hbm>>
    %dma_start3A_306 = tpu.memref_squeeze %dma_start3A_305 : memref<1x128x128xf32, #tpu.memory_space<hbm>> -> memref<128x128xf32, #tpu.memory_space<hbm>>
    %dma_start3A_307 = arith.constant 0 : i32
    %dma_start3A_308 = arith.constant 0 : i32
    %dma_start3A_309 = tpu.memref_slice %arg7[%dma_start3A_294, %dma_start3A_295, %dma_start3A_307, %dma_start3A_308] : memref<2x3x128x128xf32, #tpu.memory_space<vmem>> -> memref<1x1x128x128xf32, #tpu.memory_space<vmem>>
    %dma_start3A_310 = tpu.memref_squeeze %dma_start3A_309 : memref<1x1x128x128xf32, #tpu.memory_space<vmem>> -> memref<128x128xf32, #tpu.memory_space<vmem>>
    tpu.enqueue_dma source(%dma_start3A_310 : memref<128x128xf32, #tpu.memory_space<vmem>>) target(%dma_start3A_306 : memref<128x128xf32, #tpu.memory_space<hbm>>) target_semaphore(%arg11 : memref<!tpu.dma_semaphore, #tpu.memory_space<semaphore_mem>>)
    %dma_start3A_311 = arith.constant 1 : i32
    %dma_start3A_312 = arith.constant 2 : i32
    %dma_start3A_313 = arith.constant 2 : i32
    %dma_start3A_314 = arith.constant 0 : i32
    %dma_start3A_315 = arith.constant 0 : i32
    %dma_start3A_316 = tpu.memref_slice %arg7[%dma_start3A_311, %dma_start3A_312, %dma_start3A_314, %dma_start3A_315] : memref<2x3x128x128xf32, #tpu.memory_space<vmem>> -> memref<1x1x128x128xf32, #tpu.memory_space<vmem>>
    %dma_start3A_317 = tpu.memref_squeeze %dma_start3A_316 : memref<1x1x128x128xf32, #tpu.memory_space<vmem>> -> memref<128x128xf32, #tpu.memory_space<vmem>>
    %dma_start3A_318 = arith.constant 0 : i32
    %dma_start3A_319 = tpu.memref_slice %arg5[%dma_start3A_313, %mul3A_276, %dma_start3A_318] : memref<3x32768x128xf32, #tpu.memory_space<hbm>> -> memref<1x128x128xf32, #tpu.memory_space<hbm>>
    %dma_start3A_320 = tpu.memref_squeeze %dma_start3A_319 : memref<1x128x128xf32, #tpu.memory_space<hbm>> -> memref<128x128xf32, #tpu.memory_space<hbm>>
    %dma_start3A_321 = arith.constant 0 : i32
    %dma_start3A_322 = tpu.memref_slice %arg5[%dma_start3A_313, %mul3A_276, %dma_start3A_321] : memref<3x32768x128xf32, #tpu.memory_space<hbm>> -> memref<1x128x128xf32, #tpu.memory_space<hbm>>
    %dma_start3A_323 = tpu.memref_squeeze %dma_start3A_322 : memref<1x128x128xf32, #tpu.memory_space<hbm>> -> memref<128x128xf32, #tpu.memory_space<hbm>>
    %dma_start3A_324 = arith.constant 0 : i32
    %dma_start3A_325 = arith.constant 0 : i32
    %dma_start3A_326 = tpu.memref_slice %arg7[%dma_start3A_311, %dma_start3A_312, %dma_start3A_324, %dma_start3A_325] : memref<2x3x128x128xf32, #tpu.memory_space<vmem>> -> memref<1x1x128x128xf32, #tpu.memory_space<vmem>>
    %dma_start3A_327 = tpu.memref_squeeze %dma_start3A_326 : memref<1x1x128x128xf32, #tpu.memory_space<vmem>> -> memref<128x128xf32, #tpu.memory_space<vmem>>
    tpu.enqueue_dma source(%dma_start3A_327 : memref<128x128xf32, #tpu.memory_space<vmem>>) target(%dma_start3A_323 : memref<128x128xf32, #tpu.memory_space<hbm>>) target_semaphore(%arg11 : memref<!tpu.dma_semaphore, #tpu.memory_space<semaphore_mem>>)
    %add3A_328 = arith.constant 96 : i32
    %add3A_329 = arith.addi %mul3A_2, %add3A_328 : i32
    %dma_start3A_330 = arith.constant 1 : i32
    %dma_start3A_331 = arith.constant 0 : i32
    %dma_start3A_332 = arith.constant 0 : i32
    %dma_start3A_333 = arith.constant 0 : i32
    %dma_start3A_334 = tpu.memref_slice %arg6[%dma_start3A_330, %dma_start3A_331, %dma_start3A_332, %dma_start3A_333] : memref<2x3x32x128xf32, #tpu.memory_space<vmem>> -> memref<1x1x32x128xf32, #tpu.memory_space<vmem>>
    %dma_start3A_335 = tpu.memref_squeeze %dma_start3A_334 : memref<1x1x32x128xf32, #tpu.memory_space<vmem>> -> memref<32x128xf32, #tpu.memory_space<vmem>>
    %dma_start3A_336 = arith.constant 0 : i32
    %dma_start3A_337 = tpu.memref_slice %arg2[%add3A_329, %dma_start3A_336] : memref<8192x128xf32, #tpu.memory_space<hbm>> -> memref<32x128xf32, #tpu.memory_space<hbm>>
    %dma_start3A_338 = arith.constant 0 : i32
    %dma_start3A_339 = arith.constant 0 : i32
    %dma_start3A_340 = tpu.memref_slice %arg6[%dma_start3A_330, %dma_start3A_331, %dma_start3A_338, %dma_start3A_339] : memref<2x3x32x128xf32, #tpu.memory_space<vmem>> -> memref<1x1x32x128xf32, #tpu.memory_space<vmem>>
    %dma_start3A_341 = tpu.memref_squeeze %dma_start3A_340 : memref<1x1x32x128xf32, #tpu.memory_space<vmem>> -> memref<32x128xf32, #tpu.memory_space<vmem>>
    %dma_start3A_342 = arith.constant 0 : i32
    %dma_start3A_343 = tpu.memref_slice %arg2[%add3A_329, %dma_start3A_342] : memref<8192x128xf32, #tpu.memory_space<hbm>> -> memref<32x128xf32, #tpu.memory_space<hbm>>
    tpu.enqueue_dma source(%dma_start3A_343 : memref<32x128xf32, #tpu.memory_space<hbm>>) target(%dma_start3A_341 : memref<32x128xf32, #tpu.memory_space<vmem>>) target_semaphore(%arg9 : memref<!tpu.dma_semaphore, #tpu.memory_space<semaphore_mem>>)
    %dma_start3A_344 = arith.constant 1 : i32
    %dma_start3A_345 = arith.constant 1 : i32
    %dma_start3A_346 = arith.constant 0 : i32
    %dma_start3A_347 = arith.constant 0 : i32
    %dma_start3A_348 = tpu.memref_slice %arg6[%dma_start3A_344, %dma_start3A_345, %dma_start3A_346, %dma_start3A_347] : memref<2x3x32x128xf32, #tpu.memory_space<vmem>> -> memref<1x1x32x128xf32, #tpu.memory_space<vmem>>
    %dma_start3A_349 = tpu.memref_squeeze %dma_start3A_348 : memref<1x1x32x128xf32, #tpu.memory_space<vmem>> -> memref<32x128xf32, #tpu.memory_space<vmem>>
    %dma_start3A_350 = arith.constant 0 : i32
    %dma_start3A_351 = tpu.memref_slice %arg3[%add3A_329, %dma_start3A_350] : memref<8192x128xf32, #tpu.memory_space<hbm>> -> memref<32x128xf32, #tpu.memory_space<hbm>>
    %dma_start3A_352 = arith.constant 0 : i32
    %dma_start3A_353 = arith.constant 0 : i32
    %dma_start3A_354 = tpu.memref_slice %arg6[%dma_start3A_344, %dma_start3A_345, %dma_start3A_352, %dma_start3A_353] : memref<2x3x32x128xf32, #tpu.memory_space<vmem>> -> memref<1x1x32x128xf32, #tpu.memory_space<vmem>>
    %dma_start3A_355 = tpu.memref_squeeze %dma_start3A_354 : memref<1x1x32x128xf32, #tpu.memory_space<vmem>> -> memref<32x128xf32, #tpu.memory_space<vmem>>
    %dma_start3A_356 = arith.constant 0 : i32
    %dma_start3A_357 = tpu.memref_slice %arg3[%add3A_329, %dma_start3A_356] : memref<8192x128xf32, #tpu.memory_space<hbm>> -> memref<32x128xf32, #tpu.memory_space<hbm>>
    tpu.enqueue_dma source(%dma_start3A_357 : memref<32x128xf32, #tpu.memory_space<hbm>>) target(%dma_start3A_355 : memref<32x128xf32, #tpu.memory_space<vmem>>) target_semaphore(%arg9 : memref<!tpu.dma_semaphore, #tpu.memory_space<semaphore_mem>>)
    %dma_start3A_358 = arith.constant 1 : i32
    %dma_start3A_359 = arith.constant 2 : i32
    %dma_start3A_360 = arith.constant 0 : i32
    %dma_start3A_361 = arith.constant 0 : i32
    %dma_start3A_362 = tpu.memref_slice %arg6[%dma_start3A_358, %dma_start3A_359, %dma_start3A_360, %dma_start3A_361] : memref<2x3x32x128xf32, #tpu.memory_space<vmem>> -> memref<1x1x32x128xf32, #tpu.memory_space<vmem>>
    %dma_start3A_363 = tpu.memref_squeeze %dma_start3A_362 : memref<1x1x32x128xf32, #tpu.memory_space<vmem>> -> memref<32x128xf32, #tpu.memory_space<vmem>>
    %dma_start3A_364 = arith.constant 0 : i32
    %dma_start3A_365 = tpu.memref_slice %arg4[%add3A_329, %dma_start3A_364] : memref<8192x128xf32, #tpu.memory_space<hbm>> -> memref<32x128xf32, #tpu.memory_space<hbm>>
    %dma_start3A_366 = arith.constant 0 : i32
    %dma_start3A_367 = arith.constant 0 : i32
    %dma_start3A_368 = tpu.memref_slice %arg6[%dma_start3A_358, %dma_start3A_359, %dma_start3A_366, %dma_start3A_367] : memref<2x3x32x128xf32, #tpu.memory_space<vmem>> -> memref<1x1x32x128xf32, #tpu.memory_space<vmem>>
    %dma_start3A_369 = tpu.memref_squeeze %dma_start3A_368 : memref<1x1x32x128xf32, #tpu.memory_space<vmem>> -> memref<32x128xf32, #tpu.memory_space<vmem>>
    %dma_start3A_370 = arith.constant 0 : i32
    %dma_start3A_371 = tpu.memref_slice %arg4[%add3A_329, %dma_start3A_370] : memref<8192x128xf32, #tpu.memory_space<hbm>> -> memref<32x128xf32, #tpu.memory_space<hbm>>
    tpu.enqueue_dma source(%dma_start3A_371 : memref<32x128xf32, #tpu.memory_space<hbm>>) target(%dma_start3A_369 : memref<32x128xf32, #tpu.memory_space<vmem>>) target_semaphore(%arg9 : memref<!tpu.dma_semaphore, #tpu.memory_space<semaphore_mem>>)
    %dma_wait3A_372 = arith.constant 0 : i32
    %dma_wait3A_373 = arith.constant 0 : i32
    %dma_wait3A_374 = arith.constant 0 : i32
    %dma_wait3A_375 = arith.constant 0 : i32
    %dma_wait3A_376 = tpu.memref_slice %arg6[%dma_wait3A_372, %dma_wait3A_373, %dma_wait3A_374, %dma_wait3A_375] : memref<2x3x32x128xf32, #tpu.memory_space<vmem>> -> memref<1x1x32x128xf32, #tpu.memory_space<vmem>>
    %dma_wait3A_377 = tpu.memref_squeeze %dma_wait3A_376 : memref<1x1x32x128xf32, #tpu.memory_space<vmem>> -> memref<32x128xf32, #tpu.memory_space<vmem>>
    %dma_wait3A_378 = arith.constant 0 : i32
    %dma_wait3A_379 = tpu.memref_slice %arg2[%add3A_188, %dma_wait3A_378] : memref<8192x128xf32, #tpu.memory_space<hbm>> -> memref<32x128xf32, #tpu.memory_space<hbm>>
    %dma_wait3A_380 = arith.constant 0 : i32
    %dma_wait3A_381 = arith.constant 0 : i32
    %dma_wait3A_382 = tpu.memref_slice %arg6[%dma_wait3A_372, %dma_wait3A_373, %dma_wait3A_380, %dma_wait3A_381] : memref<2x3x32x128xf32, #tpu.memory_space<vmem>> -> memref<1x1x32x128xf32, #tpu.memory_space<vmem>>
    %dma_wait3A_383 = tpu.memref_squeeze %dma_wait3A_382 : memref<1x1x32x128xf32, #tpu.memory_space<vmem>> -> memref<32x128xf32, #tpu.memory_space<vmem>>
    %dma_wait3A_384 = arith.constant 0 : i32
    %dma_wait3A_385 = tpu.memref_slice %arg2[%add3A_188, %dma_wait3A_384] : memref<8192x128xf32, #tpu.memory_space<hbm>> -> memref<32x128xf32, #tpu.memory_space<hbm>>
    tpu.wait_dma2 semaphore(%arg8 : memref<!tpu.dma_semaphore, #tpu.memory_space<semaphore_mem>>) src(%dma_wait3A_385 : memref<32x128xf32, #tpu.memory_space<hbm>>) dst(%dma_wait3A_383 : memref<32x128xf32, #tpu.memory_space<vmem>>)
    %dma_wait3A_386 = arith.constant 0 : i32
    %dma_wait3A_387 = arith.constant 1 : i32
    %dma_wait3A_388 = arith.constant 0 : i32
    %dma_wait3A_389 = arith.constant 0 : i32
    %dma_wait3A_390 = tpu.memref_slice %arg6[%dma_wait3A_386, %dma_wait3A_387, %dma_wait3A_388, %dma_wait3A_389] : memref<2x3x32x128xf32, #tpu.memory_space<vmem>> -> memref<1x1x32x128xf32, #tpu.memory_space<vmem>>
    %dma_wait3A_391 = tpu.memref_squeeze %dma_wait3A_390 : memref<1x1x32x128xf32, #tpu.memory_space<vmem>> -> memref<32x128xf32, #tpu.memory_space<vmem>>
    %dma_wait3A_392 = arith.constant 0 : i32
    %dma_wait3A_393 = tpu.memref_slice %arg3[%add3A_188, %dma_wait3A_392] : memref<8192x128xf32, #tpu.memory_space<hbm>> -> memref<32x128xf32, #tpu.memory_space<hbm>>
    %dma_wait3A_394 = arith.constant 0 : i32
    %dma_wait3A_395 = arith.constant 0 : i32
    %dma_wait3A_396 = tpu.memref_slice %arg6[%dma_wait3A_386, %dma_wait3A_387, %dma_wait3A_394, %dma_wait3A_395] : memref<2x3x32x128xf32, #tpu.memory_space<vmem>> -> memref<1x1x32x128xf32, #tpu.memory_space<vmem>>
    %dma_wait3A_397 = tpu.memref_squeeze %dma_wait3A_396 : memref<1x1x32x128xf32, #tpu.memory_space<vmem>> -> memref<32x128xf32, #tpu.memory_space<vmem>>
    %dma_wait3A_398 = arith.constant 0 : i32
    %dma_wait3A_399 = tpu.memref_slice %arg3[%add3A_188, %dma_wait3A_398] : memref<8192x128xf32, #tpu.memory_space<hbm>> -> memref<32x128xf32, #tpu.memory_space<hbm>>
    tpu.wait_dma2 semaphore(%arg8 : memref<!tpu.dma_semaphore, #tpu.memory_space<semaphore_mem>>) src(%dma_wait3A_399 : memref<32x128xf32, #tpu.memory_space<hbm>>) dst(%dma_wait3A_397 : memref<32x128xf32, #tpu.memory_space<vmem>>)
    %dma_wait3A_400 = arith.constant 0 : i32
    %dma_wait3A_401 = arith.constant 2 : i32
    %dma_wait3A_402 = arith.constant 0 : i32
    %dma_wait3A_403 = arith.constant 0 : i32
    %dma_wait3A_404 = tpu.memref_slice %arg6[%dma_wait3A_400, %dma_wait3A_401, %dma_wait3A_402, %dma_wait3A_403] : memref<2x3x32x128xf32, #tpu.memory_space<vmem>> -> memref<1x1x32x128xf32, #tpu.memory_space<vmem>>
    %dma_wait3A_405 = tpu.memref_squeeze %dma_wait3A_404 : memref<1x1x32x128xf32, #tpu.memory_space<vmem>> -> memref<32x128xf32, #tpu.memory_space<vmem>>
    %dma_wait3A_406 = arith.constant 0 : i32
    %dma_wait3A_407 = tpu.memref_slice %arg4[%add3A_188, %dma_wait3A_406] : memref<8192x128xf32, #tpu.memory_space<hbm>> -> memref<32x128xf32, #tpu.memory_space<hbm>>
    %dma_wait3A_408 = arith.constant 0 : i32
    %dma_wait3A_409 = arith.constant 0 : i32
    %dma_wait3A_410 = tpu.memref_slice %arg6[%dma_wait3A_400, %dma_wait3A_401, %dma_wait3A_408, %dma_wait3A_409] : memref<2x3x32x128xf32, #tpu.memory_space<vmem>> -> memref<1x1x32x128xf32, #tpu.memory_space<vmem>>
    %dma_wait3A_411 = tpu.memref_squeeze %dma_wait3A_410 : memref<1x1x32x128xf32, #tpu.memory_space<vmem>> -> memref<32x128xf32, #tpu.memory_space<vmem>>
    %dma_wait3A_412 = arith.constant 0 : i32
    %dma_wait3A_413 = tpu.memref_slice %arg4[%add3A_188, %dma_wait3A_412] : memref<8192x128xf32, #tpu.memory_space<hbm>> -> memref<32x128xf32, #tpu.memory_space<hbm>>
    tpu.wait_dma2 semaphore(%arg8 : memref<!tpu.dma_semaphore, #tpu.memory_space<semaphore_mem>>) src(%dma_wait3A_413 : memref<32x128xf32, #tpu.memory_space<hbm>>) dst(%dma_wait3A_411 : memref<32x128xf32, #tpu.memory_space<vmem>>)
    %dma_wait3A_414 = arith.constant 0 : i32
    %dma_wait3A_415 = arith.constant 0 : i32
    %dma_wait3A_416 = arith.constant 0 : i32
    %dma_wait3A_417 = arith.constant 0 : i32
    %dma_wait3A_418 = arith.constant 0 : i32
    %dma_wait3A_419 = tpu.memref_slice %arg7[%dma_wait3A_414, %dma_wait3A_415, %dma_wait3A_417, %dma_wait3A_418] : memref<2x3x128x128xf32, #tpu.memory_space<vmem>> -> memref<1x1x128x128xf32, #tpu.memory_space<vmem>>
    %dma_wait3A_420 = tpu.memref_squeeze %dma_wait3A_419 : memref<1x1x128x128xf32, #tpu.memory_space<vmem>> -> memref<128x128xf32, #tpu.memory_space<vmem>>
    %dma_wait3A_421 = arith.constant 0 : i32
    %dma_wait3A_422 = tpu.memref_slice %arg5[%dma_wait3A_416, %mul3A_135, %dma_wait3A_421] : memref<3x32768x128xf32, #tpu.memory_space<hbm>> -> memref<1x128x128xf32, #tpu.memory_space<hbm>>
    %dma_wait3A_423 = tpu.memref_squeeze %dma_wait3A_422 : memref<1x128x128xf32, #tpu.memory_space<hbm>> -> memref<128x128xf32, #tpu.memory_space<hbm>>
    %dma_wait3A_424 = arith.constant 0 : i32
    %dma_wait3A_425 = tpu.memref_slice %arg5[%dma_wait3A_416, %mul3A_135, %dma_wait3A_424] : memref<3x32768x128xf32, #tpu.memory_space<hbm>> -> memref<1x128x128xf32, #tpu.memory_space<hbm>>
    %dma_wait3A_426 = tpu.memref_squeeze %dma_wait3A_425 : memref<1x128x128xf32, #tpu.memory_space<hbm>> -> memref<128x128xf32, #tpu.memory_space<hbm>>
    %dma_wait3A_427 = arith.constant 0 : i32
    %dma_wait3A_428 = arith.constant 0 : i32
    %dma_wait3A_429 = tpu.memref_slice %arg7[%dma_wait3A_414, %dma_wait3A_415, %dma_wait3A_427, %dma_wait3A_428] : memref<2x3x128x128xf32, #tpu.memory_space<vmem>> -> memref<1x1x128x128xf32, #tpu.memory_space<vmem>>
    %dma_wait3A_430 = tpu.memref_squeeze %dma_wait3A_429 : memref<1x1x128x128xf32, #tpu.memory_space<vmem>> -> memref<128x128xf32, #tpu.memory_space<vmem>>
    tpu.wait_dma2 semaphore(%arg10 : memref<!tpu.dma_semaphore, #tpu.memory_space<semaphore_mem>>) src(%dma_wait3A_430 : memref<128x128xf32, #tpu.memory_space<vmem>>) dst(%dma_wait3A_426 : memref<128x128xf32, #tpu.memory_space<hbm>>)
    %dma_wait3A_431 = arith.constant 0 : i32
    %dma_wait3A_432 = arith.constant 1 : i32
    %dma_wait3A_433 = arith.constant 1 : i32
    %dma_wait3A_434 = arith.constant 0 : i32
    %dma_wait3A_435 = arith.constant 0 : i32
    %dma_wait3A_436 = tpu.memref_slice %arg7[%dma_wait3A_431, %dma_wait3A_432, %dma_wait3A_434, %dma_wait3A_435] : memref<2x3x128x128xf32, #tpu.memory_space<vmem>> -> memref<1x1x128x128xf32, #tpu.memory_space<vmem>>
    %dma_wait3A_437 = tpu.memref_squeeze %dma_wait3A_436 : memref<1x1x128x128xf32, #tpu.memory_space<vmem>> -> memref<128x128xf32, #tpu.memory_space<vmem>>
    %dma_wait3A_438 = arith.constant 0 : i32
    %dma_wait3A_439 = tpu.memref_slice %arg5[%dma_wait3A_433, %mul3A_135, %dma_wait3A_438] : memref<3x32768x128xf32, #tpu.memory_space<hbm>> -> memref<1x128x128xf32, #tpu.memory_space<hbm>>
    %dma_wait3A_440 = tpu.memref_squeeze %dma_wait3A_439 : memref<1x128x128xf32, #tpu.memory_space<hbm>> -> memref<128x128xf32, #tpu.memory_space<hbm>>
    %dma_wait3A_441 = arith.constant 0 : i32
    %dma_wait3A_442 = tpu.memref_slice %arg5[%dma_wait3A_433, %mul3A_135, %dma_wait3A_441] : memref<3x32768x128xf32, #tpu.memory_space<hbm>> -> memref<1x128x128xf32, #tpu.memory_space<hbm>>
    %dma_wait3A_443 = tpu.memref_squeeze %dma_wait3A_442 : memref<1x128x128xf32, #tpu.memory_space<hbm>> -> memref<128x128xf32, #tpu.memory_space<hbm>>
    %dma_wait3A_444 = arith.constant 0 : i32
    %dma_wait3A_445 = arith.constant 0 : i32
    %dma_wait3A_446 = tpu.memref_slice %arg7[%dma_wait3A_431, %dma_wait3A_432, %dma_wait3A_444, %dma_wait3A_445] : memref<2x3x128x128xf32, #tpu.memory_space<vmem>> -> memref<1x1x128x128xf32, #tpu.memory_space<vmem>>
    %dma_wait3A_447 = tpu.memref_squeeze %dma_wait3A_446 : memref<1x1x128x128xf32, #tpu.memory_space<vmem>> -> memref<128x128xf32, #tpu.memory_space<vmem>>
    tpu.wait_dma2 semaphore(%arg10 : memref<!tpu.dma_semaphore, #tpu.memory_space<semaphore_mem>>) src(%dma_wait3A_447 : memref<128x128xf32, #tpu.memory_space<vmem>>) dst(%dma_wait3A_443 : memref<128x128xf32, #tpu.memory_space<hbm>>)
    %dma_wait3A_448 = arith.constant 0 : i32
    %dma_wait3A_449 = arith.constant 2 : i32
    %dma_wait3A_450 = arith.constant 2 : i32
    %dma_wait3A_451 = arith.constant 0 : i32
    %dma_wait3A_452 = arith.constant 0 : i32
    %dma_wait3A_453 = tpu.memref_slice %arg7[%dma_wait3A_448, %dma_wait3A_449, %dma_wait3A_451, %dma_wait3A_452] : memref<2x3x128x128xf32, #tpu.memory_space<vmem>> -> memref<1x1x128x128xf32, #tpu.memory_space<vmem>>
    %dma_wait3A_454 = tpu.memref_squeeze %dma_wait3A_453 : memref<1x1x128x128xf32, #tpu.memory_space<vmem>> -> memref<128x128xf32, #tpu.memory_space<vmem>>
    %dma_wait3A_455 = arith.constant 0 : i32
    %dma_wait3A_456 = tpu.memref_slice %arg5[%dma_wait3A_450, %mul3A_135, %dma_wait3A_455] : memref<3x32768x128xf32, #tpu.memory_space<hbm>> -> memref<1x128x128xf32, #tpu.memory_space<hbm>>
    %dma_wait3A_457 = tpu.memref_squeeze %dma_wait3A_456 : memref<1x128x128xf32, #tpu.memory_space<hbm>> -> memref<128x128xf32, #tpu.memory_space<hbm>>
    %dma_wait3A_458 = arith.constant 0 : i32
    %dma_wait3A_459 = tpu.memref_slice %arg5[%dma_wait3A_450, %mul3A_135, %dma_wait3A_458] : memref<3x32768x128xf32, #tpu.memory_space<hbm>> -> memref<1x128x128xf32, #tpu.memory_space<hbm>>
    %dma_wait3A_460 = tpu.memref_squeeze %dma_wait3A_459 : memref<1x128x128xf32, #tpu.memory_space<hbm>> -> memref<128x128xf32, #tpu.memory_space<hbm>>
    %dma_wait3A_461 = arith.constant 0 : i32
    %dma_wait3A_462 = arith.constant 0 : i32
    %dma_wait3A_463 = tpu.memref_slice %arg7[%dma_wait3A_448, %dma_wait3A_449, %dma_wait3A_461, %dma_wait3A_462] : memref<2x3x128x128xf32, #tpu.memory_space<vmem>> -> memref<1x1x128x128xf32, #tpu.memory_space<vmem>>
    %dma_wait3A_464 = tpu.memref_squeeze %dma_wait3A_463 : memref<1x1x128x128xf32, #tpu.memory_space<vmem>> -> memref<128x128xf32, #tpu.memory_space<vmem>>
    tpu.wait_dma2 semaphore(%arg10 : memref<!tpu.dma_semaphore, #tpu.memory_space<semaphore_mem>>) src(%dma_wait3A_464 : memref<128x128xf32, #tpu.memory_space<vmem>>) dst(%dma_wait3A_460 : memref<128x128xf32, #tpu.memory_space<hbm>>)
    %add3A_465 = arith.constant 64 : i32
    %add3A_466 = arith.addi %mul3A_2, %add3A_465 : i32
    %mul3A_467 = arith.constant 4 : i32
    %mul3A_468 = arith.muli %add3A_466, %mul3A_467 : i32
    %dma_start3A_469 = arith.constant 0 : i32
    %dma_start3A_470 = arith.constant 0 : i32
    %dma_start3A_471 = arith.constant 0 : i32
    %dma_start3A_472 = arith.constant 0 : i32
    %dma_start3A_473 = arith.constant 0 : i32
    %dma_start3A_474 = tpu.memref_slice %arg7[%dma_start3A_469, %dma_start3A_470, %dma_start3A_472, %dma_start3A_473] : memref<2x3x128x128xf32, #tpu.memory_space<vmem>> -> memref<1x1x128x128xf32, #tpu.memory_space<vmem>>
    %dma_start3A_475 = tpu.memref_squeeze %dma_start3A_474 : memref<1x1x128x128xf32, #tpu.memory_space<vmem>> -> memref<128x128xf32, #tpu.memory_space<vmem>>
    %dma_start3A_476 = arith.constant 0 : i32
    %dma_start3A_477 = tpu.memref_slice %arg5[%dma_start3A_471, %mul3A_468, %dma_start3A_476] : memref<3x32768x128xf32, #tpu.memory_space<hbm>> -> memref<1x128x128xf32, #tpu.memory_space<hbm>>
    %dma_start3A_478 = tpu.memref_squeeze %dma_start3A_477 : memref<1x128x128xf32, #tpu.memory_space<hbm>> -> memref<128x128xf32, #tpu.memory_space<hbm>>
    %dma_start3A_479 = arith.constant 0 : i32
    %dma_start3A_480 = tpu.memref_slice %arg5[%dma_start3A_471, %mul3A_468, %dma_start3A_479] : memref<3x32768x128xf32, #tpu.memory_space<hbm>> -> memref<1x128x128xf32, #tpu.memory_space<hbm>>
    %dma_start3A_481 = tpu.memref_squeeze %dma_start3A_480 : memref<1x128x128xf32, #tpu.memory_space<hbm>> -> memref<128x128xf32, #tpu.memory_space<hbm>>
    %dma_start3A_482 = arith.constant 0 : i32
    %dma_start3A_483 = arith.constant 0 : i32
    %dma_start3A_484 = tpu.memref_slice %arg7[%dma_start3A_469, %dma_start3A_470, %dma_start3A_482, %dma_start3A_483] : memref<2x3x128x128xf32, #tpu.memory_space<vmem>> -> memref<1x1x128x128xf32, #tpu.memory_space<vmem>>
    %dma_start3A_485 = tpu.memref_squeeze %dma_start3A_484 : memref<1x1x128x128xf32, #tpu.memory_space<vmem>> -> memref<128x128xf32, #tpu.memory_space<vmem>>
    tpu.enqueue_dma source(%dma_start3A_485 : memref<128x128xf32, #tpu.memory_space<vmem>>) target(%dma_start3A_481 : memref<128x128xf32, #tpu.memory_space<hbm>>) target_semaphore(%arg10 : memref<!tpu.dma_semaphore, #tpu.memory_space<semaphore_mem>>)
    %dma_start3A_486 = arith.constant 0 : i32
    %dma_start3A_487 = arith.constant 1 : i32
    %dma_start3A_488 = arith.constant 1 : i32
    %dma_start3A_489 = arith.constant 0 : i32
    %dma_start3A_490 = arith.constant 0 : i32
    %dma_start3A_491 = tpu.memref_slice %arg7[%dma_start3A_486, %dma_start3A_487, %dma_start3A_489, %dma_start3A_490] : memref<2x3x128x128xf32, #tpu.memory_space<vmem>> -> memref<1x1x128x128xf32, #tpu.memory_space<vmem>>
    %dma_start3A_492 = tpu.memref_squeeze %dma_start3A_491 : memref<1x1x128x128xf32, #tpu.memory_space<vmem>> -> memref<128x128xf32, #tpu.memory_space<vmem>>
    %dma_start3A_493 = arith.constant 0 : i32
    %dma_start3A_494 = tpu.memref_slice %arg5[%dma_start3A_488, %mul3A_468, %dma_start3A_493] : memref<3x32768x128xf32, #tpu.memory_space<hbm>> -> memref<1x128x128xf32, #tpu.memory_space<hbm>>
    %dma_start3A_495 = tpu.memref_squeeze %dma_start3A_494 : memref<1x128x128xf32, #tpu.memory_space<hbm>> -> memref<128x128xf32, #tpu.memory_space<hbm>>
    %dma_start3A_496 = arith.constant 0 : i32
    %dma_start3A_497 = tpu.memref_slice %arg5[%dma_start3A_488, %mul3A_468, %dma_start3A_496] : memref<3x32768x128xf32, #tpu.memory_space<hbm>> -> memref<1x128x128xf32, #tpu.memory_space<hbm>>
    %dma_start3A_498 = tpu.memref_squeeze %dma_start3A_497 : memref<1x128x128xf32, #tpu.memory_space<hbm>> -> memref<128x128xf32, #tpu.memory_space<hbm>>
    %dma_start3A_499 = arith.constant 0 : i32
    %dma_start3A_500 = arith.constant 0 : i32
    %dma_start3A_501 = tpu.memref_slice %arg7[%dma_start3A_486, %dma_start3A_487, %dma_start3A_499, %dma_start3A_500] : memref<2x3x128x128xf32, #tpu.memory_space<vmem>> -> memref<1x1x128x128xf32, #tpu.memory_space<vmem>>
    %dma_start3A_502 = tpu.memref_squeeze %dma_start3A_501 : memref<1x1x128x128xf32, #tpu.memory_space<vmem>> -> memref<128x128xf32, #tpu.memory_space<vmem>>
    tpu.enqueue_dma source(%dma_start3A_502 : memref<128x128xf32, #tpu.memory_space<vmem>>) target(%dma_start3A_498 : memref<128x128xf32, #tpu.memory_space<hbm>>) target_semaphore(%arg10 : memref<!tpu.dma_semaphore, #tpu.memory_space<semaphore_mem>>)
    %dma_start3A_503 = arith.constant 0 : i32
    %dma_start3A_504 = arith.constant 2 : i32
    %dma_start3A_505 = arith.constant 2 : i32
    %dma_start3A_506 = arith.constant 0 : i32
    %dma_start3A_507 = arith.constant 0 : i32
    %dma_start3A_508 = tpu.memref_slice %arg7[%dma_start3A_503, %dma_start3A_504, %dma_start3A_506, %dma_start3A_507] : memref<2x3x128x128xf32, #tpu.memory_space<vmem>> -> memref<1x1x128x128xf32, #tpu.memory_space<vmem>>
    %dma_start3A_509 = tpu.memref_squeeze %dma_start3A_508 : memref<1x1x128x128xf32, #tpu.memory_space<vmem>> -> memref<128x128xf32, #tpu.memory_space<vmem>>
    %dma_start3A_510 = arith.constant 0 : i32
    %dma_start3A_511 = tpu.memref_slice %arg5[%dma_start3A_505, %mul3A_468, %dma_start3A_510] : memref<3x32768x128xf32, #tpu.memory_space<hbm>> -> memref<1x128x128xf32, #tpu.memory_space<hbm>>
    %dma_start3A_512 = tpu.memref_squeeze %dma_start3A_511 : memref<1x128x128xf32, #tpu.memory_space<hbm>> -> memref<128x128xf32, #tpu.memory_space<hbm>>
    %dma_start3A_513 = arith.constant 0 : i32
    %dma_start3A_514 = tpu.memref_slice %arg5[%dma_start3A_505, %mul3A_468, %dma_start3A_513] : memref<3x32768x128xf32, #tpu.memory_space<hbm>> -> memref<1x128x128xf32, #tpu.memory_space<hbm>>
    %dma_start3A_515 = tpu.memref_squeeze %dma_start3A_514 : memref<1x128x128xf32, #tpu.memory_space<hbm>> -> memref<128x128xf32, #tpu.memory_space<hbm>>
    %dma_start3A_516 = arith.constant 0 : i32
    %dma_start3A_517 = arith.constant 0 : i32
    %dma_start3A_518 = tpu.memref_slice %arg7[%dma_start3A_503, %dma_start3A_504, %dma_start3A_516, %dma_start3A_517] : memref<2x3x128x128xf32, #tpu.memory_space<vmem>> -> memref<1x1x128x128xf32, #tpu.memory_space<vmem>>
    %dma_start3A_519 = tpu.memref_squeeze %dma_start3A_518 : memref<1x1x128x128xf32, #tpu.memory_space<vmem>> -> memref<128x128xf32, #tpu.memory_space<vmem>>
    tpu.enqueue_dma source(%dma_start3A_519 : memref<128x128xf32, #tpu.memory_space<vmem>>) target(%dma_start3A_515 : memref<128x128xf32, #tpu.memory_space<hbm>>) target_semaphore(%arg10 : memref<!tpu.dma_semaphore, #tpu.memory_space<semaphore_mem>>)
    %add3A_520 = arith.constant 128 : i32
    %add3A_521 = arith.addi %mul3A_2, %add3A_520 : i32
    %dma_start3A_522 = arith.constant 0 : i32
    %dma_start3A_523 = arith.constant 0 : i32
    %dma_start3A_524 = arith.constant 0 : i32
    %dma_start3A_525 = arith.constant 0 : i32
    %dma_start3A_526 = tpu.memref_slice %arg6[%dma_start3A_522, %dma_start3A_523, %dma_start3A_524, %dma_start3A_525] : memref<2x3x32x128xf32, #tpu.memory_space<vmem>> -> memref<1x1x32x128xf32, #tpu.memory_space<vmem>>
    %dma_start3A_527 = tpu.memref_squeeze %dma_start3A_526 : memref<1x1x32x128xf32, #tpu.memory_space<vmem>> -> memref<32x128xf32, #tpu.memory_space<vmem>>
    %dma_start3A_528 = arith.constant 0 : i32
    %dma_start3A_529 = tpu.memref_slice %arg2[%add3A_521, %dma_start3A_528] : memref<8192x128xf32, #tpu.memory_space<hbm>> -> memref<32x128xf32, #tpu.memory_space<hbm>>
    %dma_start3A_530 = arith.constant 0 : i32
    %dma_start3A_531 = arith.constant 0 : i32
    %dma_start3A_532 = tpu.memref_slice %arg6[%dma_start3A_522, %dma_start3A_523, %dma_start3A_530, %dma_start3A_531] : memref<2x3x32x128xf32, #tpu.memory_space<vmem>> -> memref<1x1x32x128xf32, #tpu.memory_space<vmem>>
    %dma_start3A_533 = tpu.memref_squeeze %dma_start3A_532 : memref<1x1x32x128xf32, #tpu.memory_space<vmem>> -> memref<32x128xf32, #tpu.memory_space<vmem>>
    %dma_start3A_534 = arith.constant 0 : i32
    %dma_start3A_535 = tpu.memref_slice %arg2[%add3A_521, %dma_start3A_534] : memref<8192x128xf32, #tpu.memory_space<hbm>> -> memref<32x128xf32, #tpu.memory_space<hbm>>
    tpu.enqueue_dma source(%dma_start3A_535 : memref<32x128xf32, #tpu.memory_space<hbm>>) target(%dma_start3A_533 : memref<32x128xf32, #tpu.memory_space<vmem>>) target_semaphore(%arg8 : memref<!tpu.dma_semaphore, #tpu.memory_space<semaphore_mem>>)
    %dma_start3A_536 = arith.constant 0 : i32
    %dma_start3A_537 = arith.constant 1 : i32
    %dma_start3A_538 = arith.constant 0 : i32
    %dma_start3A_539 = arith.constant 0 : i32
    %dma_start3A_540 = tpu.memref_slice %arg6[%dma_start3A_536, %dma_start3A_537, %dma_start3A_538, %dma_start3A_539] : memref<2x3x32x128xf32, #tpu.memory_space<vmem>> -> memref<1x1x32x128xf32, #tpu.memory_space<vmem>>
    %dma_start3A_541 = tpu.memref_squeeze %dma_start3A_540 : memref<1x1x32x128xf32, #tpu.memory_space<vmem>> -> memref<32x128xf32, #tpu.memory_space<vmem>>
    %dma_start3A_542 = arith.constant 0 : i32
    %dma_start3A_543 = tpu.memref_slice %arg3[%add3A_521, %dma_start3A_542] : memref<8192x128xf32, #tpu.memory_space<hbm>> -> memref<32x128xf32, #tpu.memory_space<hbm>>
    %dma_start3A_544 = arith.constant 0 : i32
    %dma_start3A_545 = arith.constant 0 : i32
    %dma_start3A_546 = tpu.memref_slice %arg6[%dma_start3A_536, %dma_start3A_537, %dma_start3A_544, %dma_start3A_545] : memref<2x3x32x128xf32, #tpu.memory_space<vmem>> -> memref<1x1x32x128xf32, #tpu.memory_space<vmem>>
    %dma_start3A_547 = tpu.memref_squeeze %dma_start3A_546 : memref<1x1x32x128xf32, #tpu.memory_space<vmem>> -> memref<32x128xf32, #tpu.memory_space<vmem>>
    %dma_start3A_548 = arith.constant 0 : i32
    %dma_start3A_549 = tpu.memref_slice %arg3[%add3A_521, %dma_start3A_548] : memref<8192x128xf32, #tpu.memory_space<hbm>> -> memref<32x128xf32, #tpu.memory_space<hbm>>
    tpu.enqueue_dma source(%dma_start3A_549 : memref<32x128xf32, #tpu.memory_space<hbm>>) target(%dma_start3A_547 : memref<32x128xf32, #tpu.memory_space<vmem>>) target_semaphore(%arg8 : memref<!tpu.dma_semaphore, #tpu.memory_space<semaphore_mem>>)
    %dma_start3A_550 = arith.constant 0 : i32
    %dma_start3A_551 = arith.constant 2 : i32
    %dma_start3A_552 = arith.constant 0 : i32
    %dma_start3A_553 = arith.constant 0 : i32
    %dma_start3A_554 = tpu.memref_slice %arg6[%dma_start3A_550, %dma_start3A_551, %dma_start3A_552, %dma_start3A_553] : memref<2x3x32x128xf32, #tpu.memory_space<vmem>> -> memref<1x1x32x128xf32, #tpu.memory_space<vmem>>
    %dma_start3A_555 = tpu.memref_squeeze %dma_start3A_554 : memref<1x1x32x128xf32, #tpu.memory_space<vmem>> -> memref<32x128xf32, #tpu.memory_space<vmem>>
    %dma_start3A_556 = arith.constant 0 : i32
    %dma_start3A_557 = tpu.memref_slice %arg4[%add3A_521, %dma_start3A_556] : memref<8192x128xf32, #tpu.memory_space<hbm>> -> memref<32x128xf32, #tpu.memory_space<hbm>>
    %dma_start3A_558 = arith.constant 0 : i32
    %dma_start3A_559 = arith.constant 0 : i32
    %dma_start3A_560 = tpu.memref_slice %arg6[%dma_start3A_550, %dma_start3A_551, %dma_start3A_558, %dma_start3A_559] : memref<2x3x32x128xf32, #tpu.memory_space<vmem>> -> memref<1x1x32x128xf32, #tpu.memory_space<vmem>>
    %dma_start3A_561 = tpu.memref_squeeze %dma_start3A_560 : memref<1x1x32x128xf32, #tpu.memory_space<vmem>> -> memref<32x128xf32, #tpu.memory_space<vmem>>
    %dma_start3A_562 = arith.constant 0 : i32
    %dma_start3A_563 = tpu.memref_slice %arg4[%add3A_521, %dma_start3A_562] : memref<8192x128xf32, #tpu.memory_space<hbm>> -> memref<32x128xf32, #tpu.memory_space<hbm>>
    tpu.enqueue_dma source(%dma_start3A_563 : memref<32x128xf32, #tpu.memory_space<hbm>>) target(%dma_start3A_561 : memref<32x128xf32, #tpu.memory_space<vmem>>) target_semaphore(%arg8 : memref<!tpu.dma_semaphore, #tpu.memory_space<semaphore_mem>>)
    %dma_wait3A_564 = arith.constant 1 : i32
    %dma_wait3A_565 = arith.constant 0 : i32
    %dma_wait3A_566 = arith.constant 0 : i32
    %dma_wait3A_567 = arith.constant 0 : i32
    %dma_wait3A_568 = tpu.memref_slice %arg6[%dma_wait3A_564, %dma_wait3A_565, %dma_wait3A_566, %dma_wait3A_567] : memref<2x3x32x128xf32, #tpu.memory_space<vmem>> -> memref<1x1x32x128xf32, #tpu.memory_space<vmem>>
    %dma_wait3A_569 = tpu.memref_squeeze %dma_wait3A_568 : memref<1x1x32x128xf32, #tpu.memory_space<vmem>> -> memref<32x128xf32, #tpu.memory_space<vmem>>
    %dma_wait3A_570 = arith.constant 0 : i32
    %dma_wait3A_571 = tpu.memref_slice %arg2[%add3A_329, %dma_wait3A_570] : memref<8192x128xf32, #tpu.memory_space<hbm>> -> memref<32x128xf32, #tpu.memory_space<hbm>>
    %dma_wait3A_572 = arith.constant 0 : i32
    %dma_wait3A_573 = arith.constant 0 : i32
    %dma_wait3A_574 = tpu.memref_slice %arg6[%dma_wait3A_564, %dma_wait3A_565, %dma_wait3A_572, %dma_wait3A_573] : memref<2x3x32x128xf32, #tpu.memory_space<vmem>> -> memref<1x1x32x128xf32, #tpu.memory_space<vmem>>
    %dma_wait3A_575 = tpu.memref_squeeze %dma_wait3A_574 : memref<1x1x32x128xf32, #tpu.memory_space<vmem>> -> memref<32x128xf32, #tpu.memory_space<vmem>>
    %dma_wait3A_576 = arith.constant 0 : i32
    %dma_wait3A_577 = tpu.memref_slice %arg2[%add3A_329, %dma_wait3A_576] : memref<8192x128xf32, #tpu.memory_space<hbm>> -> memref<32x128xf32, #tpu.memory_space<hbm>>
    tpu.wait_dma2 semaphore(%arg9 : memref<!tpu.dma_semaphore, #tpu.memory_space<semaphore_mem>>) src(%dma_wait3A_577 : memref<32x128xf32, #tpu.memory_space<hbm>>) dst(%dma_wait3A_575 : memref<32x128xf32, #tpu.memory_space<vmem>>)
    %dma_wait3A_578 = arith.constant 1 : i32
    %dma_wait3A_579 = arith.constant 1 : i32
    %dma_wait3A_580 = arith.constant 0 : i32
    %dma_wait3A_581 = arith.constant 0 : i32
    %dma_wait3A_582 = tpu.memref_slice %arg6[%dma_wait3A_578, %dma_wait3A_579, %dma_wait3A_580, %dma_wait3A_581] : memref<2x3x32x128xf32, #tpu.memory_space<vmem>> -> memref<1x1x32x128xf32, #tpu.memory_space<vmem>>
    %dma_wait3A_583 = tpu.memref_squeeze %dma_wait3A_582 : memref<1x1x32x128xf32, #tpu.memory_space<vmem>> -> memref<32x128xf32, #tpu.memory_space<vmem>>
    %dma_wait3A_584 = arith.constant 0 : i32
    %dma_wait3A_585 = tpu.memref_slice %arg3[%add3A_329, %dma_wait3A_584] : memref<8192x128xf32, #tpu.memory_space<hbm>> -> memref<32x128xf32, #tpu.memory_space<hbm>>
    %dma_wait3A_586 = arith.constant 0 : i32
    %dma_wait3A_587 = arith.constant 0 : i32
    %dma_wait3A_588 = tpu.memref_slice %arg6[%dma_wait3A_578, %dma_wait3A_579, %dma_wait3A_586, %dma_wait3A_587] : memref<2x3x32x128xf32, #tpu.memory_space<vmem>> -> memref<1x1x32x128xf32, #tpu.memory_space<vmem>>
    %dma_wait3A_589 = tpu.memref_squeeze %dma_wait3A_588 : memref<1x1x32x128xf32, #tpu.memory_space<vmem>> -> memref<32x128xf32, #tpu.memory_space<vmem>>
    %dma_wait3A_590 = arith.constant 0 : i32
    %dma_wait3A_591 = tpu.memref_slice %arg3[%add3A_329, %dma_wait3A_590] : memref<8192x128xf32, #tpu.memory_space<hbm>> -> memref<32x128xf32, #tpu.memory_space<hbm>>
    tpu.wait_dma2 semaphore(%arg9 : memref<!tpu.dma_semaphore, #tpu.memory_space<semaphore_mem>>) src(%dma_wait3A_591 : memref<32x128xf32, #tpu.memory_space<hbm>>) dst(%dma_wait3A_589 : memref<32x128xf32, #tpu.memory_space<vmem>>)
    %dma_wait3A_592 = arith.constant 1 : i32
    %dma_wait3A_593 = arith.constant 2 : i32
    %dma_wait3A_594 = arith.constant 0 : i32
    %dma_wait3A_595 = arith.constant 0 : i32
    %dma_wait3A_596 = tpu.memref_slice %arg6[%dma_wait3A_592, %dma_wait3A_593, %dma_wait3A_594, %dma_wait3A_595] : memref<2x3x32x128xf32, #tpu.memory_space<vmem>> -> memref<1x1x32x128xf32, #tpu.memory_space<vmem>>
    %dma_wait3A_597 = tpu.memref_squeeze %dma_wait3A_596 : memref<1x1x32x128xf32, #tpu.memory_space<vmem>> -> memref<32x128xf32, #tpu.memory_space<vmem>>
    %dma_wait3A_598 = arith.constant 0 : i32
    %dma_wait3A_599 = tpu.memref_slice %arg4[%add3A_329, %dma_wait3A_598] : memref<8192x128xf32, #tpu.memory_space<hbm>> -> memref<32x128xf32, #tpu.memory_space<hbm>>
    %dma_wait3A_600 = arith.constant 0 : i32
    %dma_wait3A_601 = arith.constant 0 : i32
    %dma_wait3A_602 = tpu.memref_slice %arg6[%dma_wait3A_592, %dma_wait3A_593, %dma_wait3A_600, %dma_wait3A_601] : memref<2x3x32x128xf32, #tpu.memory_space<vmem>> -> memref<1x1x32x128xf32, #tpu.memory_space<vmem>>
    %dma_wait3A_603 = tpu.memref_squeeze %dma_wait3A_602 : memref<1x1x32x128xf32, #tpu.memory_space<vmem>> -> memref<32x128xf32, #tpu.memory_space<vmem>>
    %dma_wait3A_604 = arith.constant 0 : i32
    %dma_wait3A_605 = tpu.memref_slice %arg4[%add3A_329, %dma_wait3A_604] : memref<8192x128xf32, #tpu.memory_space<hbm>> -> memref<32x128xf32, #tpu.memory_space<hbm>>
    tpu.wait_dma2 semaphore(%arg9 : memref<!tpu.dma_semaphore, #tpu.memory_space<semaphore_mem>>) src(%dma_wait3A_605 : memref<32x128xf32, #tpu.memory_space<hbm>>) dst(%dma_wait3A_603 : memref<32x128xf32, #tpu.memory_space<vmem>>)
    %dma_wait3A_606 = arith.constant 1 : i32
    %dma_wait3A_607 = arith.constant 0 : i32
    %dma_wait3A_608 = arith.constant 0 : i32
    %dma_wait3A_609 = arith.constant 0 : i32
    %dma_wait3A_610 = arith.constant 0 : i32
    %dma_wait3A_611 = tpu.memref_slice %arg7[%dma_wait3A_606, %dma_wait3A_607, %dma_wait3A_609, %dma_wait3A_610] : memref<2x3x128x128xf32, #tpu.memory_space<vmem>> -> memref<1x1x128x128xf32, #tpu.memory_space<vmem>>
    %dma_wait3A_612 = tpu.memref_squeeze %dma_wait3A_611 : memref<1x1x128x128xf32, #tpu.memory_space<vmem>> -> memref<128x128xf32, #tpu.memory_space<vmem>>
    %dma_wait3A_613 = arith.constant 0 : i32
    %dma_wait3A_614 = tpu.memref_slice %arg5[%dma_wait3A_608, %mul3A_276, %dma_wait3A_613] : memref<3x32768x128xf32, #tpu.memory_space<hbm>> -> memref<1x128x128xf32, #tpu.memory_space<hbm>>
    %dma_wait3A_615 = tpu.memref_squeeze %dma_wait3A_614 : memref<1x128x128xf32, #tpu.memory_space<hbm>> -> memref<128x128xf32, #tpu.memory_space<hbm>>
    %dma_wait3A_616 = arith.constant 0 : i32
    %dma_wait3A_617 = tpu.memref_slice %arg5[%dma_wait3A_608, %mul3A_276, %dma_wait3A_616] : memref<3x32768x128xf32, #tpu.memory_space<hbm>> -> memref<1x128x128xf32, #tpu.memory_space<hbm>>
    %dma_wait3A_618 = tpu.memref_squeeze %dma_wait3A_617 : memref<1x128x128xf32, #tpu.memory_space<hbm>> -> memref<128x128xf32, #tpu.memory_space<hbm>>
    %dma_wait3A_619 = arith.constant 0 : i32
    %dma_wait3A_620 = arith.constant 0 : i32
    %dma_wait3A_621 = tpu.memref_slice %arg7[%dma_wait3A_606, %dma_wait3A_607, %dma_wait3A_619, %dma_wait3A_620] : memref<2x3x128x128xf32, #tpu.memory_space<vmem>> -> memref<1x1x128x128xf32, #tpu.memory_space<vmem>>
    %dma_wait3A_622 = tpu.memref_squeeze %dma_wait3A_621 : memref<1x1x128x128xf32, #tpu.memory_space<vmem>> -> memref<128x128xf32, #tpu.memory_space<vmem>>
    tpu.wait_dma2 semaphore(%arg11 : memref<!tpu.dma_semaphore, #tpu.memory_space<semaphore_mem>>) src(%dma_wait3A_622 : memref<128x128xf32, #tpu.memory_space<vmem>>) dst(%dma_wait3A_618 : memref<128x128xf32, #tpu.memory_space<hbm>>)
    %dma_wait3A_623 = arith.constant 1 : i32
    %dma_wait3A_624 = arith.constant 1 : i32
    %dma_wait3A_625 = arith.constant 1 : i32
    %dma_wait3A_626 = arith.constant 0 : i32
    %dma_wait3A_627 = arith.constant 0 : i32
    %dma_wait3A_628 = tpu.memref_slice %arg7[%dma_wait3A_623, %dma_wait3A_624, %dma_wait3A_626, %dma_wait3A_627] : memref<2x3x128x128xf32, #tpu.memory_space<vmem>> -> memref<1x1x128x128xf32, #tpu.memory_space<vmem>>
    %dma_wait3A_629 = tpu.memref_squeeze %dma_wait3A_628 : memref<1x1x128x128xf32, #tpu.memory_space<vmem>> -> memref<128x128xf32, #tpu.memory_space<vmem>>
    %dma_wait3A_630 = arith.constant 0 : i32
    %dma_wait3A_631 = tpu.memref_slice %arg5[%dma_wait3A_625, %mul3A_276, %dma_wait3A_630] : memref<3x32768x128xf32, #tpu.memory_space<hbm>> -> memref<1x128x128xf32, #tpu.memory_space<hbm>>
    %dma_wait3A_632 = tpu.memref_squeeze %dma_wait3A_631 : memref<1x128x128xf32, #tpu.memory_space<hbm>> -> memref<128x128xf32, #tpu.memory_space<hbm>>
    %dma_wait3A_633 = arith.constant 0 : i32
    %dma_wait3A_634 = tpu.memref_slice %arg5[%dma_wait3A_625, %mul3A_276, %dma_wait3A_633] : memref<3x32768x128xf32, #tpu.memory_space<hbm>> -> memref<1x128x128xf32, #tpu.memory_space<hbm>>
    %dma_wait3A_635 = tpu.memref_squeeze %dma_wait3A_634 : memref<1x128x128xf32, #tpu.memory_space<hbm>> -> memref<128x128xf32, #tpu.memory_space<hbm>>
    %dma_wait3A_636 = arith.constant 0 : i32
    %dma_wait3A_637 = arith.constant 0 : i32
    %dma_wait3A_638 = tpu.memref_slice %arg7[%dma_wait3A_623, %dma_wait3A_624, %dma_wait3A_636, %dma_wait3A_637] : memref<2x3x128x128xf32, #tpu.memory_space<vmem>> -> memref<1x1x128x128xf32, #tpu.memory_space<vmem>>
    %dma_wait3A_639 = tpu.memref_squeeze %dma_wait3A_638 : memref<1x1x128x128xf32, #tpu.memory_space<vmem>> -> memref<128x128xf32, #tpu.memory_space<vmem>>
    tpu.wait_dma2 semaphore(%arg11 : memref<!tpu.dma_semaphore, #tpu.memory_space<semaphore_mem>>) src(%dma_wait3A_639 : memref<128x128xf32, #tpu.memory_space<vmem>>) dst(%dma_wait3A_635 : memref<128x128xf32, #tpu.memory_space<hbm>>)
    %dma_wait3A_640 = arith.constant 1 : i32
    %dma_wait3A_641 = arith.constant 2 : i32
    %dma_wait3A_642 = arith.constant 2 : i32
    %dma_wait3A_643 = arith.constant 0 : i32
    %dma_wait3A_644 = arith.constant 0 : i32
    %dma_wait3A_645 = tpu.memref_slice %arg7[%dma_wait3A_640, %dma_wait3A_641, %dma_wait3A_643, %dma_wait3A_644] : memref<2x3x128x128xf32, #tpu.memory_space<vmem>> -> memref<1x1x128x128xf32, #tpu.memory_space<vmem>>
    %dma_wait3A_646 = tpu.memref_squeeze %dma_wait3A_645 : memref<1x1x128x128xf32, #tpu.memory_space<vmem>> -> memref<128x128xf32, #tpu.memory_space<vmem>>
    %dma_wait3A_647 = arith.constant 0 : i32
    %dma_wait3A_648 = tpu.memref_slice %arg5[%dma_wait3A_642, %mul3A_276, %dma_wait3A_647] : memref<3x32768x128xf32, #tpu.memory_space<hbm>> -> memref<1x128x128xf32, #tpu.memory_space<hbm>>
    %dma_wait3A_649 = tpu.memref_squeeze %dma_wait3A_648 : memref<1x128x128xf32, #tpu.memory_space<hbm>> -> memref<128x128xf32, #tpu.memory_space<hbm>>
    %dma_wait3A_650 = arith.constant 0 : i32
    %dma_wait3A_651 = tpu.memref_slice %arg5[%dma_wait3A_642, %mul3A_276, %dma_wait3A_650] : memref<3x32768x128xf32, #tpu.memory_space<hbm>> -> memref<1x128x128xf32, #tpu.memory_space<hbm>>
    %dma_wait3A_652 = tpu.memref_squeeze %dma_wait3A_651 : memref<1x128x128xf32, #tpu.memory_space<hbm>> -> memref<128x128xf32, #tpu.memory_space<hbm>>
    %dma_wait3A_653 = arith.constant 0 : i32
    %dma_wait3A_654 = arith.constant 0 : i32
    %dma_wait3A_655 = tpu.memref_slice %arg7[%dma_wait3A_640, %dma_wait3A_641, %dma_wait3A_653, %dma_wait3A_654] : memref<2x3x128x128xf32, #tpu.memory_space<vmem>> -> memref<1x1x128x128xf32, #tpu.memory_space<vmem>>
    %dma_wait3A_656 = tpu.memref_squeeze %dma_wait3A_655 : memref<1x1x128x128xf32, #tpu.memory_space<vmem>> -> memref<128x128xf32, #tpu.memory_space<vmem>>
    tpu.wait_dma2 semaphore(%arg11 : memref<!tpu.dma_semaphore, #tpu.memory_space<semaphore_mem>>) src(%dma_wait3A_656 : memref<128x128xf32, #tpu.memory_space<vmem>>) dst(%dma_wait3A_652 : memref<128x128xf32, #tpu.memory_space<hbm>>)
    %add3A_657 = arith.constant 96 : i32
    %add3A_658 = arith.addi %mul3A_2, %add3A_657 : i32
    %mul3A_659 = arith.constant 4 : i32
    %mul3A_660 = arith.muli %add3A_658, %mul3A_659 : i32
    %dma_start3A_661 = arith.constant 1 : i32
    %dma_start3A_662 = arith.constant 0 : i32
    %dma_start3A_663 = arith.constant 0 : i32
    %dma_start3A_664 = arith.constant 0 : i32
    %dma_start3A_665 = arith.constant 0 : i32
    %dma_start3A_666 = tpu.memref_slice %arg7[%dma_start3A_661, %dma_start3A_662, %dma_start3A_664, %dma_start3A_665] : memref<2x3x128x128xf32, #tpu.memory_space<vmem>> -> memref<1x1x128x128xf32, #tpu.memory_space<vmem>>
    %dma_start3A_667 = tpu.memref_squeeze %dma_start3A_666 : memref<1x1x128x128xf32, #tpu.memory_space<vmem>> -> memref<128x128xf32, #tpu.memory_space<vmem>>
    %dma_start3A_668 = arith.constant 0 : i32
    %dma_start3A_669 = tpu.memref_slice %arg5[%dma_start3A_663, %mul3A_660, %dma_start3A_668] : memref<3x32768x128xf32, #tpu.memory_space<hbm>> -> memref<1x128x128xf32, #tpu.memory_space<hbm>>
    %dma_start3A_670 = tpu.memref_squeeze %dma_start3A_669 : memref<1x128x128xf32, #tpu.memory_space<hbm>> -> memref<128x128xf32, #tpu.memory_space<hbm>>
    %dma_start3A_671 = arith.constant 0 : i32
    %dma_start3A_672 = tpu.memref_slice %arg5[%dma_start3A_663, %mul3A_660, %dma_start3A_671] : memref<3x32768x128xf32, #tpu.memory_space<hbm>> -> memref<1x128x128xf32, #tpu.memory_space<hbm>>
    %dma_start3A_673 = tpu.memref_squeeze %dma_start3A_672 : memref<1x128x128xf32, #tpu.memory_space<hbm>> -> memref<128x128xf32, #tpu.memory_space<hbm>>
    %dma_start3A_674 = arith.constant 0 : i32
    %dma_start3A_675 = arith.constant 0 : i32
    %dma_start3A_676 = tpu.memref_slice %arg7[%dma_start3A_661, %dma_start3A_662, %dma_start3A_674, %dma_start3A_675] : memref<2x3x128x128xf32, #tpu.memory_space<vmem>> -> memref<1x1x128x128xf32, #tpu.memory_space<vmem>>
    %dma_start3A_677 = tpu.memref_squeeze %dma_start3A_676 : memref<1x1x128x128xf32, #tpu.memory_space<vmem>> -> memref<128x128xf32, #tpu.memory_space<vmem>>
    tpu.enqueue_dma source(%dma_start3A_677 : memref<128x128xf32, #tpu.memory_space<vmem>>) target(%dma_start3A_673 : memref<128x128xf32, #tpu.memory_space<hbm>>) target_semaphore(%arg11 : memref<!tpu.dma_semaphore, #tpu.memory_space<semaphore_mem>>)
    %dma_start3A_678 = arith.constant 1 : i32
    %dma_start3A_679 = arith.constant 1 : i32
    %dma_start3A_680 = arith.constant 1 : i32
    %dma_start3A_681 = arith.constant 0 : i32
    %dma_start3A_682 = arith.constant 0 : i32
    %dma_start3A_683 = tpu.memref_slice %arg7[%dma_start3A_678, %dma_start3A_679, %dma_start3A_681, %dma_start3A_682] : memref<2x3x128x128xf32, #tpu.memory_space<vmem>> -> memref<1x1x128x128xf32, #tpu.memory_space<vmem>>
    %dma_start3A_684 = tpu.memref_squeeze %dma_start3A_683 : memref<1x1x128x128xf32, #tpu.memory_space<vmem>> -> memref<128x128xf32, #tpu.memory_space<vmem>>
    %dma_start3A_685 = arith.constant 0 : i32
    %dma_start3A_686 = tpu.memref_slice %arg5[%dma_start3A_680, %mul3A_660, %dma_start3A_685] : memref<3x32768x128xf32, #tpu.memory_space<hbm>> -> memref<1x128x128xf32, #tpu.memory_space<hbm>>
    %dma_start3A_687 = tpu.memref_squeeze %dma_start3A_686 : memref<1x128x128xf32, #tpu.memory_space<hbm>> -> memref<128x128xf32, #tpu.memory_space<hbm>>
    %dma_start3A_688 = arith.constant 0 : i32
    %dma_start3A_689 = tpu.memref_slice %arg5[%dma_start3A_680, %mul3A_660, %dma_start3A_688] : memref<3x32768x128xf32, #tpu.memory_space<hbm>> -> memref<1x128x128xf32, #tpu.memory_space<hbm>>
    %dma_start3A_690 = tpu.memref_squeeze %dma_start3A_689 : memref<1x128x128xf32, #tpu.memory_space<hbm>> -> memref<128x128xf32, #tpu.memory_space<hbm>>
    %dma_start3A_691 = arith.constant 0 : i32
    %dma_start3A_692 = arith.constant 0 : i32
    %dma_start3A_693 = tpu.memref_slice %arg7[%dma_start3A_678, %dma_start3A_679, %dma_start3A_691, %dma_start3A_692] : memref<2x3x128x128xf32, #tpu.memory_space<vmem>> -> memref<1x1x128x128xf32, #tpu.memory_space<vmem>>
    %dma_start3A_694 = tpu.memref_squeeze %dma_start3A_693 : memref<1x1x128x128xf32, #tpu.memory_space<vmem>> -> memref<128x128xf32, #tpu.memory_space<vmem>>
    tpu.enqueue_dma source(%dma_start3A_694 : memref<128x128xf32, #tpu.memory_space<vmem>>) target(%dma_start3A_690 : memref<128x128xf32, #tpu.memory_space<hbm>>) target_semaphore(%arg11 : memref<!tpu.dma_semaphore, #tpu.memory_space<semaphore_mem>>)
    %dma_start3A_695 = arith.constant 1 : i32
    %dma_start3A_696 = arith.constant 2 : i32
    %dma_start3A_697 = arith.constant 2 : i32
    %dma_start3A_698 = arith.constant 0 : i32
    %dma_start3A_699 = arith.constant 0 : i32
    %dma_start3A_700 = tpu.memref_slice %arg7[%dma_start3A_695, %dma_start3A_696, %dma_start3A_698, %dma_start3A_699] : memref<2x3x128x128xf32, #tpu.memory_space<vmem>> -> memref<1x1x128x128xf32, #tpu.memory_space<vmem>>
    %dma_start3A_701 = tpu.memref_squeeze %dma_start3A_700 : memref<1x1x128x128xf32, #tpu.memory_space<vmem>> -> memref<128x128xf32, #tpu.memory_space<vmem>>
    %dma_start3A_702 = arith.constant 0 : i32
    %dma_start3A_703 = tpu.memref_slice %arg5[%dma_start3A_697, %mul3A_660, %dma_start3A_702] : memref<3x32768x128xf32, #tpu.memory_space<hbm>> -> memref<1x128x128xf32, #tpu.memory_space<hbm>>
    %dma_start3A_704 = tpu.memref_squeeze %dma_start3A_703 : memref<1x128x128xf32, #tpu.memory_space<hbm>> -> memref<128x128xf32, #tpu.memory_space<hbm>>
    %dma_start3A_705 = arith.constant 0 : i32
    %dma_start3A_706 = tpu.memref_slice %arg5[%dma_start3A_697, %mul3A_660, %dma_start3A_705] : memref<3x32768x128xf32, #tpu.memory_space<hbm>> -> memref<1x128x128xf32, #tpu.memory_space<hbm>>
    %dma_start3A_707 = tpu.memref_squeeze %dma_start3A_706 : memref<1x128x128xf32, #tpu.memory_space<hbm>> -> memref<128x128xf32, #tpu.memory_space<hbm>>
    %dma_start3A_708 = arith.constant 0 : i32
    %dma_start3A_709 = arith.constant 0 : i32
    %dma_start3A_710 = tpu.memref_slice %arg7[%dma_start3A_695, %dma_start3A_696, %dma_start3A_708, %dma_start3A_709] : memref<2x3x128x128xf32, #tpu.memory_space<vmem>> -> memref<1x1x128x128xf32, #tpu.memory_space<vmem>>
    %dma_start3A_711 = tpu.memref_squeeze %dma_start3A_710 : memref<1x1x128x128xf32, #tpu.memory_space<vmem>> -> memref<128x128xf32, #tpu.memory_space<vmem>>
    tpu.enqueue_dma source(%dma_start3A_711 : memref<128x128xf32, #tpu.memory_space<vmem>>) target(%dma_start3A_707 : memref<128x128xf32, #tpu.memory_space<hbm>>) target_semaphore(%arg11 : memref<!tpu.dma_semaphore, #tpu.memory_space<semaphore_mem>>)
    %add3A_712 = arith.constant 160 : i32
    %add3A_713 = arith.addi %mul3A_2, %add3A_712 : i32
    %dma_start3A_714 = arith.constant 1 : i32
    %dma_start3A_715 = arith.constant 0 : i32
    %dma_start3A_716 = arith.constant 0 : i32
    %dma_start3A_717 = arith.constant 0 : i32
    %dma_start3A_718 = tpu.memref_slice %arg6[%dma_start3A_714, %dma_start3A_715, %dma_start3A_716, %dma_start3A_717] : memref<2x3x32x128xf32, #tpu.memory_space<vmem>> -> memref<1x1x32x128xf32, #tpu.memory_space<vmem>>
    %dma_start3A_719 = tpu.memref_squeeze %dma_start3A_718 : memref<1x1x32x128xf32, #tpu.memory_space<vmem>> -> memref<32x128xf32, #tpu.memory_space<vmem>>
    %dma_start3A_720 = arith.constant 0 : i32
    %dma_start3A_721 = tpu.memref_slice %arg2[%add3A_713, %dma_start3A_720] : memref<8192x128xf32, #tpu.memory_space<hbm>> -> memref<32x128xf32, #tpu.memory_space<hbm>>
    %dma_start3A_722 = arith.constant 0 : i32
    %dma_start3A_723 = arith.constant 0 : i32
    %dma_start3A_724 = tpu.memref_slice %arg6[%dma_start3A_714, %dma_start3A_715, %dma_start3A_722, %dma_start3A_723] : memref<2x3x32x128xf32, #tpu.memory_space<vmem>> -> memref<1x1x32x128xf32, #tpu.memory_space<vmem>>
    %dma_start3A_725 = tpu.memref_squeeze %dma_start3A_724 : memref<1x1x32x128xf32, #tpu.memory_space<vmem>> -> memref<32x128xf32, #tpu.memory_space<vmem>>
    %dma_start3A_726 = arith.constant 0 : i32
    %dma_start3A_727 = tpu.memref_slice %arg2[%add3A_713, %dma_start3A_726] : memref<8192x128xf32, #tpu.memory_space<hbm>> -> memref<32x128xf32, #tpu.memory_space<hbm>>
    tpu.enqueue_dma source(%dma_start3A_727 : memref<32x128xf32, #tpu.memory_space<hbm>>) target(%dma_start3A_725 : memref<32x128xf32, #tpu.memory_space<vmem>>) target_semaphore(%arg9 : memref<!tpu.dma_semaphore, #tpu.memory_space<semaphore_mem>>)
    %dma_start3A_728 = arith.constant 1 : i32
    %dma_start3A_729 = arith.constant 1 : i32
    %dma_start3A_730 = arith.constant 0 : i32
    %dma_start3A_731 = arith.constant 0 : i32
    %dma_start3A_732 = tpu.memref_slice %arg6[%dma_start3A_728, %dma_start3A_729, %dma_start3A_730, %dma_start3A_731] : memref<2x3x32x128xf32, #tpu.memory_space<vmem>> -> memref<1x1x32x128xf32, #tpu.memory_space<vmem>>
    %dma_start3A_733 = tpu.memref_squeeze %dma_start3A_732 : memref<1x1x32x128xf32, #tpu.memory_space<vmem>> -> memref<32x128xf32, #tpu.memory_space<vmem>>
    %dma_start3A_734 = arith.constant 0 : i32
    %dma_start3A_735 = tpu.memref_slice %arg3[%add3A_713, %dma_start3A_734] : memref<8192x128xf32, #tpu.memory_space<hbm>> -> memref<32x128xf32, #tpu.memory_space<hbm>>
    %dma_start3A_736 = arith.constant 0 : i32
    %dma_start3A_737 = arith.constant 0 : i32
    %dma_start3A_738 = tpu.memref_slice %arg6[%dma_start3A_728, %dma_start3A_729, %dma_start3A_736, %dma_start3A_737] : memref<2x3x32x128xf32, #tpu.memory_space<vmem>> -> memref<1x1x32x128xf32, #tpu.memory_space<vmem>>
    %dma_start3A_739 = tpu.memref_squeeze %dma_start3A_738 : memref<1x1x32x128xf32, #tpu.memory_space<vmem>> -> memref<32x128xf32, #tpu.memory_space<vmem>>
    %dma_start3A_740 = arith.constant 0 : i32
    %dma_start3A_741 = tpu.memref_slice %arg3[%add3A_713, %dma_start3A_740] : memref<8192x128xf32, #tpu.memory_space<hbm>> -> memref<32x128xf32, #tpu.memory_space<hbm>>
    tpu.enqueue_dma source(%dma_start3A_741 : memref<32x128xf32, #tpu.memory_space<hbm>>) target(%dma_start3A_739 : memref<32x128xf32, #tpu.memory_space<vmem>>) target_semaphore(%arg9 : memref<!tpu.dma_semaphore, #tpu.memory_space<semaphore_mem>>)
    %dma_start3A_742 = arith.constant 1 : i32
    %dma_start3A_743 = arith.constant 2 : i32
    %dma_start3A_744 = arith.constant 0 : i32
    %dma_start3A_745 = arith.constant 0 : i32
    %dma_start3A_746 = tpu.memref_slice %arg6[%dma_start3A_742, %dma_start3A_743, %dma_start3A_744, %dma_start3A_745] : memref<2x3x32x128xf32, #tpu.memory_space<vmem>> -> memref<1x1x32x128xf32, #tpu.memory_space<vmem>>
    %dma_start3A_747 = tpu.memref_squeeze %dma_start3A_746 : memref<1x1x32x128xf32, #tpu.memory_space<vmem>> -> memref<32x128xf32, #tpu.memory_space<vmem>>
    %dma_start3A_748 = arith.constant 0 : i32
    %dma_start3A_749 = tpu.memref_slice %arg4[%add3A_713, %dma_start3A_748] : memref<8192x128xf32, #tpu.memory_space<hbm>> -> memref<32x128xf32, #tpu.memory_space<hbm>>
    %dma_start3A_750 = arith.constant 0 : i32
    %dma_start3A_751 = arith.constant 0 : i32
    %dma_start3A_752 = tpu.memref_slice %arg6[%dma_start3A_742, %dma_start3A_743, %dma_start3A_750, %dma_start3A_751] : memref<2x3x32x128xf32, #tpu.memory_space<vmem>> -> memref<1x1x32x128xf32, #tpu.memory_space<vmem>>
    %dma_start3A_753 = tpu.memref_squeeze %dma_start3A_752 : memref<1x1x32x128xf32, #tpu.memory_space<vmem>> -> memref<32x128xf32, #tpu.memory_space<vmem>>
    %dma_start3A_754 = arith.constant 0 : i32
    %dma_start3A_755 = tpu.memref_slice %arg4[%add3A_713, %dma_start3A_754] : memref<8192x128xf32, #tpu.memory_space<hbm>> -> memref<32x128xf32, #tpu.memory_space<hbm>>
    tpu.enqueue_dma source(%dma_start3A_755 : memref<32x128xf32, #tpu.memory_space<hbm>>) target(%dma_start3A_753 : memref<32x128xf32, #tpu.memory_space<vmem>>) target_semaphore(%arg9 : memref<!tpu.dma_semaphore, #tpu.memory_space<semaphore_mem>>)
    %dma_wait3A_756 = arith.constant 0 : i32
    %dma_wait3A_757 = arith.constant 0 : i32
    %dma_wait3A_758 = arith.constant 0 : i32
    %dma_wait3A_759 = arith.constant 0 : i32
    %dma_wait3A_760 = tpu.memref_slice %arg6[%dma_wait3A_756, %dma_wait3A_757, %dma_wait3A_758, %dma_wait3A_759] : memref<2x3x32x128xf32, #tpu.memory_space<vmem>> -> memref<1x1x32x128xf32, #tpu.memory_space<vmem>>
    %dma_wait3A_761 = tpu.memref_squeeze %dma_wait3A_760 : memref<1x1x32x128xf32, #tpu.memory_space<vmem>> -> memref<32x128xf32, #tpu.memory_space<vmem>>
    %dma_wait3A_762 = arith.constant 0 : i32
    %dma_wait3A_763 = tpu.memref_slice %arg2[%add3A_521, %dma_wait3A_762] : memref<8192x128xf32, #tpu.memory_space<hbm>> -> memref<32x128xf32, #tpu.memory_space<hbm>>
    %dma_wait3A_764 = arith.constant 0 : i32
    %dma_wait3A_765 = arith.constant 0 : i32
    %dma_wait3A_766 = tpu.memref_slice %arg6[%dma_wait3A_756, %dma_wait3A_757, %dma_wait3A_764, %dma_wait3A_765] : memref<2x3x32x128xf32, #tpu.memory_space<vmem>> -> memref<1x1x32x128xf32, #tpu.memory_space<vmem>>
    %dma_wait3A_767 = tpu.memref_squeeze %dma_wait3A_766 : memref<1x1x32x128xf32, #tpu.memory_space<vmem>> -> memref<32x128xf32, #tpu.memory_space<vmem>>
    %dma_wait3A_768 = arith.constant 0 : i32
    %dma_wait3A_769 = tpu.memref_slice %arg2[%add3A_521, %dma_wait3A_768] : memref<8192x128xf32, #tpu.memory_space<hbm>> -> memref<32x128xf32, #tpu.memory_space<hbm>>
    tpu.wait_dma2 semaphore(%arg8 : memref<!tpu.dma_semaphore, #tpu.memory_space<semaphore_mem>>) src(%dma_wait3A_769 : memref<32x128xf32, #tpu.memory_space<hbm>>) dst(%dma_wait3A_767 : memref<32x128xf32, #tpu.memory_space<vmem>>)
    %dma_wait3A_770 = arith.constant 0 : i32
    %dma_wait3A_771 = arith.constant 1 : i32
    %dma_wait3A_772 = arith.constant 0 : i32
    %dma_wait3A_773 = arith.constant 0 : i32
    %dma_wait3A_774 = tpu.memref_slice %arg6[%dma_wait3A_770, %dma_wait3A_771, %dma_wait3A_772, %dma_wait3A_773] : memref<2x3x32x128xf32, #tpu.memory_space<vmem>> -> memref<1x1x32x128xf32, #tpu.memory_space<vmem>>
    %dma_wait3A_775 = tpu.memref_squeeze %dma_wait3A_774 : memref<1x1x32x128xf32, #tpu.memory_space<vmem>> -> memref<32x128xf32, #tpu.memory_space<vmem>>
    %dma_wait3A_776 = arith.constant 0 : i32
    %dma_wait3A_777 = tpu.memref_slice %arg3[%add3A_521, %dma_wait3A_776] : memref<8192x128xf32, #tpu.memory_space<hbm>> -> memref<32x128xf32, #tpu.memory_space<hbm>>
    %dma_wait3A_778 = arith.constant 0 : i32
    %dma_wait3A_779 = arith.constant 0 : i32
    %dma_wait3A_780 = tpu.memref_slice %arg6[%dma_wait3A_770, %dma_wait3A_771, %dma_wait3A_778, %dma_wait3A_779] : memref<2x3x32x128xf32, #tpu.memory_space<vmem>> -> memref<1x1x32x128xf32, #tpu.memory_space<vmem>>
    %dma_wait3A_781 = tpu.memref_squeeze %dma_wait3A_780 : memref<1x1x32x128xf32, #tpu.memory_space<vmem>> -> memref<32x128xf32, #tpu.memory_space<vmem>>
    %dma_wait3A_782 = arith.constant 0 : i32
    %dma_wait3A_783 = tpu.memref_slice %arg3[%add3A_521, %dma_wait3A_782] : memref<8192x128xf32, #tpu.memory_space<hbm>> -> memref<32x128xf32, #tpu.memory_space<hbm>>
    tpu.wait_dma2 semaphore(%arg8 : memref<!tpu.dma_semaphore, #tpu.memory_space<semaphore_mem>>) src(%dma_wait3A_783 : memref<32x128xf32, #tpu.memory_space<hbm>>) dst(%dma_wait3A_781 : memref<32x128xf32, #tpu.memory_space<vmem>>)
    %dma_wait3A_784 = arith.constant 0 : i32
    %dma_wait3A_785 = arith.constant 2 : i32
    %dma_wait3A_786 = arith.constant 0 : i32
    %dma_wait3A_787 = arith.constant 0 : i32
    %dma_wait3A_788 = tpu.memref_slice %arg6[%dma_wait3A_784, %dma_wait3A_785, %dma_wait3A_786, %dma_wait3A_787] : memref<2x3x32x128xf32, #tpu.memory_space<vmem>> -> memref<1x1x32x128xf32, #tpu.memory_space<vmem>>
    %dma_wait3A_789 = tpu.memref_squeeze %dma_wait3A_788 : memref<1x1x32x128xf32, #tpu.memory_space<vmem>> -> memref<32x128xf32, #tpu.memory_space<vmem>>
    %dma_wait3A_790 = arith.constant 0 : i32
    %dma_wait3A_791 = tpu.memref_slice %arg4[%add3A_521, %dma_wait3A_790] : memref<8192x128xf32, #tpu.memory_space<hbm>> -> memref<32x128xf32, #tpu.memory_space<hbm>>
    %dma_wait3A_792 = arith.constant 0 : i32
    %dma_wait3A_793 = arith.constant 0 : i32
    %dma_wait3A_794 = tpu.memref_slice %arg6[%dma_wait3A_784, %dma_wait3A_785, %dma_wait3A_792, %dma_wait3A_793] : memref<2x3x32x128xf32, #tpu.memory_space<vmem>> -> memref<1x1x32x128xf32, #tpu.memory_space<vmem>>
    %dma_wait3A_795 = tpu.memref_squeeze %dma_wait3A_794 : memref<1x1x32x128xf32, #tpu.memory_space<vmem>> -> memref<32x128xf32, #tpu.memory_space<vmem>>
    %dma_wait3A_796 = arith.constant 0 : i32
    %dma_wait3A_797 = tpu.memref_slice %arg4[%add3A_521, %dma_wait3A_796] : memref<8192x128xf32, #tpu.memory_space<hbm>> -> memref<32x128xf32, #tpu.memory_space<hbm>>
    tpu.wait_dma2 semaphore(%arg8 : memref<!tpu.dma_semaphore, #tpu.memory_space<semaphore_mem>>) src(%dma_wait3A_797 : memref<32x128xf32, #tpu.memory_space<hbm>>) dst(%dma_wait3A_795 : memref<32x128xf32, #tpu.memory_space<vmem>>)
    %dma_wait3A_798 = arith.constant 0 : i32
    %dma_wait3A_799 = arith.constant 0 : i32
    %dma_wait3A_800 = arith.constant 0 : i32
    %dma_wait3A_801 = arith.constant 0 : i32
    %dma_wait3A_802 = arith.constant 0 : i32
    %dma_wait3A_803 = tpu.memref_slice %arg7[%dma_wait3A_798, %dma_wait3A_799, %dma_wait3A_801, %dma_wait3A_802] : memref<2x3x128x128xf32, #tpu.memory_space<vmem>> -> memref<1x1x128x128xf32, #tpu.memory_space<vmem>>
    %dma_wait3A_804 = tpu.memref_squeeze %dma_wait3A_803 : memref<1x1x128x128xf32, #tpu.memory_space<vmem>> -> memref<128x128xf32, #tpu.memory_space<vmem>>
    %dma_wait3A_805 = arith.constant 0 : i32
    %dma_wait3A_806 = tpu.memref_slice %arg5[%dma_wait3A_800, %mul3A_468, %dma_wait3A_805] : memref<3x32768x128xf32, #tpu.memory_space<hbm>> -> memref<1x128x128xf32, #tpu.memory_space<hbm>>
    %dma_wait3A_807 = tpu.memref_squeeze %dma_wait3A_806 : memref<1x128x128xf32, #tpu.memory_space<hbm>> -> memref<128x128xf32, #tpu.memory_space<hbm>>
    %dma_wait3A_808 = arith.constant 0 : i32
    %dma_wait3A_809 = tpu.memref_slice %arg5[%dma_wait3A_800, %mul3A_468, %dma_wait3A_808] : memref<3x32768x128xf32, #tpu.memory_space<hbm>> -> memref<1x128x128xf32, #tpu.memory_space<hbm>>
    %dma_wait3A_810 = tpu.memref_squeeze %dma_wait3A_809 : memref<1x128x128xf32, #tpu.memory_space<hbm>> -> memref<128x128xf32, #tpu.memory_space<hbm>>
    %dma_wait3A_811 = arith.constant 0 : i32
    %dma_wait3A_812 = arith.constant 0 : i32
    %dma_wait3A_813 = tpu.memref_slice %arg7[%dma_wait3A_798, %dma_wait3A_799, %dma_wait3A_811, %dma_wait3A_812] : memref<2x3x128x128xf32, #tpu.memory_space<vmem>> -> memref<1x1x128x128xf32, #tpu.memory_space<vmem>>
    %dma_wait3A_814 = tpu.memref_squeeze %dma_wait3A_813 : memref<1x1x128x128xf32, #tpu.memory_space<vmem>> -> memref<128x128xf32, #tpu.memory_space<vmem>>
    tpu.wait_dma2 semaphore(%arg10 : memref<!tpu.dma_semaphore, #tpu.memory_space<semaphore_mem>>) src(%dma_wait3A_814 : memref<128x128xf32, #tpu.memory_space<vmem>>) dst(%dma_wait3A_810 : memref<128x128xf32, #tpu.memory_space<hbm>>)
    %dma_wait3A_815 = arith.constant 0 : i32
    %dma_wait3A_816 = arith.constant 1 : i32
    %dma_wait3A_817 = arith.constant 1 : i32
    %dma_wait3A_818 = arith.constant 0 : i32
    %dma_wait3A_819 = arith.constant 0 : i32
    %dma_wait3A_820 = tpu.memref_slice %arg7[%dma_wait3A_815, %dma_wait3A_816, %dma_wait3A_818, %dma_wait3A_819] : memref<2x3x128x128xf32, #tpu.memory_space<vmem>> -> memref<1x1x128x128xf32, #tpu.memory_space<vmem>>
    %dma_wait3A_821 = tpu.memref_squeeze %dma_wait3A_820 : memref<1x1x128x128xf32, #tpu.memory_space<vmem>> -> memref<128x128xf32, #tpu.memory_space<vmem>>
    %dma_wait3A_822 = arith.constant 0 : i32
    %dma_wait3A_823 = tpu.memref_slice %arg5[%dma_wait3A_817, %mul3A_468, %dma_wait3A_822] : memref<3x32768x128xf32, #tpu.memory_space<hbm>> -> memref<1x128x128xf32, #tpu.memory_space<hbm>>
    %dma_wait3A_824 = tpu.memref_squeeze %dma_wait3A_823 : memref<1x128x128xf32, #tpu.memory_space<hbm>> -> memref<128x128xf32, #tpu.memory_space<hbm>>
    %dma_wait3A_825 = arith.constant 0 : i32
    %dma_wait3A_826 = tpu.memref_slice %arg5[%dma_wait3A_817, %mul3A_468, %dma_wait3A_825] : memref<3x32768x128xf32, #tpu.memory_space<hbm>> -> memref<1x128x128xf32, #tpu.memory_space<hbm>>
    %dma_wait3A_827 = tpu.memref_squeeze %dma_wait3A_826 : memref<1x128x128xf32, #tpu.memory_space<hbm>> -> memref<128x128xf32, #tpu.memory_space<hbm>>
    %dma_wait3A_828 = arith.constant 0 : i32
    %dma_wait3A_829 = arith.constant 0 : i32
    %dma_wait3A_830 = tpu.memref_slice %arg7[%dma_wait3A_815, %dma_wait3A_816, %dma_wait3A_828, %dma_wait3A_829] : memref<2x3x128x128xf32, #tpu.memory_space<vmem>> -> memref<1x1x128x128xf32, #tpu.memory_space<vmem>>
    %dma_wait3A_831 = tpu.memref_squeeze %dma_wait3A_830 : memref<1x1x128x128xf32, #tpu.memory_space<vmem>> -> memref<128x128xf32, #tpu.memory_space<vmem>>
    tpu.wait_dma2 semaphore(%arg10 : memref<!tpu.dma_semaphore, #tpu.memory_space<semaphore_mem>>) src(%dma_wait3A_831 : memref<128x128xf32, #tpu.memory_space<vmem>>) dst(%dma_wait3A_827 : memref<128x128xf32, #tpu.memory_space<hbm>>)
    %dma_wait3A_832 = arith.constant 0 : i32
    %dma_wait3A_833 = arith.constant 2 : i32
    %dma_wait3A_834 = arith.constant 2 : i32
    %dma_wait3A_835 = arith.constant 0 : i32
    %dma_wait3A_836 = arith.constant 0 : i32
    %dma_wait3A_837 = tpu.memref_slice %arg7[%dma_wait3A_832, %dma_wait3A_833, %dma_wait3A_835, %dma_wait3A_836] : memref<2x3x128x128xf32, #tpu.memory_space<vmem>> -> memref<1x1x128x128xf32, #tpu.memory_space<vmem>>
    %dma_wait3A_838 = tpu.memref_squeeze %dma_wait3A_837 : memref<1x1x128x128xf32, #tpu.memory_space<vmem>> -> memref<128x128xf32, #tpu.memory_space<vmem>>
    %dma_wait3A_839 = arith.constant 0 : i32
    %dma_wait3A_840 = tpu.memref_slice %arg5[%dma_wait3A_834, %mul3A_468, %dma_wait3A_839] : memref<3x32768x128xf32, #tpu.memory_space<hbm>> -> memref<1x128x128xf32, #tpu.memory_space<hbm>>
    %dma_wait3A_841 = tpu.memref_squeeze %dma_wait3A_840 : memref<1x128x128xf32, #tpu.memory_space<hbm>> -> memref<128x128xf32, #tpu.memory_space<hbm>>
    %dma_wait3A_842 = arith.constant 0 : i32
    %dma_wait3A_843 = tpu.memref_slice %arg5[%dma_wait3A_834, %mul3A_468, %dma_wait3A_842] : memref<3x32768x128xf32, #tpu.memory_space<hbm>> -> memref<1x128x128xf32, #tpu.memory_space<hbm>>
    %dma_wait3A_844 = tpu.memref_squeeze %dma_wait3A_843 : memref<1x128x128xf32, #tpu.memory_space<hbm>> -> memref<128x128xf32, #tpu.memory_space<hbm>>
    %dma_wait3A_845 = arith.constant 0 : i32
    %dma_wait3A_846 = arith.constant 0 : i32
    %dma_wait3A_847 = tpu.memref_slice %arg7[%dma_wait3A_832, %dma_wait3A_833, %dma_wait3A_845, %dma_wait3A_846] : memref<2x3x128x128xf32, #tpu.memory_space<vmem>> -> memref<1x1x128x128xf32, #tpu.memory_space<vmem>>
    %dma_wait3A_848 = tpu.memref_squeeze %dma_wait3A_847 : memref<1x1x128x128xf32, #tpu.memory_space<vmem>> -> memref<128x128xf32, #tpu.memory_space<vmem>>
    tpu.wait_dma2 semaphore(%arg10 : memref<!tpu.dma_semaphore, #tpu.memory_space<semaphore_mem>>) src(%dma_wait3A_848 : memref<128x128xf32, #tpu.memory_space<vmem>>) dst(%dma_wait3A_844 : memref<128x128xf32, #tpu.memory_space<hbm>>)
    %add3A_849 = arith.constant 128 : i32
    %add3A_850 = arith.addi %mul3A_2, %add3A_849 : i32
    %mul3A_851 = arith.constant 4 : i32
    %mul3A_852 = arith.muli %add3A_850, %mul3A_851 : i32
    %dma_start3A_853 = arith.constant 0 : i32
    %dma_start3A_854 = arith.constant 0 : i32
    %dma_start3A_855 = arith.constant 0 : i32
    %dma_start3A_856 = arith.constant 0 : i32
    %dma_start3A_857 = arith.constant 0 : i32
    %dma_start3A_858 = tpu.memref_slice %arg7[%dma_start3A_853, %dma_start3A_854, %dma_start3A_856, %dma_start3A_857] : memref<2x3x128x128xf32, #tpu.memory_space<vmem>> -> memref<1x1x128x128xf32, #tpu.memory_space<vmem>>
    %dma_start3A_859 = tpu.memref_squeeze %dma_start3A_858 : memref<1x1x128x128xf32, #tpu.memory_space<vmem>> -> memref<128x128xf32, #tpu.memory_space<vmem>>
    %dma_start3A_860 = arith.constant 0 : i32
    %dma_start3A_861 = tpu.memref_slice %arg5[%dma_start3A_855, %mul3A_852, %dma_start3A_860] : memref<3x32768x128xf32, #tpu.memory_space<hbm>> -> memref<1x128x128xf32, #tpu.memory_space<hbm>>
    %dma_start3A_862 = tpu.memref_squeeze %dma_start3A_861 : memref<1x128x128xf32, #tpu.memory_space<hbm>> -> memref<128x128xf32, #tpu.memory_space<hbm>>
    %dma_start3A_863 = arith.constant 0 : i32
    %dma_start3A_864 = tpu.memref_slice %arg5[%dma_start3A_855, %mul3A_852, %dma_start3A_863] : memref<3x32768x128xf32, #tpu.memory_space<hbm>> -> memref<1x128x128xf32, #tpu.memory_space<hbm>>
    %dma_start3A_865 = tpu.memref_squeeze %dma_start3A_864 : memref<1x128x128xf32, #tpu.memory_space<hbm>> -> memref<128x128xf32, #tpu.memory_space<hbm>>
    %dma_start3A_866 = arith.constant 0 : i32
    %dma_start3A_867 = arith.constant 0 : i32
    %dma_start3A_868 = tpu.memref_slice %arg7[%dma_start3A_853, %dma_start3A_854, %dma_start3A_866, %dma_start3A_867] : memref<2x3x128x128xf32, #tpu.memory_space<vmem>> -> memref<1x1x128x128xf32, #tpu.memory_space<vmem>>
    %dma_start3A_869 = tpu.memref_squeeze %dma_start3A_868 : memref<1x1x128x128xf32, #tpu.memory_space<vmem>> -> memref<128x128xf32, #tpu.memory_space<vmem>>
    tpu.enqueue_dma source(%dma_start3A_869 : memref<128x128xf32, #tpu.memory_space<vmem>>) target(%dma_start3A_865 : memref<128x128xf32, #tpu.memory_space<hbm>>) target_semaphore(%arg10 : memref<!tpu.dma_semaphore, #tpu.memory_space<semaphore_mem>>)
    %dma_start3A_870 = arith.constant 0 : i32
    %dma_start3A_871 = arith.constant 1 : i32
    %dma_start3A_872 = arith.constant 1 : i32
    %dma_start3A_873 = arith.constant 0 : i32
    %dma_start3A_874 = arith.constant 0 : i32
    %dma_start3A_875 = tpu.memref_slice %arg7[%dma_start3A_870, %dma_start3A_871, %dma_start3A_873, %dma_start3A_874] : memref<2x3x128x128xf32, #tpu.memory_space<vmem>> -> memref<1x1x128x128xf32, #tpu.memory_space<vmem>>
    %dma_start3A_876 = tpu.memref_squeeze %dma_start3A_875 : memref<1x1x128x128xf32, #tpu.memory_space<vmem>> -> memref<128x128xf32, #tpu.memory_space<vmem>>
    %dma_start3A_877 = arith.constant 0 : i32
    %dma_start3A_878 = tpu.memref_slice %arg5[%dma_start3A_872, %mul3A_852, %dma_start3A_877] : memref<3x32768x128xf32, #tpu.memory_space<hbm>> -> memref<1x128x128xf32, #tpu.memory_space<hbm>>
    %dma_start3A_879 = tpu.memref_squeeze %dma_start3A_878 : memref<1x128x128xf32, #tpu.memory_space<hbm>> -> memref<128x128xf32, #tpu.memory_space<hbm>>
    %dma_start3A_880 = arith.constant 0 : i32
    %dma_start3A_881 = tpu.memref_slice %arg5[%dma_start3A_872, %mul3A_852, %dma_start3A_880] : memref<3x32768x128xf32, #tpu.memory_space<hbm>> -> memref<1x128x128xf32, #tpu.memory_space<hbm>>
    %dma_start3A_882 = tpu.memref_squeeze %dma_start3A_881 : memref<1x128x128xf32, #tpu.memory_space<hbm>> -> memref<128x128xf32, #tpu.memory_space<hbm>>
    %dma_start3A_883 = arith.constant 0 : i32
    %dma_start3A_884 = arith.constant 0 : i32
    %dma_start3A_885 = tpu.memref_slice %arg7[%dma_start3A_870, %dma_start3A_871, %dma_start3A_883, %dma_start3A_884] : memref<2x3x128x128xf32, #tpu.memory_space<vmem>> -> memref<1x1x128x128xf32, #tpu.memory_space<vmem>>
    %dma_start3A_886 = tpu.memref_squeeze %dma_start3A_885 : memref<1x1x128x128xf32, #tpu.memory_space<vmem>> -> memref<128x128xf32, #tpu.memory_space<vmem>>
    tpu.enqueue_dma source(%dma_start3A_886 : memref<128x128xf32, #tpu.memory_space<vmem>>) target(%dma_start3A_882 : memref<128x128xf32, #tpu.memory_space<hbm>>) target_semaphore(%arg10 : memref<!tpu.dma_semaphore, #tpu.memory_space<semaphore_mem>>)
    %dma_start3A_887 = arith.constant 0 : i32
    %dma_start3A_888 = arith.constant 2 : i32
    %dma_start3A_889 = arith.constant 2 : i32
    %dma_start3A_890 = arith.constant 0 : i32
    %dma_start3A_891 = arith.constant 0 : i32
    %dma_start3A_892 = tpu.memref_slice %arg7[%dma_start3A_887, %dma_start3A_888, %dma_start3A_890, %dma_start3A_891] : memref<2x3x128x128xf32, #tpu.memory_space<vmem>> -> memref<1x1x128x128xf32, #tpu.memory_space<vmem>>
    %dma_start3A_893 = tpu.memref_squeeze %dma_start3A_892 : memref<1x1x128x128xf32, #tpu.memory_space<vmem>> -> memref<128x128xf32, #tpu.memory_space<vmem>>
    %dma_start3A_894 = arith.constant 0 : i32
    %dma_start3A_895 = tpu.memref_slice %arg5[%dma_start3A_889, %mul3A_852, %dma_start3A_894] : memref<3x32768x128xf32, #tpu.memory_space<hbm>> -> memref<1x128x128xf32, #tpu.memory_space<hbm>>
    %dma_start3A_896 = tpu.memref_squeeze %dma_start3A_895 : memref<1x128x128xf32, #tpu.memory_space<hbm>> -> memref<128x128xf32, #tpu.memory_space<hbm>>
    %dma_start3A_897 = arith.constant 0 : i32
    %dma_start3A_898 = tpu.memref_slice %arg5[%dma_start3A_889, %mul3A_852, %dma_start3A_897] : memref<3x32768x128xf32, #tpu.memory_space<hbm>> -> memref<1x128x128xf32, #tpu.memory_space<hbm>>
    %dma_start3A_899 = tpu.memref_squeeze %dma_start3A_898 : memref<1x128x128xf32, #tpu.memory_space<hbm>> -> memref<128x128xf32, #tpu.memory_space<hbm>>
    %dma_start3A_900 = arith.constant 0 : i32
    %dma_start3A_901 = arith.constant 0 : i32
    %dma_start3A_902 = tpu.memref_slice %arg7[%dma_start3A_887, %dma_start3A_888, %dma_start3A_900, %dma_start3A_901] : memref<2x3x128x128xf32, #tpu.memory_space<vmem>> -> memref<1x1x128x128xf32, #tpu.memory_space<vmem>>
    %dma_start3A_903 = tpu.memref_squeeze %dma_start3A_902 : memref<1x1x128x128xf32, #tpu.memory_space<vmem>> -> memref<128x128xf32, #tpu.memory_space<vmem>>
    tpu.enqueue_dma source(%dma_start3A_903 : memref<128x128xf32, #tpu.memory_space<vmem>>) target(%dma_start3A_899 : memref<128x128xf32, #tpu.memory_space<hbm>>) target_semaphore(%arg10 : memref<!tpu.dma_semaphore, #tpu.memory_space<semaphore_mem>>)
    %add3A_904 = arith.constant 192 : i32
    %add3A_905 = arith.addi %mul3A_2, %add3A_904 : i32
    %dma_start3A_906 = arith.constant 0 : i32
    %dma_start3A_907 = arith.constant 0 : i32
    %dma_start3A_908 = arith.constant 0 : i32
    %dma_start3A_909 = arith.constant 0 : i32
    %dma_start3A_910 = tpu.memref_slice %arg6[%dma_start3A_906, %dma_start3A_907, %dma_start3A_908, %dma_start3A_909] : memref<2x3x32x128xf32, #tpu.memory_space<vmem>> -> memref<1x1x32x128xf32, #tpu.memory_space<vmem>>
    %dma_start3A_911 = tpu.memref_squeeze %dma_start3A_910 : memref<1x1x32x128xf32, #tpu.memory_space<vmem>> -> memref<32x128xf32, #tpu.memory_space<vmem>>
    %dma_start3A_912 = arith.constant 0 : i32
    %dma_start3A_913 = tpu.memref_slice %arg2[%add3A_905, %dma_start3A_912] : memref<8192x128xf32, #tpu.memory_space<hbm>> -> memref<32x128xf32, #tpu.memory_space<hbm>>
    %dma_start3A_914 = arith.constant 0 : i32
    %dma_start3A_915 = arith.constant 0 : i32
    %dma_start3A_916 = tpu.memref_slice %arg6[%dma_start3A_906, %dma_start3A_907, %dma_start3A_914, %dma_start3A_915] : memref<2x3x32x128xf32, #tpu.memory_space<vmem>> -> memref<1x1x32x128xf32, #tpu.memory_space<vmem>>
    %dma_start3A_917 = tpu.memref_squeeze %dma_start3A_916 : memref<1x1x32x128xf32, #tpu.memory_space<vmem>> -> memref<32x128xf32, #tpu.memory_space<vmem>>
    %dma_start3A_918 = arith.constant 0 : i32
    %dma_start3A_919 = tpu.memref_slice %arg2[%add3A_905, %dma_start3A_918] : memref<8192x128xf32, #tpu.memory_space<hbm>> -> memref<32x128xf32, #tpu.memory_space<hbm>>
    tpu.enqueue_dma source(%dma_start3A_919 : memref<32x128xf32, #tpu.memory_space<hbm>>) target(%dma_start3A_917 : memref<32x128xf32, #tpu.memory_space<vmem>>) target_semaphore(%arg8 : memref<!tpu.dma_semaphore, #tpu.memory_space<semaphore_mem>>)
    %dma_start3A_920 = arith.constant 0 : i32
    %dma_start3A_921 = arith.constant 1 : i32
    %dma_start3A_922 = arith.constant 0 : i32
    %dma_start3A_923 = arith.constant 0 : i32
    %dma_start3A_924 = tpu.memref_slice %arg6[%dma_start3A_920, %dma_start3A_921, %dma_start3A_922, %dma_start3A_923] : memref<2x3x32x128xf32, #tpu.memory_space<vmem>> -> memref<1x1x32x128xf32, #tpu.memory_space<vmem>>
    %dma_start3A_925 = tpu.memref_squeeze %dma_start3A_924 : memref<1x1x32x128xf32, #tpu.memory_space<vmem>> -> memref<32x128xf32, #tpu.memory_space<vmem>>
    %dma_start3A_926 = arith.constant 0 : i32
    %dma_start3A_927 = tpu.memref_slice %arg3[%add3A_905, %dma_start3A_926] : memref<8192x128xf32, #tpu.memory_space<hbm>> -> memref<32x128xf32, #tpu.memory_space<hbm>>
    %dma_start3A_928 = arith.constant 0 : i32
    %dma_start3A_929 = arith.constant 0 : i32
    %dma_start3A_930 = tpu.memref_slice %arg6[%dma_start3A_920, %dma_start3A_921, %dma_start3A_928, %dma_start3A_929] : memref<2x3x32x128xf32, #tpu.memory_space<vmem>> -> memref<1x1x32x128xf32, #tpu.memory_space<vmem>>
    %dma_start3A_931 = tpu.memref_squeeze %dma_start3A_930 : memref<1x1x32x128xf32, #tpu.memory_space<vmem>> -> memref<32x128xf32, #tpu.memory_space<vmem>>
    %dma_start3A_932 = arith.constant 0 : i32
    %dma_start3A_933 = tpu.memref_slice %arg3[%add3A_905, %dma_start3A_932] : memref<8192x128xf32, #tpu.memory_space<hbm>> -> memref<32x128xf32, #tpu.memory_space<hbm>>
    tpu.enqueue_dma source(%dma_start3A_933 : memref<32x128xf32, #tpu.memory_space<hbm>>) target(%dma_start3A_931 : memref<32x128xf32, #tpu.memory_space<vmem>>) target_semaphore(%arg8 : memref<!tpu.dma_semaphore, #tpu.memory_space<semaphore_mem>>)
    %dma_start3A_934 = arith.constant 0 : i32
    %dma_start3A_935 = arith.constant 2 : i32
    %dma_start3A_936 = arith.constant 0 : i32
    %dma_start3A_937 = arith.constant 0 : i32
    %dma_start3A_938 = tpu.memref_slice %arg6[%dma_start3A_934, %dma_start3A_935, %dma_start3A_936, %dma_start3A_937] : memref<2x3x32x128xf32, #tpu.memory_space<vmem>> -> memref<1x1x32x128xf32, #tpu.memory_space<vmem>>
    %dma_start3A_939 = tpu.memref_squeeze %dma_start3A_938 : memref<1x1x32x128xf32, #tpu.memory_space<vmem>> -> memref<32x128xf32, #tpu.memory_space<vmem>>
    %dma_start3A_940 = arith.constant 0 : i32
    %dma_start3A_941 = tpu.memref_slice %arg4[%add3A_905, %dma_start3A_940] : memref<8192x128xf32, #tpu.memory_space<hbm>> -> memref<32x128xf32, #tpu.memory_space<hbm>>
    %dma_start3A_942 = arith.constant 0 : i32
    %dma_start3A_943 = arith.constant 0 : i32
    %dma_start3A_944 = tpu.memref_slice %arg6[%dma_start3A_934, %dma_start3A_935, %dma_start3A_942, %dma_start3A_943] : memref<2x3x32x128xf32, #tpu.memory_space<vmem>> -> memref<1x1x32x128xf32, #tpu.memory_space<vmem>>
    %dma_start3A_945 = tpu.memref_squeeze %dma_start3A_944 : memref<1x1x32x128xf32, #tpu.memory_space<vmem>> -> memref<32x128xf32, #tpu.memory_space<vmem>>
    %dma_start3A_946 = arith.constant 0 : i32
    %dma_start3A_947 = tpu.memref_slice %arg4[%add3A_905, %dma_start3A_946] : memref<8192x128xf32, #tpu.memory_space<hbm>> -> memref<32x128xf32, #tpu.memory_space<hbm>>
    tpu.enqueue_dma source(%dma_start3A_947 : memref<32x128xf32, #tpu.memory_space<hbm>>) target(%dma_start3A_945 : memref<32x128xf32, #tpu.memory_space<vmem>>) target_semaphore(%arg8 : memref<!tpu.dma_semaphore, #tpu.memory_space<semaphore_mem>>)
    %dma_wait3A_948 = arith.constant 1 : i32
    %dma_wait3A_949 = arith.constant 0 : i32
    %dma_wait3A_950 = arith.constant 0 : i32
    %dma_wait3A_951 = arith.constant 0 : i32
    %dma_wait3A_952 = tpu.memref_slice %arg6[%dma_wait3A_948, %dma_wait3A_949, %dma_wait3A_950, %dma_wait3A_951] : memref<2x3x32x128xf32, #tpu.memory_space<vmem>> -> memref<1x1x32x128xf32, #tpu.memory_space<vmem>>
    %dma_wait3A_953 = tpu.memref_squeeze %dma_wait3A_952 : memref<1x1x32x128xf32, #tpu.memory_space<vmem>> -> memref<32x128xf32, #tpu.memory_space<vmem>>
    %dma_wait3A_954 = arith.constant 0 : i32
    %dma_wait3A_955 = tpu.memref_slice %arg2[%add3A_713, %dma_wait3A_954] : memref<8192x128xf32, #tpu.memory_space<hbm>> -> memref<32x128xf32, #tpu.memory_space<hbm>>
    %dma_wait3A_956 = arith.constant 0 : i32
    %dma_wait3A_957 = arith.constant 0 : i32
    %dma_wait3A_958 = tpu.memref_slice %arg6[%dma_wait3A_948, %dma_wait3A_949, %dma_wait3A_956, %dma_wait3A_957] : memref<2x3x32x128xf32, #tpu.memory_space<vmem>> -> memref<1x1x32x128xf32, #tpu.memory_space<vmem>>
    %dma_wait3A_959 = tpu.memref_squeeze %dma_wait3A_958 : memref<1x1x32x128xf32, #tpu.memory_space<vmem>> -> memref<32x128xf32, #tpu.memory_space<vmem>>
    %dma_wait3A_960 = arith.constant 0 : i32
    %dma_wait3A_961 = tpu.memref_slice %arg2[%add3A_713, %dma_wait3A_960] : memref<8192x128xf32, #tpu.memory_space<hbm>> -> memref<32x128xf32, #tpu.memory_space<hbm>>
    tpu.wait_dma2 semaphore(%arg9 : memref<!tpu.dma_semaphore, #tpu.memory_space<semaphore_mem>>) src(%dma_wait3A_961 : memref<32x128xf32, #tpu.memory_space<hbm>>) dst(%dma_wait3A_959 : memref<32x128xf32, #tpu.memory_space<vmem>>)
    %dma_wait3A_962 = arith.constant 1 : i32
    %dma_wait3A_963 = arith.constant 1 : i32
    %dma_wait3A_964 = arith.constant 0 : i32
    %dma_wait3A_965 = arith.constant 0 : i32
    %dma_wait3A_966 = tpu.memref_slice %arg6[%dma_wait3A_962, %dma_wait3A_963, %dma_wait3A_964, %dma_wait3A_965] : memref<2x3x32x128xf32, #tpu.memory_space<vmem>> -> memref<1x1x32x128xf32, #tpu.memory_space<vmem>>
    %dma_wait3A_967 = tpu.memref_squeeze %dma_wait3A_966 : memref<1x1x32x128xf32, #tpu.memory_space<vmem>> -> memref<32x128xf32, #tpu.memory_space<vmem>>
    %dma_wait3A_968 = arith.constant 0 : i32
    %dma_wait3A_969 = tpu.memref_slice %arg3[%add3A_713, %dma_wait3A_968] : memref<8192x128xf32, #tpu.memory_space<hbm>> -> memref<32x128xf32, #tpu.memory_space<hbm>>
    %dma_wait3A_970 = arith.constant 0 : i32
    %dma_wait3A_971 = arith.constant 0 : i32
    %dma_wait3A_972 = tpu.memref_slice %arg6[%dma_wait3A_962, %dma_wait3A_963, %dma_wait3A_970, %dma_wait3A_971] : memref<2x3x32x128xf32, #tpu.memory_space<vmem>> -> memref<1x1x32x128xf32, #tpu.memory_space<vmem>>
    %dma_wait3A_973 = tpu.memref_squeeze %dma_wait3A_972 : memref<1x1x32x128xf32, #tpu.memory_space<vmem>> -> memref<32x128xf32, #tpu.memory_space<vmem>>
    %dma_wait3A_974 = arith.constant 0 : i32
    %dma_wait3A_975 = tpu.memref_slice %arg3[%add3A_713, %dma_wait3A_974] : memref<8192x128xf32, #tpu.memory_space<hbm>> -> memref<32x128xf32, #tpu.memory_space<hbm>>
    tpu.wait_dma2 semaphore(%arg9 : memref<!tpu.dma_semaphore, #tpu.memory_space<semaphore_mem>>) src(%dma_wait3A_975 : memref<32x128xf32, #tpu.memory_space<hbm>>) dst(%dma_wait3A_973 : memref<32x128xf32, #tpu.memory_space<vmem>>)
    %dma_wait3A_976 = arith.constant 1 : i32
    %dma_wait3A_977 = arith.constant 2 : i32
    %dma_wait3A_978 = arith.constant 0 : i32
    %dma_wait3A_979 = arith.constant 0 : i32
    %dma_wait3A_980 = tpu.memref_slice %arg6[%dma_wait3A_976, %dma_wait3A_977, %dma_wait3A_978, %dma_wait3A_979] : memref<2x3x32x128xf32, #tpu.memory_space<vmem>> -> memref<1x1x32x128xf32, #tpu.memory_space<vmem>>
    %dma_wait3A_981 = tpu.memref_squeeze %dma_wait3A_980 : memref<1x1x32x128xf32, #tpu.memory_space<vmem>> -> memref<32x128xf32, #tpu.memory_space<vmem>>
    %dma_wait3A_982 = arith.constant 0 : i32
    %dma_wait3A_983 = tpu.memref_slice %arg4[%add3A_713, %dma_wait3A_982] : memref<8192x128xf32, #tpu.memory_space<hbm>> -> memref<32x128xf32, #tpu.memory_space<hbm>>
    %dma_wait3A_984 = arith.constant 0 : i32
    %dma_wait3A_985 = arith.constant 0 : i32
    %dma_wait3A_986 = tpu.memref_slice %arg6[%dma_wait3A_976, %dma_wait3A_977, %dma_wait3A_984, %dma_wait3A_985] : memref<2x3x32x128xf32, #tpu.memory_space<vmem>> -> memref<1x1x32x128xf32, #tpu.memory_space<vmem>>
    %dma_wait3A_987 = tpu.memref_squeeze %dma_wait3A_986 : memref<1x1x32x128xf32, #tpu.memory_space<vmem>> -> memref<32x128xf32, #tpu.memory_space<vmem>>
    %dma_wait3A_988 = arith.constant 0 : i32
    %dma_wait3A_989 = tpu.memref_slice %arg4[%add3A_713, %dma_wait3A_988] : memref<8192x128xf32, #tpu.memory_space<hbm>> -> memref<32x128xf32, #tpu.memory_space<hbm>>
    tpu.wait_dma2 semaphore(%arg9 : memref<!tpu.dma_semaphore, #tpu.memory_space<semaphore_mem>>) src(%dma_wait3A_989 : memref<32x128xf32, #tpu.memory_space<hbm>>) dst(%dma_wait3A_987 : memref<32x128xf32, #tpu.memory_space<vmem>>)
    %dma_wait3A_990 = arith.constant 1 : i32
    %dma_wait3A_991 = arith.constant 0 : i32
    %dma_wait3A_992 = arith.constant 0 : i32
    %dma_wait3A_993 = arith.constant 0 : i32
    %dma_wait3A_994 = arith.constant 0 : i32
    %dma_wait3A_995 = tpu.memref_slice %arg7[%dma_wait3A_990, %dma_wait3A_991, %dma_wait3A_993, %dma_wait3A_994] : memref<2x3x128x128xf32, #tpu.memory_space<vmem>> -> memref<1x1x128x128xf32, #tpu.memory_space<vmem>>
    %dma_wait3A_996 = tpu.memref_squeeze %dma_wait3A_995 : memref<1x1x128x128xf32, #tpu.memory_space<vmem>> -> memref<128x128xf32, #tpu.memory_space<vmem>>
    %dma_wait3A_997 = arith.constant 0 : i32
    %dma_wait3A_998 = tpu.memref_slice %arg5[%dma_wait3A_992, %mul3A_660, %dma_wait3A_997] : memref<3x32768x128xf32, #tpu.memory_space<hbm>> -> memref<1x128x128xf32, #tpu.memory_space<hbm>>
    %dma_wait3A_999 = tpu.memref_squeeze %dma_wait3A_998 : memref<1x128x128xf32, #tpu.memory_space<hbm>> -> memref<128x128xf32, #tpu.memory_space<hbm>>
    %dma_wait3A_1000 = arith.constant 0 : i32
    %dma_wait3A_1001 = tpu.memref_slice %arg5[%dma_wait3A_992, %mul3A_660, %dma_wait3A_1000] : memref<3x32768x128xf32, #tpu.memory_space<hbm>> -> memref<1x128x128xf32, #tpu.memory_space<hbm>>
    %dma_wait3A_1002 = tpu.memref_squeeze %dma_wait3A_1001 : memref<1x128x128xf32, #tpu.memory_space<hbm>> -> memref<128x128xf32, #tpu.memory_space<hbm>>
    %dma_wait3A_1003 = arith.constant 0 : i32
    %dma_wait3A_1004 = arith.constant 0 : i32
    %dma_wait3A_1005 = tpu.memref_slice %arg7[%dma_wait3A_990, %dma_wait3A_991, %dma_wait3A_1003, %dma_wait3A_1004] : memref<2x3x128x128xf32, #tpu.memory_space<vmem>> -> memref<1x1x128x128xf32, #tpu.memory_space<vmem>>
    %dma_wait3A_1006 = tpu.memref_squeeze %dma_wait3A_1005 : memref<1x1x128x128xf32, #tpu.memory_space<vmem>> -> memref<128x128xf32, #tpu.memory_space<vmem>>
    tpu.wait_dma2 semaphore(%arg11 : memref<!tpu.dma_semaphore, #tpu.memory_space<semaphore_mem>>) src(%dma_wait3A_1006 : memref<128x128xf32, #tpu.memory_space<vmem>>) dst(%dma_wait3A_1002 : memref<128x128xf32, #tpu.memory_space<hbm>>)
    %dma_wait3A_1007 = arith.constant 1 : i32
    %dma_wait3A_1008 = arith.constant 1 : i32
    %dma_wait3A_1009 = arith.constant 1 : i32
    %dma_wait3A_1010 = arith.constant 0 : i32
    %dma_wait3A_1011 = arith.constant 0 : i32
    %dma_wait3A_1012 = tpu.memref_slice %arg7[%dma_wait3A_1007, %dma_wait3A_1008, %dma_wait3A_1010, %dma_wait3A_1011] : memref<2x3x128x128xf32, #tpu.memory_space<vmem>> -> memref<1x1x128x128xf32, #tpu.memory_space<vmem>>
    %dma_wait3A_1013 = tpu.memref_squeeze %dma_wait3A_1012 : memref<1x1x128x128xf32, #tpu.memory_space<vmem>> -> memref<128x128xf32, #tpu.memory_space<vmem>>
    %dma_wait3A_1014 = arith.constant 0 : i32
    %dma_wait3A_1015 = tpu.memref_slice %arg5[%dma_wait3A_1009, %mul3A_660, %dma_wait3A_1014] : memref<3x32768x128xf32, #tpu.memory_space<hbm>> -> memref<1x128x128xf32, #tpu.memory_space<hbm>>
    %dma_wait3A_1016 = tpu.memref_squeeze %dma_wait3A_1015 : memref<1x128x128xf32, #tpu.memory_space<hbm>> -> memref<128x128xf32, #tpu.memory_space<hbm>>
    %dma_wait3A_1017 = arith.constant 0 : i32
    %dma_wait3A_1018 = tpu.memref_slice %arg5[%dma_wait3A_1009, %mul3A_660, %dma_wait3A_1017] : memref<3x32768x128xf32, #tpu.memory_space<hbm>> -> memref<1x128x128xf32, #tpu.memory_space<hbm>>
    %dma_wait3A_1019 = tpu.memref_squeeze %dma_wait3A_1018 : memref<1x128x128xf32, #tpu.memory_space<hbm>> -> memref<128x128xf32, #tpu.memory_space<hbm>>
    %dma_wait3A_1020 = arith.constant 0 : i32
    %dma_wait3A_1021 = arith.constant 0 : i32
    %dma_wait3A_1022 = tpu.memref_slice %arg7[%dma_wait3A_1007, %dma_wait3A_1008, %dma_wait3A_1020, %dma_wait3A_1021] : memref<2x3x128x128xf32, #tpu.memory_space<vmem>> -> memref<1x1x128x128xf32, #tpu.memory_space<vmem>>
    %dma_wait3A_1023 = tpu.memref_squeeze %dma_wait3A_1022 : memref<1x1x128x128xf32, #tpu.memory_space<vmem>> -> memref<128x128xf32, #tpu.memory_space<vmem>>
    tpu.wait_dma2 semaphore(%arg11 : memref<!tpu.dma_semaphore, #tpu.memory_space<semaphore_mem>>) src(%dma_wait3A_1023 : memref<128x128xf32, #tpu.memory_space<vmem>>) dst(%dma_wait3A_1019 : memref<128x128xf32, #tpu.memory_space<hbm>>)
    %dma_wait3A_1024 = arith.constant 1 : i32
    %dma_wait3A_1025 = arith.constant 2 : i32
    %dma_wait3A_1026 = arith.constant 2 : i32
    %dma_wait3A_1027 = arith.constant 0 : i32
    %dma_wait3A_1028 = arith.constant 0 : i32
    %dma_wait3A_1029 = tpu.memref_slice %arg7[%dma_wait3A_1024, %dma_wait3A_1025, %dma_wait3A_1027, %dma_wait3A_1028] : memref<2x3x128x128xf32, #tpu.memory_space<vmem>> -> memref<1x1x128x128xf32, #tpu.memory_space<vmem>>
    %dma_wait3A_1030 = tpu.memref_squeeze %dma_wait3A_1029 : memref<1x1x128x128xf32, #tpu.memory_space<vmem>> -> memref<128x128xf32, #tpu.memory_space<vmem>>
    %dma_wait3A_1031 = arith.constant 0 : i32
    %dma_wait3A_1032 = tpu.memref_slice %arg5[%dma_wait3A_1026, %mul3A_660, %dma_wait3A_1031] : memref<3x32768x128xf32, #tpu.memory_space<hbm>> -> memref<1x128x128xf32, #tpu.memory_space<hbm>>
    %dma_wait3A_1033 = tpu.memref_squeeze %dma_wait3A_1032 : memref<1x128x128xf32, #tpu.memory_space<hbm>> -> memref<128x128xf32, #tpu.memory_space<hbm>>
    %dma_wait3A_1034 = arith.constant 0 : i32
    %dma_wait3A_1035 = tpu.memref_slice %arg5[%dma_wait3A_1026, %mul3A_660, %dma_wait3A_1034] : memref<3x32768x128xf32, #tpu.memory_space<hbm>> -> memref<1x128x128xf32, #tpu.memory_space<hbm>>
    %dma_wait3A_1036 = tpu.memref_squeeze %dma_wait3A_1035 : memref<1x128x128xf32, #tpu.memory_space<hbm>> -> memref<128x128xf32, #tpu.memory_space<hbm>>
    %dma_wait3A_1037 = arith.constant 0 : i32
    %dma_wait3A_1038 = arith.constant 0 : i32
    %dma_wait3A_1039 = tpu.memref_slice %arg7[%dma_wait3A_1024, %dma_wait3A_1025, %dma_wait3A_1037, %dma_wait3A_1038] : memref<2x3x128x128xf32, #tpu.memory_space<vmem>> -> memref<1x1x128x128xf32, #tpu.memory_space<vmem>>
    %dma_wait3A_1040 = tpu.memref_squeeze %dma_wait3A_1039 : memref<1x1x128x128xf32, #tpu.memory_space<vmem>> -> memref<128x128xf32, #tpu.memory_space<vmem>>
    tpu.wait_dma2 semaphore(%arg11 : memref<!tpu.dma_semaphore, #tpu.memory_space<semaphore_mem>>) src(%dma_wait3A_1040 : memref<128x128xf32, #tpu.memory_space<vmem>>) dst(%dma_wait3A_1036 : memref<128x128xf32, #tpu.memory_space<hbm>>)
    %add3A_1041 = arith.constant 160 : i32
    %add3A_1042 = arith.addi %mul3A_2, %add3A_1041 : i32
    %mul3A_1043 = arith.constant 4 : i32
    %mul3A_1044 = arith.muli %add3A_1042, %mul3A_1043 : i32
    %dma_start3A_1045 = arith.constant 1 : i32
    %dma_start3A_1046 = arith.constant 0 : i32
    %dma_start3A_1047 = arith.constant 0 : i32
    %dma_start3A_1048 = arith.constant 0 : i32
    %dma_start3A_1049 = arith.constant 0 : i32
    %dma_start3A_1050 = tpu.memref_slice %arg7[%dma_start3A_1045, %dma_start3A_1046, %dma_start3A_1048, %dma_start3A_1049] : memref<2x3x128x128xf32, #tpu.memory_space<vmem>> -> memref<1x1x128x128xf32, #tpu.memory_space<vmem>>
    %dma_start3A_1051 = tpu.memref_squeeze %dma_start3A_1050 : memref<1x1x128x128xf32, #tpu.memory_space<vmem>> -> memref<128x128xf32, #tpu.memory_space<vmem>>
    %dma_start3A_1052 = arith.constant 0 : i32
    %dma_start3A_1053 = tpu.memref_slice %arg5[%dma_start3A_1047, %mul3A_1044, %dma_start3A_1052] : memref<3x32768x128xf32, #tpu.memory_space<hbm>> -> memref<1x128x128xf32, #tpu.memory_space<hbm>>
    %dma_start3A_1054 = tpu.memref_squeeze %dma_start3A_1053 : memref<1x128x128xf32, #tpu.memory_space<hbm>> -> memref<128x128xf32, #tpu.memory_space<hbm>>
    %dma_start3A_1055 = arith.constant 0 : i32
    %dma_start3A_1056 = tpu.memref_slice %arg5[%dma_start3A_1047, %mul3A_1044, %dma_start3A_1055] : memref<3x32768x128xf32, #tpu.memory_space<hbm>> -> memref<1x128x128xf32, #tpu.memory_space<hbm>>
    %dma_start3A_1057 = tpu.memref_squeeze %dma_start3A_1056 : memref<1x128x128xf32, #tpu.memory_space<hbm>> -> memref<128x128xf32, #tpu.memory_space<hbm>>
    %dma_start3A_1058 = arith.constant 0 : i32
    %dma_start3A_1059 = arith.constant 0 : i32
    %dma_start3A_1060 = tpu.memref_slice %arg7[%dma_start3A_1045, %dma_start3A_1046, %dma_start3A_1058, %dma_start3A_1059] : memref<2x3x128x128xf32, #tpu.memory_space<vmem>> -> memref<1x1x128x128xf32, #tpu.memory_space<vmem>>
    %dma_start3A_1061 = tpu.memref_squeeze %dma_start3A_1060 : memref<1x1x128x128xf32, #tpu.memory_space<vmem>> -> memref<128x128xf32, #tpu.memory_space<vmem>>
    tpu.enqueue_dma source(%dma_start3A_1061 : memref<128x128xf32, #tpu.memory_space<vmem>>) target(%dma_start3A_1057 : memref<128x128xf32, #tpu.memory_space<hbm>>) target_semaphore(%arg11 : memref<!tpu.dma_semaphore, #tpu.memory_space<semaphore_mem>>)
    %dma_start3A_1062 = arith.constant 1 : i32
    %dma_start3A_1063 = arith.constant 1 : i32
    %dma_start3A_1064 = arith.constant 1 : i32
    %dma_start3A_1065 = arith.constant 0 : i32
    %dma_start3A_1066 = arith.constant 0 : i32
    %dma_start3A_1067 = tpu.memref_slice %arg7[%dma_start3A_1062, %dma_start3A_1063, %dma_start3A_1065, %dma_start3A_1066] : memref<2x3x128x128xf32, #tpu.memory_space<vmem>> -> memref<1x1x128x128xf32, #tpu.memory_space<vmem>>
    %dma_start3A_1068 = tpu.memref_squeeze %dma_start3A_1067 : memref<1x1x128x128xf32, #tpu.memory_space<vmem>> -> memref<128x128xf32, #tpu.memory_space<vmem>>
    %dma_start3A_1069 = arith.constant 0 : i32
    %dma_start3A_1070 = tpu.memref_slice %arg5[%dma_start3A_1064, %mul3A_1044, %dma_start3A_1069] : memref<3x32768x128xf32, #tpu.memory_space<hbm>> -> memref<1x128x128xf32, #tpu.memory_space<hbm>>
    %dma_start3A_1071 = tpu.memref_squeeze %dma_start3A_1070 : memref<1x128x128xf32, #tpu.memory_space<hbm>> -> memref<128x128xf32, #tpu.memory_space<hbm>>
    %dma_start3A_1072 = arith.constant 0 : i32
    %dma_start3A_1073 = tpu.memref_slice %arg5[%dma_start3A_1064, %mul3A_1044, %dma_start3A_1072] : memref<3x32768x128xf32, #tpu.memory_space<hbm>> -> memref<1x128x128xf32, #tpu.memory_space<hbm>>
    %dma_start3A_1074 = tpu.memref_squeeze %dma_start3A_1073 : memref<1x128x128xf32, #tpu.memory_space<hbm>> -> memref<128x128xf32, #tpu.memory_space<hbm>>
    %dma_start3A_1075 = arith.constant 0 : i32
    %dma_start3A_1076 = arith.constant 0 : i32
    %dma_start3A_1077 = tpu.memref_slice %arg7[%dma_start3A_1062, %dma_start3A_1063, %dma_start3A_1075, %dma_start3A_1076] : memref<2x3x128x128xf32, #tpu.memory_space<vmem>> -> memref<1x1x128x128xf32, #tpu.memory_space<vmem>>
    %dma_start3A_1078 = tpu.memref_squeeze %dma_start3A_1077 : memref<1x1x128x128xf32, #tpu.memory_space<vmem>> -> memref<128x128xf32, #tpu.memory_space<vmem>>
    tpu.enqueue_dma source(%dma_start3A_1078 : memref<128x128xf32, #tpu.memory_space<vmem>>) target(%dma_start3A_1074 : memref<128x128xf32, #tpu.memory_space<hbm>>) target_semaphore(%arg11 : memref<!tpu.dma_semaphore, #tpu.memory_space<semaphore_mem>>)
    %dma_start3A_1079 = arith.constant 1 : i32
    %dma_start3A_1080 = arith.constant 2 : i32
    %dma_start3A_1081 = arith.constant 2 : i32
    %dma_start3A_1082 = arith.constant 0 : i32
    %dma_start3A_1083 = arith.constant 0 : i32
    %dma_start3A_1084 = tpu.memref_slice %arg7[%dma_start3A_1079, %dma_start3A_1080, %dma_start3A_1082, %dma_start3A_1083] : memref<2x3x128x128xf32, #tpu.memory_space<vmem>> -> memref<1x1x128x128xf32, #tpu.memory_space<vmem>>
    %dma_start3A_1085 = tpu.memref_squeeze %dma_start3A_1084 : memref<1x1x128x128xf32, #tpu.memory_space<vmem>> -> memref<128x128xf32, #tpu.memory_space<vmem>>
    %dma_start3A_1086 = arith.constant 0 : i32
    %dma_start3A_1087 = tpu.memref_slice %arg5[%dma_start3A_1081, %mul3A_1044, %dma_start3A_1086] : memref<3x32768x128xf32, #tpu.memory_space<hbm>> -> memref<1x128x128xf32, #tpu.memory_space<hbm>>
    %dma_start3A_1088 = tpu.memref_squeeze %dma_start3A_1087 : memref<1x128x128xf32, #tpu.memory_space<hbm>> -> memref<128x128xf32, #tpu.memory_space<hbm>>
    %dma_start3A_1089 = arith.constant 0 : i32
    %dma_start3A_1090 = tpu.memref_slice %arg5[%dma_start3A_1081, %mul3A_1044, %dma_start3A_1089] : memref<3x32768x128xf32, #tpu.memory_space<hbm>> -> memref<1x128x128xf32, #tpu.memory_space<hbm>>
    %dma_start3A_1091 = tpu.memref_squeeze %dma_start3A_1090 : memref<1x128x128xf32, #tpu.memory_space<hbm>> -> memref<128x128xf32, #tpu.memory_space<hbm>>
    %dma_start3A_1092 = arith.constant 0 : i32
    %dma_start3A_1093 = arith.constant 0 : i32
    %dma_start3A_1094 = tpu.memref_slice %arg7[%dma_start3A_1079, %dma_start3A_1080, %dma_start3A_1092, %dma_start3A_1093] : memref<2x3x128x128xf32, #tpu.memory_space<vmem>> -> memref<1x1x128x128xf32, #tpu.memory_space<vmem>>
    %dma_start3A_1095 = tpu.memref_squeeze %dma_start3A_1094 : memref<1x1x128x128xf32, #tpu.memory_space<vmem>> -> memref<128x128xf32, #tpu.memory_space<vmem>>
    tpu.enqueue_dma source(%dma_start3A_1095 : memref<128x128xf32, #tpu.memory_space<vmem>>) target(%dma_start3A_1091 : memref<128x128xf32, #tpu.memory_space<hbm>>) target_semaphore(%arg11 : memref<!tpu.dma_semaphore, #tpu.memory_space<semaphore_mem>>)
    %add3A_1096 = arith.constant 224 : i32
    %add3A_1097 = arith.addi %mul3A_2, %add3A_1096 : i32
    %dma_start3A_1098 = arith.constant 1 : i32
    %dma_start3A_1099 = arith.constant 0 : i32
    %dma_start3A_1100 = arith.constant 0 : i32
    %dma_start3A_1101 = arith.constant 0 : i32
    %dma_start3A_1102 = tpu.memref_slice %arg6[%dma_start3A_1098, %dma_start3A_1099, %dma_start3A_1100, %dma_start3A_1101] : memref<2x3x32x128xf32, #tpu.memory_space<vmem>> -> memref<1x1x32x128xf32, #tpu.memory_space<vmem>>
    %dma_start3A_1103 = tpu.memref_squeeze %dma_start3A_1102 : memref<1x1x32x128xf32, #tpu.memory_space<vmem>> -> memref<32x128xf32, #tpu.memory_space<vmem>>
    %dma_start3A_1104 = arith.constant 0 : i32
    %dma_start3A_1105 = tpu.memref_slice %arg2[%add3A_1097, %dma_start3A_1104] : memref<8192x128xf32, #tpu.memory_space<hbm>> -> memref<32x128xf32, #tpu.memory_space<hbm>>
    %dma_start3A_1106 = arith.constant 0 : i32
    %dma_start3A_1107 = arith.constant 0 : i32
    %dma_start3A_1108 = tpu.memref_slice %arg6[%dma_start3A_1098, %dma_start3A_1099, %dma_start3A_1106, %dma_start3A_1107] : memref<2x3x32x128xf32, #tpu.memory_space<vmem>> -> memref<1x1x32x128xf32, #tpu.memory_space<vmem>>
    %dma_start3A_1109 = tpu.memref_squeeze %dma_start3A_1108 : memref<1x1x32x128xf32, #tpu.memory_space<vmem>> -> memref<32x128xf32, #tpu.memory_space<vmem>>
    %dma_start3A_1110 = arith.constant 0 : i32
    %dma_start3A_1111 = tpu.memref_slice %arg2[%add3A_1097, %dma_start3A_1110] : memref<8192x128xf32, #tpu.memory_space<hbm>> -> memref<32x128xf32, #tpu.memory_space<hbm>>
    tpu.enqueue_dma source(%dma_start3A_1111 : memref<32x128xf32, #tpu.memory_space<hbm>>) target(%dma_start3A_1109 : memref<32x128xf32, #tpu.memory_space<vmem>>) target_semaphore(%arg9 : memref<!tpu.dma_semaphore, #tpu.memory_space<semaphore_mem>>)
    %dma_start3A_1112 = arith.constant 1 : i32
    %dma_start3A_1113 = arith.constant 1 : i32
    %dma_start3A_1114 = arith.constant 0 : i32
    %dma_start3A_1115 = arith.constant 0 : i32
    %dma_start3A_1116 = tpu.memref_slice %arg6[%dma_start3A_1112, %dma_start3A_1113, %dma_start3A_1114, %dma_start3A_1115] : memref<2x3x32x128xf32, #tpu.memory_space<vmem>> -> memref<1x1x32x128xf32, #tpu.memory_space<vmem>>
    %dma_start3A_1117 = tpu.memref_squeeze %dma_start3A_1116 : memref<1x1x32x128xf32, #tpu.memory_space<vmem>> -> memref<32x128xf32, #tpu.memory_space<vmem>>
    %dma_start3A_1118 = arith.constant 0 : i32
    %dma_start3A_1119 = tpu.memref_slice %arg3[%add3A_1097, %dma_start3A_1118] : memref<8192x128xf32, #tpu.memory_space<hbm>> -> memref<32x128xf32, #tpu.memory_space<hbm>>
    %dma_start3A_1120 = arith.constant 0 : i32
    %dma_start3A_1121 = arith.constant 0 : i32
    %dma_start3A_1122 = tpu.memref_slice %arg6[%dma_start3A_1112, %dma_start3A_1113, %dma_start3A_1120, %dma_start3A_1121] : memref<2x3x32x128xf32, #tpu.memory_space<vmem>> -> memref<1x1x32x128xf32, #tpu.memory_space<vmem>>
    %dma_start3A_1123 = tpu.memref_squeeze %dma_start3A_1122 : memref<1x1x32x128xf32, #tpu.memory_space<vmem>> -> memref<32x128xf32, #tpu.memory_space<vmem>>
    %dma_start3A_1124 = arith.constant 0 : i32
    %dma_start3A_1125 = tpu.memref_slice %arg3[%add3A_1097, %dma_start3A_1124] : memref<8192x128xf32, #tpu.memory_space<hbm>> -> memref<32x128xf32, #tpu.memory_space<hbm>>
    tpu.enqueue_dma source(%dma_start3A_1125 : memref<32x128xf32, #tpu.memory_space<hbm>>) target(%dma_start3A_1123 : memref<32x128xf32, #tpu.memory_space<vmem>>) target_semaphore(%arg9 : memref<!tpu.dma_semaphore, #tpu.memory_space<semaphore_mem>>)
    %dma_start3A_1126 = arith.constant 1 : i32
    %dma_start3A_1127 = arith.constant 2 : i32
    %dma_start3A_1128 = arith.constant 0 : i32
    %dma_start3A_1129 = arith.constant 0 : i32
    %dma_start3A_1130 = tpu.memref_slice %arg6[%dma_start3A_1126, %dma_start3A_1127, %dma_start3A_1128, %dma_start3A_1129] : memref<2x3x32x128xf32, #tpu.memory_space<vmem>> -> memref<1x1x32x128xf32, #tpu.memory_space<vmem>>
    %dma_start3A_1131 = tpu.memref_squeeze %dma_start3A_1130 : memref<1x1x32x128xf32, #tpu.memory_space<vmem>> -> memref<32x128xf32, #tpu.memory_space<vmem>>
    %dma_start3A_1132 = arith.constant 0 : i32
    %dma_start3A_1133 = tpu.memref_slice %arg4[%add3A_1097, %dma_start3A_1132] : memref<8192x128xf32, #tpu.memory_space<hbm>> -> memref<32x128xf32, #tpu.memory_space<hbm>>
    %dma_start3A_1134 = arith.constant 0 : i32
    %dma_start3A_1135 = arith.constant 0 : i32
    %dma_start3A_1136 = tpu.memref_slice %arg6[%dma_start3A_1126, %dma_start3A_1127, %dma_start3A_1134, %dma_start3A_1135] : memref<2x3x32x128xf32, #tpu.memory_space<vmem>> -> memref<1x1x32x128xf32, #tpu.memory_space<vmem>>
    %dma_start3A_1137 = tpu.memref_squeeze %dma_start3A_1136 : memref<1x1x32x128xf32, #tpu.memory_space<vmem>> -> memref<32x128xf32, #tpu.memory_space<vmem>>
    %dma_start3A_1138 = arith.constant 0 : i32
    %dma_start3A_1139 = tpu.memref_slice %arg4[%add3A_1097, %dma_start3A_1138] : memref<8192x128xf32, #tpu.memory_space<hbm>> -> memref<32x128xf32, #tpu.memory_space<hbm>>
    tpu.enqueue_dma source(%dma_start3A_1139 : memref<32x128xf32, #tpu.memory_space<hbm>>) target(%dma_start3A_1137 : memref<32x128xf32, #tpu.memory_space<vmem>>) target_semaphore(%arg9 : memref<!tpu.dma_semaphore, #tpu.memory_space<semaphore_mem>>)
    %dma_wait3A_1140 = arith.constant 0 : i32
    %dma_wait3A_1141 = arith.constant 0 : i32
    %dma_wait3A_1142 = arith.constant 0 : i32
    %dma_wait3A_1143 = arith.constant 0 : i32
    %dma_wait3A_1144 = tpu.memref_slice %arg6[%dma_wait3A_1140, %dma_wait3A_1141, %dma_wait3A_1142, %dma_wait3A_1143] : memref<2x3x32x128xf32, #tpu.memory_space<vmem>> -> memref<1x1x32x128xf32, #tpu.memory_space<vmem>>
    %dma_wait3A_1145 = tpu.memref_squeeze %dma_wait3A_1144 : memref<1x1x32x128xf32, #tpu.memory_space<vmem>> -> memref<32x128xf32, #tpu.memory_space<vmem>>
    %dma_wait3A_1146 = arith.constant 0 : i32
    %dma_wait3A_1147 = tpu.memref_slice %arg2[%add3A_905, %dma_wait3A_1146] : memref<8192x128xf32, #tpu.memory_space<hbm>> -> memref<32x128xf32, #tpu.memory_space<hbm>>
    %dma_wait3A_1148 = arith.constant 0 : i32
    %dma_wait3A_1149 = arith.constant 0 : i32
    %dma_wait3A_1150 = tpu.memref_slice %arg6[%dma_wait3A_1140, %dma_wait3A_1141, %dma_wait3A_1148, %dma_wait3A_1149] : memref<2x3x32x128xf32, #tpu.memory_space<vmem>> -> memref<1x1x32x128xf32, #tpu.memory_space<vmem>>
    %dma_wait3A_1151 = tpu.memref_squeeze %dma_wait3A_1150 : memref<1x1x32x128xf32, #tpu.memory_space<vmem>> -> memref<32x128xf32, #tpu.memory_space<vmem>>
    %dma_wait3A_1152 = arith.constant 0 : i32
    %dma_wait3A_1153 = tpu.memref_slice %arg2[%add3A_905, %dma_wait3A_1152] : memref<8192x128xf32, #tpu.memory_space<hbm>> -> memref<32x128xf32, #tpu.memory_space<hbm>>
    tpu.wait_dma2 semaphore(%arg8 : memref<!tpu.dma_semaphore, #tpu.memory_space<semaphore_mem>>) src(%dma_wait3A_1153 : memref<32x128xf32, #tpu.memory_space<hbm>>) dst(%dma_wait3A_1151 : memref<32x128xf32, #tpu.memory_space<vmem>>)
    %dma_wait3A_1154 = arith.constant 0 : i32
    %dma_wait3A_1155 = arith.constant 1 : i32
    %dma_wait3A_1156 = arith.constant 0 : i32
    %dma_wait3A_1157 = arith.constant 0 : i32
    %dma_wait3A_1158 = tpu.memref_slice %arg6[%dma_wait3A_1154, %dma_wait3A_1155, %dma_wait3A_1156, %dma_wait3A_1157] : memref<2x3x32x128xf32, #tpu.memory_space<vmem>> -> memref<1x1x32x128xf32, #tpu.memory_space<vmem>>
    %dma_wait3A_1159 = tpu.memref_squeeze %dma_wait3A_1158 : memref<1x1x32x128xf32, #tpu.memory_space<vmem>> -> memref<32x128xf32, #tpu.memory_space<vmem>>
    %dma_wait3A_1160 = arith.constant 0 : i32
    %dma_wait3A_1161 = tpu.memref_slice %arg3[%add3A_905, %dma_wait3A_1160] : memref<8192x128xf32, #tpu.memory_space<hbm>> -> memref<32x128xf32, #tpu.memory_space<hbm>>
    %dma_wait3A_1162 = arith.constant 0 : i32
    %dma_wait3A_1163 = arith.constant 0 : i32
    %dma_wait3A_1164 = tpu.memref_slice %arg6[%dma_wait3A_1154, %dma_wait3A_1155, %dma_wait3A_1162, %dma_wait3A_1163] : memref<2x3x32x128xf32, #tpu.memory_space<vmem>> -> memref<1x1x32x128xf32, #tpu.memory_space<vmem>>
    %dma_wait3A_1165 = tpu.memref_squeeze %dma_wait3A_1164 : memref<1x1x32x128xf32, #tpu.memory_space<vmem>> -> memref<32x128xf32, #tpu.memory_space<vmem>>
    %dma_wait3A_1166 = arith.constant 0 : i32
    %dma_wait3A_1167 = tpu.memref_slice %arg3[%add3A_905, %dma_wait3A_1166] : memref<8192x128xf32, #tpu.memory_space<hbm>> -> memref<32x128xf32, #tpu.memory_space<hbm>>
    tpu.wait_dma2 semaphore(%arg8 : memref<!tpu.dma_semaphore, #tpu.memory_space<semaphore_mem>>) src(%dma_wait3A_1167 : memref<32x128xf32, #tpu.memory_space<hbm>>) dst(%dma_wait3A_1165 : memref<32x128xf32, #tpu.memory_space<vmem>>)
    %dma_wait3A_1168 = arith.constant 0 : i32
    %dma_wait3A_1169 = arith.constant 2 : i32
    %dma_wait3A_1170 = arith.constant 0 : i32
    %dma_wait3A_1171 = arith.constant 0 : i32
    %dma_wait3A_1172 = tpu.memref_slice %arg6[%dma_wait3A_1168, %dma_wait3A_1169, %dma_wait3A_1170, %dma_wait3A_1171] : memref<2x3x32x128xf32, #tpu.memory_space<vmem>> -> memref<1x1x32x128xf32, #tpu.memory_space<vmem>>
    %dma_wait3A_1173 = tpu.memref_squeeze %dma_wait3A_1172 : memref<1x1x32x128xf32, #tpu.memory_space<vmem>> -> memref<32x128xf32, #tpu.memory_space<vmem>>
    %dma_wait3A_1174 = arith.constant 0 : i32
    %dma_wait3A_1175 = tpu.memref_slice %arg4[%add3A_905, %dma_wait3A_1174] : memref<8192x128xf32, #tpu.memory_space<hbm>> -> memref<32x128xf32, #tpu.memory_space<hbm>>
    %dma_wait3A_1176 = arith.constant 0 : i32
    %dma_wait3A_1177 = arith.constant 0 : i32
    %dma_wait3A_1178 = tpu.memref_slice %arg6[%dma_wait3A_1168, %dma_wait3A_1169, %dma_wait3A_1176, %dma_wait3A_1177] : memref<2x3x32x128xf32, #tpu.memory_space<vmem>> -> memref<1x1x32x128xf32, #tpu.memory_space<vmem>>
    %dma_wait3A_1179 = tpu.memref_squeeze %dma_wait3A_1178 : memref<1x1x32x128xf32, #tpu.memory_space<vmem>> -> memref<32x128xf32, #tpu.memory_space<vmem>>
    %dma_wait3A_1180 = arith.constant 0 : i32
    %dma_wait3A_1181 = tpu.memref_slice %arg4[%add3A_905, %dma_wait3A_1180] : memref<8192x128xf32, #tpu.memory_space<hbm>> -> memref<32x128xf32, #tpu.memory_space<hbm>>
    tpu.wait_dma2 semaphore(%arg8 : memref<!tpu.dma_semaphore, #tpu.memory_space<semaphore_mem>>) src(%dma_wait3A_1181 : memref<32x128xf32, #tpu.memory_space<hbm>>) dst(%dma_wait3A_1179 : memref<32x128xf32, #tpu.memory_space<vmem>>)
    %dma_wait3A_1182 = arith.constant 0 : i32
    %dma_wait3A_1183 = arith.constant 0 : i32
    %dma_wait3A_1184 = arith.constant 0 : i32
    %dma_wait3A_1185 = arith.constant 0 : i32
    %dma_wait3A_1186 = arith.constant 0 : i32
    %dma_wait3A_1187 = tpu.memref_slice %arg7[%dma_wait3A_1182, %dma_wait3A_1183, %dma_wait3A_1185, %dma_wait3A_1186] : memref<2x3x128x128xf32, #tpu.memory_space<vmem>> -> memref<1x1x128x128xf32, #tpu.memory_space<vmem>>
    %dma_wait3A_1188 = tpu.memref_squeeze %dma_wait3A_1187 : memref<1x1x128x128xf32, #tpu.memory_space<vmem>> -> memref<128x128xf32, #tpu.memory_space<vmem>>
    %dma_wait3A_1189 = arith.constant 0 : i32
    %dma_wait3A_1190 = tpu.memref_slice %arg5[%dma_wait3A_1184, %mul3A_852, %dma_wait3A_1189] : memref<3x32768x128xf32, #tpu.memory_space<hbm>> -> memref<1x128x128xf32, #tpu.memory_space<hbm>>
    %dma_wait3A_1191 = tpu.memref_squeeze %dma_wait3A_1190 : memref<1x128x128xf32, #tpu.memory_space<hbm>> -> memref<128x128xf32, #tpu.memory_space<hbm>>
    %dma_wait3A_1192 = arith.constant 0 : i32
    %dma_wait3A_1193 = tpu.memref_slice %arg5[%dma_wait3A_1184, %mul3A_852, %dma_wait3A_1192] : memref<3x32768x128xf32, #tpu.memory_space<hbm>> -> memref<1x128x128xf32, #tpu.memory_space<hbm>>
    %dma_wait3A_1194 = tpu.memref_squeeze %dma_wait3A_1193 : memref<1x128x128xf32, #tpu.memory_space<hbm>> -> memref<128x128xf32, #tpu.memory_space<hbm>>
    %dma_wait3A_1195 = arith.constant 0 : i32
    %dma_wait3A_1196 = arith.constant 0 : i32
    %dma_wait3A_1197 = tpu.memref_slice %arg7[%dma_wait3A_1182, %dma_wait3A_1183, %dma_wait3A_1195, %dma_wait3A_1196] : memref<2x3x128x128xf32, #tpu.memory_space<vmem>> -> memref<1x1x128x128xf32, #tpu.memory_space<vmem>>
    %dma_wait3A_1198 = tpu.memref_squeeze %dma_wait3A_1197 : memref<1x1x128x128xf32, #tpu.memory_space<vmem>> -> memref<128x128xf32, #tpu.memory_space<vmem>>
    tpu.wait_dma2 semaphore(%arg10 : memref<!tpu.dma_semaphore, #tpu.memory_space<semaphore_mem>>) src(%dma_wait3A_1198 : memref<128x128xf32, #tpu.memory_space<vmem>>) dst(%dma_wait3A_1194 : memref<128x128xf32, #tpu.memory_space<hbm>>)
    %dma_wait3A_1199 = arith.constant 0 : i32
    %dma_wait3A_1200 = arith.constant 1 : i32
    %dma_wait3A_1201 = arith.constant 1 : i32
    %dma_wait3A_1202 = arith.constant 0 : i32
    %dma_wait3A_1203 = arith.constant 0 : i32
    %dma_wait3A_1204 = tpu.memref_slice %arg7[%dma_wait3A_1199, %dma_wait3A_1200, %dma_wait3A_1202, %dma_wait3A_1203] : memref<2x3x128x128xf32, #tpu.memory_space<vmem>> -> memref<1x1x128x128xf32, #tpu.memory_space<vmem>>
    %dma_wait3A_1205 = tpu.memref_squeeze %dma_wait3A_1204 : memref<1x1x128x128xf32, #tpu.memory_space<vmem>> -> memref<128x128xf32, #tpu.memory_space<vmem>>
    %dma_wait3A_1206 = arith.constant 0 : i32
    %dma_wait3A_1207 = tpu.memref_slice %arg5[%dma_wait3A_1201, %mul3A_852, %dma_wait3A_1206] : memref<3x32768x128xf32, #tpu.memory_space<hbm>> -> memref<1x128x128xf32, #tpu.memory_space<hbm>>
    %dma_wait3A_1208 = tpu.memref_squeeze %dma_wait3A_1207 : memref<1x128x128xf32, #tpu.memory_space<hbm>> -> memref<128x128xf32, #tpu.memory_space<hbm>>
    %dma_wait3A_1209 = arith.constant 0 : i32
    %dma_wait3A_1210 = tpu.memref_slice %arg5[%dma_wait3A_1201, %mul3A_852, %dma_wait3A_1209] : memref<3x32768x128xf32, #tpu.memory_space<hbm>> -> memref<1x128x128xf32, #tpu.memory_space<hbm>>
    %dma_wait3A_1211 = tpu.memref_squeeze %dma_wait3A_1210 : memref<1x128x128xf32, #tpu.memory_space<hbm>> -> memref<128x128xf32, #tpu.memory_space<hbm>>
    %dma_wait3A_1212 = arith.constant 0 : i32
    %dma_wait3A_1213 = arith.constant 0 : i32
    %dma_wait3A_1214 = tpu.memref_slice %arg7[%dma_wait3A_1199, %dma_wait3A_1200, %dma_wait3A_1212, %dma_wait3A_1213] : memref<2x3x128x128xf32, #tpu.memory_space<vmem>> -> memref<1x1x128x128xf32, #tpu.memory_space<vmem>>
    %dma_wait3A_1215 = tpu.memref_squeeze %dma_wait3A_1214 : memref<1x1x128x128xf32, #tpu.memory_space<vmem>> -> memref<128x128xf32, #tpu.memory_space<vmem>>
    tpu.wait_dma2 semaphore(%arg10 : memref<!tpu.dma_semaphore, #tpu.memory_space<semaphore_mem>>) src(%dma_wait3A_1215 : memref<128x128xf32, #tpu.memory_space<vmem>>) dst(%dma_wait3A_1211 : memref<128x128xf32, #tpu.memory_space<hbm>>)
    %dma_wait3A_1216 = arith.constant 0 : i32
    %dma_wait3A_1217 = arith.constant 2 : i32
    %dma_wait3A_1218 = arith.constant 2 : i32
    %dma_wait3A_1219 = arith.constant 0 : i32
    %dma_wait3A_1220 = arith.constant 0 : i32
    %dma_wait3A_1221 = tpu.memref_slice %arg7[%dma_wait3A_1216, %dma_wait3A_1217, %dma_wait3A_1219, %dma_wait3A_1220] : memref<2x3x128x128xf32, #tpu.memory_space<vmem>> -> memref<1x1x128x128xf32, #tpu.memory_space<vmem>>
    %dma_wait3A_1222 = tpu.memref_squeeze %dma_wait3A_1221 : memref<1x1x128x128xf32, #tpu.memory_space<vmem>> -> memref<128x128xf32, #tpu.memory_space<vmem>>
    %dma_wait3A_1223 = arith.constant 0 : i32
    %dma_wait3A_1224 = tpu.memref_slice %arg5[%dma_wait3A_1218, %mul3A_852, %dma_wait3A_1223] : memref<3x32768x128xf32, #tpu.memory_space<hbm>> -> memref<1x128x128xf32, #tpu.memory_space<hbm>>
    %dma_wait3A_1225 = tpu.memref_squeeze %dma_wait3A_1224 : memref<1x128x128xf32, #tpu.memory_space<hbm>> -> memref<128x128xf32, #tpu.memory_space<hbm>>
    %dma_wait3A_1226 = arith.constant 0 : i32
    %dma_wait3A_1227 = tpu.memref_slice %arg5[%dma_wait3A_1218, %mul3A_852, %dma_wait3A_1226] : memref<3x32768x128xf32, #tpu.memory_space<hbm>> -> memref<1x128x128xf32, #tpu.memory_space<hbm>>
    %dma_wait3A_1228 = tpu.memref_squeeze %dma_wait3A_1227 : memref<1x128x128xf32, #tpu.memory_space<hbm>> -> memref<128x128xf32, #tpu.memory_space<hbm>>
    %dma_wait3A_1229 = arith.constant 0 : i32
    %dma_wait3A_1230 = arith.constant 0 : i32
    %dma_wait3A_1231 = tpu.memref_slice %arg7[%dma_wait3A_1216, %dma_wait3A_1217, %dma_wait3A_1229, %dma_wait3A_1230] : memref<2x3x128x128xf32, #tpu.memory_space<vmem>> -> memref<1x1x128x128xf32, #tpu.memory_space<vmem>>
    %dma_wait3A_1232 = tpu.memref_squeeze %dma_wait3A_1231 : memref<1x1x128x128xf32, #tpu.memory_space<vmem>> -> memref<128x128xf32, #tpu.memory_space<vmem>>
    tpu.wait_dma2 semaphore(%arg10 : memref<!tpu.dma_semaphore, #tpu.memory_space<semaphore_mem>>) src(%dma_wait3A_1232 : memref<128x128xf32, #tpu.memory_space<vmem>>) dst(%dma_wait3A_1228 : memref<128x128xf32, #tpu.memory_space<hbm>>)
    %add3A_1233 = arith.constant 192 : i32
    %add3A_1234 = arith.addi %mul3A_2, %add3A_1233 : i32
    %mul3A_1235 = arith.constant 4 : i32
    %mul3A_1236 = arith.muli %add3A_1234, %mul3A_1235 : i32
    %dma_start3A_1237 = arith.constant 0 : i32
    %dma_start3A_1238 = arith.constant 0 : i32
    %dma_start3A_1239 = arith.constant 0 : i32
    %dma_start3A_1240 = arith.constant 0 : i32
    %dma_start3A_1241 = arith.constant 0 : i32
    %dma_start3A_1242 = tpu.memref_slice %arg7[%dma_start3A_1237, %dma_start3A_1238, %dma_start3A_1240, %dma_start3A_1241] : memref<2x3x128x128xf32, #tpu.memory_space<vmem>> -> memref<1x1x128x128xf32, #tpu.memory_space<vmem>>
    %dma_start3A_1243 = tpu.memref_squeeze %dma_start3A_1242 : memref<1x1x128x128xf32, #tpu.memory_space<vmem>> -> memref<128x128xf32, #tpu.memory_space<vmem>>
    %dma_start3A_1244 = arith.constant 0 : i32
    %dma_start3A_1245 = tpu.memref_slice %arg5[%dma_start3A_1239, %mul3A_1236, %dma_start3A_1244] : memref<3x32768x128xf32, #tpu.memory_space<hbm>> -> memref<1x128x128xf32, #tpu.memory_space<hbm>>
    %dma_start3A_1246 = tpu.memref_squeeze %dma_start3A_1245 : memref<1x128x128xf32, #tpu.memory_space<hbm>> -> memref<128x128xf32, #tpu.memory_space<hbm>>
    %dma_start3A_1247 = arith.constant 0 : i32
    %dma_start3A_1248 = tpu.memref_slice %arg5[%dma_start3A_1239, %mul3A_1236, %dma_start3A_1247] : memref<3x32768x128xf32, #tpu.memory_space<hbm>> -> memref<1x128x128xf32, #tpu.memory_space<hbm>>
    %dma_start3A_1249 = tpu.memref_squeeze %dma_start3A_1248 : memref<1x128x128xf32, #tpu.memory_space<hbm>> -> memref<128x128xf32, #tpu.memory_space<hbm>>
    %dma_start3A_1250 = arith.constant 0 : i32
    %dma_start3A_1251 = arith.constant 0 : i32
    %dma_start3A_1252 = tpu.memref_slice %arg7[%dma_start3A_1237, %dma_start3A_1238, %dma_start3A_1250, %dma_start3A_1251] : memref<2x3x128x128xf32, #tpu.memory_space<vmem>> -> memref<1x1x128x128xf32, #tpu.memory_space<vmem>>
    %dma_start3A_1253 = tpu.memref_squeeze %dma_start3A_1252 : memref<1x1x128x128xf32, #tpu.memory_space<vmem>> -> memref<128x128xf32, #tpu.memory_space<vmem>>
    tpu.enqueue_dma source(%dma_start3A_1253 : memref<128x128xf32, #tpu.memory_space<vmem>>) target(%dma_start3A_1249 : memref<128x128xf32, #tpu.memory_space<hbm>>) target_semaphore(%arg10 : memref<!tpu.dma_semaphore, #tpu.memory_space<semaphore_mem>>)
    %dma_start3A_1254 = arith.constant 0 : i32
    %dma_start3A_1255 = arith.constant 1 : i32
    %dma_start3A_1256 = arith.constant 1 : i32
    %dma_start3A_1257 = arith.constant 0 : i32
    %dma_start3A_1258 = arith.constant 0 : i32
    %dma_start3A_1259 = tpu.memref_slice %arg7[%dma_start3A_1254, %dma_start3A_1255, %dma_start3A_1257, %dma_start3A_1258] : memref<2x3x128x128xf32, #tpu.memory_space<vmem>> -> memref<1x1x128x128xf32, #tpu.memory_space<vmem>>
    %dma_start3A_1260 = tpu.memref_squeeze %dma_start3A_1259 : memref<1x1x128x128xf32, #tpu.memory_space<vmem>> -> memref<128x128xf32, #tpu.memory_space<vmem>>
    %dma_start3A_1261 = arith.constant 0 : i32
    %dma_start3A_1262 = tpu.memref_slice %arg5[%dma_start3A_1256, %mul3A_1236, %dma_start3A_1261] : memref<3x32768x128xf32, #tpu.memory_space<hbm>> -> memref<1x128x128xf32, #tpu.memory_space<hbm>>
    %dma_start3A_1263 = tpu.memref_squeeze %dma_start3A_1262 : memref<1x128x128xf32, #tpu.memory_space<hbm>> -> memref<128x128xf32, #tpu.memory_space<hbm>>
    %dma_start3A_1264 = arith.constant 0 : i32
    %dma_start3A_1265 = tpu.memref_slice %arg5[%dma_start3A_1256, %mul3A_1236, %dma_start3A_1264] : memref<3x32768x128xf32, #tpu.memory_space<hbm>> -> memref<1x128x128xf32, #tpu.memory_space<hbm>>
    %dma_start3A_1266 = tpu.memref_squeeze %dma_start3A_1265 : memref<1x128x128xf32, #tpu.memory_space<hbm>> -> memref<128x128xf32, #tpu.memory_space<hbm>>
    %dma_start3A_1267 = arith.constant 0 : i32
    %dma_start3A_1268 = arith.constant 0 : i32
    %dma_start3A_1269 = tpu.memref_slice %arg7[%dma_start3A_1254, %dma_start3A_1255, %dma_start3A_1267, %dma_start3A_1268] : memref<2x3x128x128xf32, #tpu.memory_space<vmem>> -> memref<1x1x128x128xf32, #tpu.memory_space<vmem>>
    %dma_start3A_1270 = tpu.memref_squeeze %dma_start3A_1269 : memref<1x1x128x128xf32, #tpu.memory_space<vmem>> -> memref<128x128xf32, #tpu.memory_space<vmem>>
    tpu.enqueue_dma source(%dma_start3A_1270 : memref<128x128xf32, #tpu.memory_space<vmem>>) target(%dma_start3A_1266 : memref<128x128xf32, #tpu.memory_space<hbm>>) target_semaphore(%arg10 : memref<!tpu.dma_semaphore, #tpu.memory_space<semaphore_mem>>)
    %dma_start3A_1271 = arith.constant 0 : i32
    %dma_start3A_1272 = arith.constant 2 : i32
    %dma_start3A_1273 = arith.constant 2 : i32
    %dma_start3A_1274 = arith.constant 0 : i32
    %dma_start3A_1275 = arith.constant 0 : i32
    %dma_start3A_1276 = tpu.memref_slice %arg7[%dma_start3A_1271, %dma_start3A_1272, %dma_start3A_1274, %dma_start3A_1275] : memref<2x3x128x128xf32, #tpu.memory_space<vmem>> -> memref<1x1x128x128xf32, #tpu.memory_space<vmem>>
    %dma_start3A_1277 = tpu.memref_squeeze %dma_start3A_1276 : memref<1x1x128x128xf32, #tpu.memory_space<vmem>> -> memref<128x128xf32, #tpu.memory_space<vmem>>
    %dma_start3A_1278 = arith.constant 0 : i32
    %dma_start3A_1279 = tpu.memref_slice %arg5[%dma_start3A_1273, %mul3A_1236, %dma_start3A_1278] : memref<3x32768x128xf32, #tpu.memory_space<hbm>> -> memref<1x128x128xf32, #tpu.memory_space<hbm>>
    %dma_start3A_1280 = tpu.memref_squeeze %dma_start3A_1279 : memref<1x128x128xf32, #tpu.memory_space<hbm>> -> memref<128x128xf32, #tpu.memory_space<hbm>>
    %dma_start3A_1281 = arith.constant 0 : i32
    %dma_start3A_1282 = tpu.memref_slice %arg5[%dma_start3A_1273, %mul3A_1236, %dma_start3A_1281] : memref<3x32768x128xf32, #tpu.memory_space<hbm>> -> memref<1x128x128xf32, #tpu.memory_space<hbm>>
    %dma_start3A_1283 = tpu.memref_squeeze %dma_start3A_1282 : memref<1x128x128xf32, #tpu.memory_space<hbm>> -> memref<128x128xf32, #tpu.memory_space<hbm>>
    %dma_start3A_1284 = arith.constant 0 : i32
    %dma_start3A_1285 = arith.constant 0 : i32
    %dma_start3A_1286 = tpu.memref_slice %arg7[%dma_start3A_1271, %dma_start3A_1272, %dma_start3A_1284, %dma_start3A_1285] : memref<2x3x128x128xf32, #tpu.memory_space<vmem>> -> memref<1x1x128x128xf32, #tpu.memory_space<vmem>>
    %dma_start3A_1287 = tpu.memref_squeeze %dma_start3A_1286 : memref<1x1x128x128xf32, #tpu.memory_space<vmem>> -> memref<128x128xf32, #tpu.memory_space<vmem>>
    tpu.enqueue_dma source(%dma_start3A_1287 : memref<128x128xf32, #tpu.memory_space<vmem>>) target(%dma_start3A_1283 : memref<128x128xf32, #tpu.memory_space<hbm>>) target_semaphore(%arg10 : memref<!tpu.dma_semaphore, #tpu.memory_space<semaphore_mem>>)
    %dma_wait3A_1288 = arith.constant 1 : i32
    %dma_wait3A_1289 = arith.constant 0 : i32
    %dma_wait3A_1290 = arith.constant 0 : i32
    %dma_wait3A_1291 = arith.constant 0 : i32
    %dma_wait3A_1292 = tpu.memref_slice %arg6[%dma_wait3A_1288, %dma_wait3A_1289, %dma_wait3A_1290, %dma_wait3A_1291] : memref<2x3x32x128xf32, #tpu.memory_space<vmem>> -> memref<1x1x32x128xf32, #tpu.memory_space<vmem>>
    %dma_wait3A_1293 = tpu.memref_squeeze %dma_wait3A_1292 : memref<1x1x32x128xf32, #tpu.memory_space<vmem>> -> memref<32x128xf32, #tpu.memory_space<vmem>>
    %dma_wait3A_1294 = arith.constant 0 : i32
    %dma_wait3A_1295 = tpu.memref_slice %arg2[%add3A_1097, %dma_wait3A_1294] : memref<8192x128xf32, #tpu.memory_space<hbm>> -> memref<32x128xf32, #tpu.memory_space<hbm>>
    %dma_wait3A_1296 = arith.constant 0 : i32
    %dma_wait3A_1297 = arith.constant 0 : i32
    %dma_wait3A_1298 = tpu.memref_slice %arg6[%dma_wait3A_1288, %dma_wait3A_1289, %dma_wait3A_1296, %dma_wait3A_1297] : memref<2x3x32x128xf32, #tpu.memory_space<vmem>> -> memref<1x1x32x128xf32, #tpu.memory_space<vmem>>
    %dma_wait3A_1299 = tpu.memref_squeeze %dma_wait3A_1298 : memref<1x1x32x128xf32, #tpu.memory_space<vmem>> -> memref<32x128xf32, #tpu.memory_space<vmem>>
    %dma_wait3A_1300 = arith.constant 0 : i32
    %dma_wait3A_1301 = tpu.memref_slice %arg2[%add3A_1097, %dma_wait3A_1300] : memref<8192x128xf32, #tpu.memory_space<hbm>> -> memref<32x128xf32, #tpu.memory_space<hbm>>
    tpu.wait_dma2 semaphore(%arg9 : memref<!tpu.dma_semaphore, #tpu.memory_space<semaphore_mem>>) src(%dma_wait3A_1301 : memref<32x128xf32, #tpu.memory_space<hbm>>) dst(%dma_wait3A_1299 : memref<32x128xf32, #tpu.memory_space<vmem>>)
    %dma_wait3A_1302 = arith.constant 1 : i32
    %dma_wait3A_1303 = arith.constant 1 : i32
    %dma_wait3A_1304 = arith.constant 0 : i32
    %dma_wait3A_1305 = arith.constant 0 : i32
    %dma_wait3A_1306 = tpu.memref_slice %arg6[%dma_wait3A_1302, %dma_wait3A_1303, %dma_wait3A_1304, %dma_wait3A_1305] : memref<2x3x32x128xf32, #tpu.memory_space<vmem>> -> memref<1x1x32x128xf32, #tpu.memory_space<vmem>>
    %dma_wait3A_1307 = tpu.memref_squeeze %dma_wait3A_1306 : memref<1x1x32x128xf32, #tpu.memory_space<vmem>> -> memref<32x128xf32, #tpu.memory_space<vmem>>
    %dma_wait3A_1308 = arith.constant 0 : i32
    %dma_wait3A_1309 = tpu.memref_slice %arg3[%add3A_1097, %dma_wait3A_1308] : memref<8192x128xf32, #tpu.memory_space<hbm>> -> memref<32x128xf32, #tpu.memory_space<hbm>>
    %dma_wait3A_1310 = arith.constant 0 : i32
    %dma_wait3A_1311 = arith.constant 0 : i32
    %dma_wait3A_1312 = tpu.memref_slice %arg6[%dma_wait3A_1302, %dma_wait3A_1303, %dma_wait3A_1310, %dma_wait3A_1311] : memref<2x3x32x128xf32, #tpu.memory_space<vmem>> -> memref<1x1x32x128xf32, #tpu.memory_space<vmem>>
    %dma_wait3A_1313 = tpu.memref_squeeze %dma_wait3A_1312 : memref<1x1x32x128xf32, #tpu.memory_space<vmem>> -> memref<32x128xf32, #tpu.memory_space<vmem>>
    %dma_wait3A_1314 = arith.constant 0 : i32
    %dma_wait3A_1315 = tpu.memref_slice %arg3[%add3A_1097, %dma_wait3A_1314] : memref<8192x128xf32, #tpu.memory_space<hbm>> -> memref<32x128xf32, #tpu.memory_space<hbm>>
    tpu.wait_dma2 semaphore(%arg9 : memref<!tpu.dma_semaphore, #tpu.memory_space<semaphore_mem>>) src(%dma_wait3A_1315 : memref<32x128xf32, #tpu.memory_space<hbm>>) dst(%dma_wait3A_1313 : memref<32x128xf32, #tpu.memory_space<vmem>>)
    %dma_wait3A_1316 = arith.constant 1 : i32
    %dma_wait3A_1317 = arith.constant 2 : i32
    %dma_wait3A_1318 = arith.constant 0 : i32
    %dma_wait3A_1319 = arith.constant 0 : i32
    %dma_wait3A_1320 = tpu.memref_slice %arg6[%dma_wait3A_1316, %dma_wait3A_1317, %dma_wait3A_1318, %dma_wait3A_1319] : memref<2x3x32x128xf32, #tpu.memory_space<vmem>> -> memref<1x1x32x128xf32, #tpu.memory_space<vmem>>
    %dma_wait3A_1321 = tpu.memref_squeeze %dma_wait3A_1320 : memref<1x1x32x128xf32, #tpu.memory_space<vmem>> -> memref<32x128xf32, #tpu.memory_space<vmem>>
    %dma_wait3A_1322 = arith.constant 0 : i32
    %dma_wait3A_1323 = tpu.memref_slice %arg4[%add3A_1097, %dma_wait3A_1322] : memref<8192x128xf32, #tpu.memory_space<hbm>> -> memref<32x128xf32, #tpu.memory_space<hbm>>
    %dma_wait3A_1324 = arith.constant 0 : i32
    %dma_wait3A_1325 = arith.constant 0 : i32
    %dma_wait3A_1326 = tpu.memref_slice %arg6[%dma_wait3A_1316, %dma_wait3A_1317, %dma_wait3A_1324, %dma_wait3A_1325] : memref<2x3x32x128xf32, #tpu.memory_space<vmem>> -> memref<1x1x32x128xf32, #tpu.memory_space<vmem>>
    %dma_wait3A_1327 = tpu.memref_squeeze %dma_wait3A_1326 : memref<1x1x32x128xf32, #tpu.memory_space<vmem>> -> memref<32x128xf32, #tpu.memory_space<vmem>>
    %dma_wait3A_1328 = arith.constant 0 : i32
    %dma_wait3A_1329 = tpu.memref_slice %arg4[%add3A_1097, %dma_wait3A_1328] : memref<8192x128xf32, #tpu.memory_space<hbm>> -> memref<32x128xf32, #tpu.memory_space<hbm>>
    tpu.wait_dma2 semaphore(%arg9 : memref<!tpu.dma_semaphore, #tpu.memory_space<semaphore_mem>>) src(%dma_wait3A_1329 : memref<32x128xf32, #tpu.memory_space<hbm>>) dst(%dma_wait3A_1327 : memref<32x128xf32, #tpu.memory_space<vmem>>)
    %dma_wait3A_1330 = arith.constant 1 : i32
    %dma_wait3A_1331 = arith.constant 0 : i32
    %dma_wait3A_1332 = arith.constant 0 : i32
    %dma_wait3A_1333 = arith.constant 0 : i32
    %dma_wait3A_1334 = arith.constant 0 : i32
    %dma_wait3A_1335 = tpu.memref_slice %arg7[%dma_wait3A_1330, %dma_wait3A_1331, %dma_wait3A_1333, %dma_wait3A_1334] : memref<2x3x128x128xf32, #tpu.memory_space<vmem>> -> memref<1x1x128x128xf32, #tpu.memory_space<vmem>>
    %dma_wait3A_1336 = tpu.memref_squeeze %dma_wait3A_1335 : memref<1x1x128x128xf32, #tpu.memory_space<vmem>> -> memref<128x128xf32, #tpu.memory_space<vmem>>
    %dma_wait3A_1337 = arith.constant 0 : i32
    %dma_wait3A_1338 = tpu.memref_slice %arg5[%dma_wait3A_1332, %mul3A_1044, %dma_wait3A_1337] : memref<3x32768x128xf32, #tpu.memory_space<hbm>> -> memref<1x128x128xf32, #tpu.memory_space<hbm>>
    %dma_wait3A_1339 = tpu.memref_squeeze %dma_wait3A_1338 : memref<1x128x128xf32, #tpu.memory_space<hbm>> -> memref<128x128xf32, #tpu.memory_space<hbm>>
    %dma_wait3A_1340 = arith.constant 0 : i32
    %dma_wait3A_1341 = tpu.memref_slice %arg5[%dma_wait3A_1332, %mul3A_1044, %dma_wait3A_1340] : memref<3x32768x128xf32, #tpu.memory_space<hbm>> -> memref<1x128x128xf32, #tpu.memory_space<hbm>>
    %dma_wait3A_1342 = tpu.memref_squeeze %dma_wait3A_1341 : memref<1x128x128xf32, #tpu.memory_space<hbm>> -> memref<128x128xf32, #tpu.memory_space<hbm>>
    %dma_wait3A_1343 = arith.constant 0 : i32
    %dma_wait3A_1344 = arith.constant 0 : i32
    %dma_wait3A_1345 = tpu.memref_slice %arg7[%dma_wait3A_1330, %dma_wait3A_1331, %dma_wait3A_1343, %dma_wait3A_1344] : memref<2x3x128x128xf32, #tpu.memory_space<vmem>> -> memref<1x1x128x128xf32, #tpu.memory_space<vmem>>
    %dma_wait3A_1346 = tpu.memref_squeeze %dma_wait3A_1345 : memref<1x1x128x128xf32, #tpu.memory_space<vmem>> -> memref<128x128xf32, #tpu.memory_space<vmem>>
    tpu.wait_dma2 semaphore(%arg11 : memref<!tpu.dma_semaphore, #tpu.memory_space<semaphore_mem>>) src(%dma_wait3A_1346 : memref<128x128xf32, #tpu.memory_space<vmem>>) dst(%dma_wait3A_1342 : memref<128x128xf32, #tpu.memory_space<hbm>>)
    %dma_wait3A_1347 = arith.constant 1 : i32
    %dma_wait3A_1348 = arith.constant 1 : i32
    %dma_wait3A_1349 = arith.constant 1 : i32
    %dma_wait3A_1350 = arith.constant 0 : i32
    %dma_wait3A_1351 = arith.constant 0 : i32
    %dma_wait3A_1352 = tpu.memref_slice %arg7[%dma_wait3A_1347, %dma_wait3A_1348, %dma_wait3A_1350, %dma_wait3A_1351] : memref<2x3x128x128xf32, #tpu.memory_space<vmem>> -> memref<1x1x128x128xf32, #tpu.memory_space<vmem>>
    %dma_wait3A_1353 = tpu.memref_squeeze %dma_wait3A_1352 : memref<1x1x128x128xf32, #tpu.memory_space<vmem>> -> memref<128x128xf32, #tpu.memory_space<vmem>>
    %dma_wait3A_1354 = arith.constant 0 : i32
    %dma_wait3A_1355 = tpu.memref_slice %arg5[%dma_wait3A_1349, %mul3A_1044, %dma_wait3A_1354] : memref<3x32768x128xf32, #tpu.memory_space<hbm>> -> memref<1x128x128xf32, #tpu.memory_space<hbm>>
    %dma_wait3A_1356 = tpu.memref_squeeze %dma_wait3A_1355 : memref<1x128x128xf32, #tpu.memory_space<hbm>> -> memref<128x128xf32, #tpu.memory_space<hbm>>
    %dma_wait3A_1357 = arith.constant 0 : i32
    %dma_wait3A_1358 = tpu.memref_slice %arg5[%dma_wait3A_1349, %mul3A_1044, %dma_wait3A_1357] : memref<3x32768x128xf32, #tpu.memory_space<hbm>> -> memref<1x128x128xf32, #tpu.memory_space<hbm>>
    %dma_wait3A_1359 = tpu.memref_squeeze %dma_wait3A_1358 : memref<1x128x128xf32, #tpu.memory_space<hbm>> -> memref<128x128xf32, #tpu.memory_space<hbm>>
    %dma_wait3A_1360 = arith.constant 0 : i32
    %dma_wait3A_1361 = arith.constant 0 : i32
    %dma_wait3A_1362 = tpu.memref_slice %arg7[%dma_wait3A_1347, %dma_wait3A_1348, %dma_wait3A_1360, %dma_wait3A_1361] : memref<2x3x128x128xf32, #tpu.memory_space<vmem>> -> memref<1x1x128x128xf32, #tpu.memory_space<vmem>>
    %dma_wait3A_1363 = tpu.memref_squeeze %dma_wait3A_1362 : memref<1x1x128x128xf32, #tpu.memory_space<vmem>> -> memref<128x128xf32, #tpu.memory_space<vmem>>
    tpu.wait_dma2 semaphore(%arg11 : memref<!tpu.dma_semaphore, #tpu.memory_space<semaphore_mem>>) src(%dma_wait3A_1363 : memref<128x128xf32, #tpu.memory_space<vmem>>) dst(%dma_wait3A_1359 : memref<128x128xf32, #tpu.memory_space<hbm>>)
    %dma_wait3A_1364 = arith.constant 1 : i32
    %dma_wait3A_1365 = arith.constant 2 : i32
    %dma_wait3A_1366 = arith.constant 2 : i32
    %dma_wait3A_1367 = arith.constant 0 : i32
    %dma_wait3A_1368 = arith.constant 0 : i32
    %dma_wait3A_1369 = tpu.memref_slice %arg7[%dma_wait3A_1364, %dma_wait3A_1365, %dma_wait3A_1367, %dma_wait3A_1368] : memref<2x3x128x128xf32, #tpu.memory_space<vmem>> -> memref<1x1x128x128xf32, #tpu.memory_space<vmem>>
    %dma_wait3A_1370 = tpu.memref_squeeze %dma_wait3A_1369 : memref<1x1x128x128xf32, #tpu.memory_space<vmem>> -> memref<128x128xf32, #tpu.memory_space<vmem>>
    %dma_wait3A_1371 = arith.constant 0 : i32
    %dma_wait3A_1372 = tpu.memref_slice %arg5[%dma_wait3A_1366, %mul3A_1044, %dma_wait3A_1371] : memref<3x32768x128xf32, #tpu.memory_space<hbm>> -> memref<1x128x128xf32, #tpu.memory_space<hbm>>
    %dma_wait3A_1373 = tpu.memref_squeeze %dma_wait3A_1372 : memref<1x128x128xf32, #tpu.memory_space<hbm>> -> memref<128x128xf32, #tpu.memory_space<hbm>>
    %dma_wait3A_1374 = arith.constant 0 : i32
    %dma_wait3A_1375 = tpu.memref_slice %arg5[%dma_wait3A_1366, %mul3A_1044, %dma_wait3A_1374] : memref<3x32768x128xf32, #tpu.memory_space<hbm>> -> memref<1x128x128xf32, #tpu.memory_space<hbm>>
    %dma_wait3A_1376 = tpu.memref_squeeze %dma_wait3A_1375 : memref<1x128x128xf32, #tpu.memory_space<hbm>> -> memref<128x128xf32, #tpu.memory_space<hbm>>
    %dma_wait3A_1377 = arith.constant 0 : i32
    %dma_wait3A_1378 = arith.constant 0 : i32
    %dma_wait3A_1379 = tpu.memref_slice %arg7[%dma_wait3A_1364, %dma_wait3A_1365, %dma_wait3A_1377, %dma_wait3A_1378] : memref<2x3x128x128xf32, #tpu.memory_space<vmem>> -> memref<1x1x128x128xf32, #tpu.memory_space<vmem>>
    %dma_wait3A_1380 = tpu.memref_squeeze %dma_wait3A_1379 : memref<1x1x128x128xf32, #tpu.memory_space<vmem>> -> memref<128x128xf32, #tpu.memory_space<vmem>>
    tpu.wait_dma2 semaphore(%arg11 : memref<!tpu.dma_semaphore, #tpu.memory_space<semaphore_mem>>) src(%dma_wait3A_1380 : memref<128x128xf32, #tpu.memory_space<vmem>>) dst(%dma_wait3A_1376 : memref<128x128xf32, #tpu.memory_space<hbm>>)
    %add3A_1381 = arith.constant 224 : i32
    %add3A_1382 = arith.addi %mul3A_2, %add3A_1381 : i32
    %mul3A_1383 = arith.constant 4 : i32
    %mul3A_1384 = arith.muli %add3A_1382, %mul3A_1383 : i32
    %dma_start3A_1385 = arith.constant 1 : i32
    %dma_start3A_1386 = arith.constant 0 : i32
    %dma_start3A_1387 = arith.constant 0 : i32
    %dma_start3A_1388 = arith.constant 0 : i32
    %dma_start3A_1389 = arith.constant 0 : i32
    %dma_start3A_1390 = tpu.memref_slice %arg7[%dma_start3A_1385, %dma_start3A_1386, %dma_start3A_1388, %dma_start3A_1389] : memref<2x3x128x128xf32, #tpu.memory_space<vmem>> -> memref<1x1x128x128xf32, #tpu.memory_space<vmem>>
    %dma_start3A_1391 = tpu.memref_squeeze %dma_start3A_1390 : memref<1x1x128x128xf32, #tpu.memory_space<vmem>> -> memref<128x128xf32, #tpu.memory_space<vmem>>
    %dma_start3A_1392 = arith.constant 0 : i32
    %dma_start3A_1393 = tpu.memref_slice %arg5[%dma_start3A_1387, %mul3A_1384, %dma_start3A_1392] : memref<3x32768x128xf32, #tpu.memory_space<hbm>> -> memref<1x128x128xf32, #tpu.memory_space<hbm>>
    %dma_start3A_1394 = tpu.memref_squeeze %dma_start3A_1393 : memref<1x128x128xf32, #tpu.memory_space<hbm>> -> memref<128x128xf32, #tpu.memory_space<hbm>>
    %dma_start3A_1395 = arith.constant 0 : i32
    %dma_start3A_1396 = tpu.memref_slice %arg5[%dma_start3A_1387, %mul3A_1384, %dma_start3A_1395] : memref<3x32768x128xf32, #tpu.memory_space<hbm>> -> memref<1x128x128xf32, #tpu.memory_space<hbm>>
    %dma_start3A_1397 = tpu.memref_squeeze %dma_start3A_1396 : memref<1x128x128xf32, #tpu.memory_space<hbm>> -> memref<128x128xf32, #tpu.memory_space<hbm>>
    %dma_start3A_1398 = arith.constant 0 : i32
    %dma_start3A_1399 = arith.constant 0 : i32
    %dma_start3A_1400 = tpu.memref_slice %arg7[%dma_start3A_1385, %dma_start3A_1386, %dma_start3A_1398, %dma_start3A_1399] : memref<2x3x128x128xf32, #tpu.memory_space<vmem>> -> memref<1x1x128x128xf32, #tpu.memory_space<vmem>>
    %dma_start3A_1401 = tpu.memref_squeeze %dma_start3A_1400 : memref<1x1x128x128xf32, #tpu.memory_space<vmem>> -> memref<128x128xf32, #tpu.memory_space<vmem>>
    tpu.enqueue_dma source(%dma_start3A_1401 : memref<128x128xf32, #tpu.memory_space<vmem>>) target(%dma_start3A_1397 : memref<128x128xf32, #tpu.memory_space<hbm>>) target_semaphore(%arg11 : memref<!tpu.dma_semaphore, #tpu.memory_space<semaphore_mem>>)
    %dma_start3A_1402 = arith.constant 1 : i32
    %dma_start3A_1403 = arith.constant 1 : i32
    %dma_start3A_1404 = arith.constant 1 : i32
    %dma_start3A_1405 = arith.constant 0 : i32
    %dma_start3A_1406 = arith.constant 0 : i32
    %dma_start3A_1407 = tpu.memref_slice %arg7[%dma_start3A_1402, %dma_start3A_1403, %dma_start3A_1405, %dma_start3A_1406] : memref<2x3x128x128xf32, #tpu.memory_space<vmem>> -> memref<1x1x128x128xf32, #tpu.memory_space<vmem>>
    %dma_start3A_1408 = tpu.memref_squeeze %dma_start3A_1407 : memref<1x1x128x128xf32, #tpu.memory_space<vmem>> -> memref<128x128xf32, #tpu.memory_space<vmem>>
    %dma_start3A_1409 = arith.constant 0 : i32
    %dma_start3A_1410 = tpu.memref_slice %arg5[%dma_start3A_1404, %mul3A_1384, %dma_start3A_1409] : memref<3x32768x128xf32, #tpu.memory_space<hbm>> -> memref<1x128x128xf32, #tpu.memory_space<hbm>>
    %dma_start3A_1411 = tpu.memref_squeeze %dma_start3A_1410 : memref<1x128x128xf32, #tpu.memory_space<hbm>> -> memref<128x128xf32, #tpu.memory_space<hbm>>
    %dma_start3A_1412 = arith.constant 0 : i32
    %dma_start3A_1413 = tpu.memref_slice %arg5[%dma_start3A_1404, %mul3A_1384, %dma_start3A_1412] : memref<3x32768x128xf32, #tpu.memory_space<hbm>> -> memref<1x128x128xf32, #tpu.memory_space<hbm>>
    %dma_start3A_1414 = tpu.memref_squeeze %dma_start3A_1413 : memref<1x128x128xf32, #tpu.memory_space<hbm>> -> memref<128x128xf32, #tpu.memory_space<hbm>>
    %dma_start3A_1415 = arith.constant 0 : i32
    %dma_start3A_1416 = arith.constant 0 : i32
    %dma_start3A_1417 = tpu.memref_slice %arg7[%dma_start3A_1402, %dma_start3A_1403, %dma_start3A_1415, %dma_start3A_1416] : memref<2x3x128x128xf32, #tpu.memory_space<vmem>> -> memref<1x1x128x128xf32, #tpu.memory_space<vmem>>
    %dma_start3A_1418 = tpu.memref_squeeze %dma_start3A_1417 : memref<1x1x128x128xf32, #tpu.memory_space<vmem>> -> memref<128x128xf32, #tpu.memory_space<vmem>>
    tpu.enqueue_dma source(%dma_start3A_1418 : memref<128x128xf32, #tpu.memory_space<vmem>>) target(%dma_start3A_1414 : memref<128x128xf32, #tpu.memory_space<hbm>>) target_semaphore(%arg11 : memref<!tpu.dma_semaphore, #tpu.memory_space<semaphore_mem>>)
    %dma_start3A_1419 = arith.constant 1 : i32
    %dma_start3A_1420 = arith.constant 2 : i32
    %dma_start3A_1421 = arith.constant 2 : i32
    %dma_start3A_1422 = arith.constant 0 : i32
    %dma_start3A_1423 = arith.constant 0 : i32
    %dma_start3A_1424 = tpu.memref_slice %arg7[%dma_start3A_1419, %dma_start3A_1420, %dma_start3A_1422, %dma_start3A_1423] : memref<2x3x128x128xf32, #tpu.memory_space<vmem>> -> memref<1x1x128x128xf32, #tpu.memory_space<vmem>>
    %dma_start3A_1425 = tpu.memref_squeeze %dma_start3A_1424 : memref<1x1x128x128xf32, #tpu.memory_space<vmem>> -> memref<128x128xf32, #tpu.memory_space<vmem>>
    %dma_start3A_1426 = arith.constant 0 : i32
    %dma_start3A_1427 = tpu.memref_slice %arg5[%dma_start3A_1421, %mul3A_1384, %dma_start3A_1426] : memref<3x32768x128xf32, #tpu.memory_space<hbm>> -> memref<1x128x128xf32, #tpu.memory_space<hbm>>
    %dma_start3A_1428 = tpu.memref_squeeze %dma_start3A_1427 : memref<1x128x128xf32, #tpu.memory_space<hbm>> -> memref<128x128xf32, #tpu.memory_space<hbm>>
    %dma_start3A_1429 = arith.constant 0 : i32
    %dma_start3A_1430 = tpu.memref_slice %arg5[%dma_start3A_1421, %mul3A_1384, %dma_start3A_1429] : memref<3x32768x128xf32, #tpu.memory_space<hbm>> -> memref<1x128x128xf32, #tpu.memory_space<hbm>>
    %dma_start3A_1431 = tpu.memref_squeeze %dma_start3A_1430 : memref<1x128x128xf32, #tpu.memory_space<hbm>> -> memref<128x128xf32, #tpu.memory_space<hbm>>
    %dma_start3A_1432 = arith.constant 0 : i32
    %dma_start3A_1433 = arith.constant 0 : i32
    %dma_start3A_1434 = tpu.memref_slice %arg7[%dma_start3A_1419, %dma_start3A_1420, %dma_start3A_1432, %dma_start3A_1433] : memref<2x3x128x128xf32, #tpu.memory_space<vmem>> -> memref<1x1x128x128xf32, #tpu.memory_space<vmem>>
    %dma_start3A_1435 = tpu.memref_squeeze %dma_start3A_1434 : memref<1x1x128x128xf32, #tpu.memory_space<vmem>> -> memref<128x128xf32, #tpu.memory_space<vmem>>
    tpu.enqueue_dma source(%dma_start3A_1435 : memref<128x128xf32, #tpu.memory_space<vmem>>) target(%dma_start3A_1431 : memref<128x128xf32, #tpu.memory_space<hbm>>) target_semaphore(%arg11 : memref<!tpu.dma_semaphore, #tpu.memory_space<semaphore_mem>>)
    %dma_wait3A_1436 = arith.constant 0 : i32
    %dma_wait3A_1437 = arith.constant 0 : i32
    %dma_wait3A_1438 = arith.constant 0 : i32
    %dma_wait3A_1439 = arith.constant 0 : i32
    %dma_wait3A_1440 = arith.constant 0 : i32
    %dma_wait3A_1441 = tpu.memref_slice %arg7[%dma_wait3A_1436, %dma_wait3A_1437, %dma_wait3A_1439, %dma_wait3A_1440] : memref<2x3x128x128xf32, #tpu.memory_space<vmem>> -> memref<1x1x128x128xf32, #tpu.memory_space<vmem>>
    %dma_wait3A_1442 = tpu.memref_squeeze %dma_wait3A_1441 : memref<1x1x128x128xf32, #tpu.memory_space<vmem>> -> memref<128x128xf32, #tpu.memory_space<vmem>>
    %dma_wait3A_1443 = arith.constant 0 : i32
    %dma_wait3A_1444 = tpu.memref_slice %arg5[%dma_wait3A_1438, %mul3A_1236, %dma_wait3A_1443] : memref<3x32768x128xf32, #tpu.memory_space<hbm>> -> memref<1x128x128xf32, #tpu.memory_space<hbm>>
    %dma_wait3A_1445 = tpu.memref_squeeze %dma_wait3A_1444 : memref<1x128x128xf32, #tpu.memory_space<hbm>> -> memref<128x128xf32, #tpu.memory_space<hbm>>
    %dma_wait3A_1446 = arith.constant 0 : i32
    %dma_wait3A_1447 = tpu.memref_slice %arg5[%dma_wait3A_1438, %mul3A_1236, %dma_wait3A_1446] : memref<3x32768x128xf32, #tpu.memory_space<hbm>> -> memref<1x128x128xf32, #tpu.memory_space<hbm>>
    %dma_wait3A_1448 = tpu.memref_squeeze %dma_wait3A_1447 : memref<1x128x128xf32, #tpu.memory_space<hbm>> -> memref<128x128xf32, #tpu.memory_space<hbm>>
    %dma_wait3A_1449 = arith.constant 0 : i32
    %dma_wait3A_1450 = arith.constant 0 : i32
    %dma_wait3A_1451 = tpu.memref_slice %arg7[%dma_wait3A_1436, %dma_wait3A_1437, %dma_wait3A_1449, %dma_wait3A_1450] : memref<2x3x128x128xf32, #tpu.memory_space<vmem>> -> memref<1x1x128x128xf32, #tpu.memory_space<vmem>>
    %dma_wait3A_1452 = tpu.memref_squeeze %dma_wait3A_1451 : memref<1x1x128x128xf32, #tpu.memory_space<vmem>> -> memref<128x128xf32, #tpu.memory_space<vmem>>
    tpu.wait_dma2 semaphore(%arg10 : memref<!tpu.dma_semaphore, #tpu.memory_space<semaphore_mem>>) src(%dma_wait3A_1452 : memref<128x128xf32, #tpu.memory_space<vmem>>) dst(%dma_wait3A_1448 : memref<128x128xf32, #tpu.memory_space<hbm>>)
    %dma_wait3A_1453 = arith.constant 0 : i32
    %dma_wait3A_1454 = arith.constant 1 : i32
    %dma_wait3A_1455 = arith.constant 1 : i32
    %dma_wait3A_1456 = arith.constant 0 : i32
    %dma_wait3A_1457 = arith.constant 0 : i32
    %dma_wait3A_1458 = tpu.memref_slice %arg7[%dma_wait3A_1453, %dma_wait3A_1454, %dma_wait3A_1456, %dma_wait3A_1457] : memref<2x3x128x128xf32, #tpu.memory_space<vmem>> -> memref<1x1x128x128xf32, #tpu.memory_space<vmem>>
    %dma_wait3A_1459 = tpu.memref_squeeze %dma_wait3A_1458 : memref<1x1x128x128xf32, #tpu.memory_space<vmem>> -> memref<128x128xf32, #tpu.memory_space<vmem>>
    %dma_wait3A_1460 = arith.constant 0 : i32
    %dma_wait3A_1461 = tpu.memref_slice %arg5[%dma_wait3A_1455, %mul3A_1236, %dma_wait3A_1460] : memref<3x32768x128xf32, #tpu.memory_space<hbm>> -> memref<1x128x128xf32, #tpu.memory_space<hbm>>
    %dma_wait3A_1462 = tpu.memref_squeeze %dma_wait3A_1461 : memref<1x128x128xf32, #tpu.memory_space<hbm>> -> memref<128x128xf32, #tpu.memory_space<hbm>>
    %dma_wait3A_1463 = arith.constant 0 : i32
    %dma_wait3A_1464 = tpu.memref_slice %arg5[%dma_wait3A_1455, %mul3A_1236, %dma_wait3A_1463] : memref<3x32768x128xf32, #tpu.memory_space<hbm>> -> memref<1x128x128xf32, #tpu.memory_space<hbm>>
    %dma_wait3A_1465 = tpu.memref_squeeze %dma_wait3A_1464 : memref<1x128x128xf32, #tpu.memory_space<hbm>> -> memref<128x128xf32, #tpu.memory_space<hbm>>
    %dma_wait3A_1466 = arith.constant 0 : i32
    %dma_wait3A_1467 = arith.constant 0 : i32
    %dma_wait3A_1468 = tpu.memref_slice %arg7[%dma_wait3A_1453, %dma_wait3A_1454, %dma_wait3A_1466, %dma_wait3A_1467] : memref<2x3x128x128xf32, #tpu.memory_space<vmem>> -> memref<1x1x128x128xf32, #tpu.memory_space<vmem>>
    %dma_wait3A_1469 = tpu.memref_squeeze %dma_wait3A_1468 : memref<1x1x128x128xf32, #tpu.memory_space<vmem>> -> memref<128x128xf32, #tpu.memory_space<vmem>>
    tpu.wait_dma2 semaphore(%arg10 : memref<!tpu.dma_semaphore, #tpu.memory_space<semaphore_mem>>) src(%dma_wait3A_1469 : memref<128x128xf32, #tpu.memory_space<vmem>>) dst(%dma_wait3A_1465 : memref<128x128xf32, #tpu.memory_space<hbm>>)
    %dma_wait3A_1470 = arith.constant 0 : i32
    %dma_wait3A_1471 = arith.constant 2 : i32
    %dma_wait3A_1472 = arith.constant 2 : i32
    %dma_wait3A_1473 = arith.constant 0 : i32
    %dma_wait3A_1474 = arith.constant 0 : i32
    %dma_wait3A_1475 = tpu.memref_slice %arg7[%dma_wait3A_1470, %dma_wait3A_1471, %dma_wait3A_1473, %dma_wait3A_1474] : memref<2x3x128x128xf32, #tpu.memory_space<vmem>> -> memref<1x1x128x128xf32, #tpu.memory_space<vmem>>
    %dma_wait3A_1476 = tpu.memref_squeeze %dma_wait3A_1475 : memref<1x1x128x128xf32, #tpu.memory_space<vmem>> -> memref<128x128xf32, #tpu.memory_space<vmem>>
    %dma_wait3A_1477 = arith.constant 0 : i32
    %dma_wait3A_1478 = tpu.memref_slice %arg5[%dma_wait3A_1472, %mul3A_1236, %dma_wait3A_1477] : memref<3x32768x128xf32, #tpu.memory_space<hbm>> -> memref<1x128x128xf32, #tpu.memory_space<hbm>>
    %dma_wait3A_1479 = tpu.memref_squeeze %dma_wait3A_1478 : memref<1x128x128xf32, #tpu.memory_space<hbm>> -> memref<128x128xf32, #tpu.memory_space<hbm>>
    %dma_wait3A_1480 = arith.constant 0 : i32
    %dma_wait3A_1481 = tpu.memref_slice %arg5[%dma_wait3A_1472, %mul3A_1236, %dma_wait3A_1480] : memref<3x32768x128xf32, #tpu.memory_space<hbm>> -> memref<1x128x128xf32, #tpu.memory_space<hbm>>
    %dma_wait3A_1482 = tpu.memref_squeeze %dma_wait3A_1481 : memref<1x128x128xf32, #tpu.memory_space<hbm>> -> memref<128x128xf32, #tpu.memory_space<hbm>>
    %dma_wait3A_1483 = arith.constant 0 : i32
    %dma_wait3A_1484 = arith.constant 0 : i32
    %dma_wait3A_1485 = tpu.memref_slice %arg7[%dma_wait3A_1470, %dma_wait3A_1471, %dma_wait3A_1483, %dma_wait3A_1484] : memref<2x3x128x128xf32, #tpu.memory_space<vmem>> -> memref<1x1x128x128xf32, #tpu.memory_space<vmem>>
    %dma_wait3A_1486 = tpu.memref_squeeze %dma_wait3A_1485 : memref<1x1x128x128xf32, #tpu.memory_space<vmem>> -> memref<128x128xf32, #tpu.memory_space<vmem>>
    tpu.wait_dma2 semaphore(%arg10 : memref<!tpu.dma_semaphore, #tpu.memory_space<semaphore_mem>>) src(%dma_wait3A_1486 : memref<128x128xf32, #tpu.memory_space<vmem>>) dst(%dma_wait3A_1482 : memref<128x128xf32, #tpu.memory_space<hbm>>)
    %dma_wait3A_1487 = arith.constant 1 : i32
    %dma_wait3A_1488 = arith.constant 0 : i32
    %dma_wait3A_1489 = arith.constant 0 : i32
    %dma_wait3A_1490 = arith.constant 0 : i32
    %dma_wait3A_1491 = arith.constant 0 : i32
    %dma_wait3A_1492 = tpu.memref_slice %arg7[%dma_wait3A_1487, %dma_wait3A_1488, %dma_wait3A_1490, %dma_wait3A_1491] : memref<2x3x128x128xf32, #tpu.memory_space<vmem>> -> memref<1x1x128x128xf32, #tpu.memory_space<vmem>>
    %dma_wait3A_1493 = tpu.memref_squeeze %dma_wait3A_1492 : memref<1x1x128x128xf32, #tpu.memory_space<vmem>> -> memref<128x128xf32, #tpu.memory_space<vmem>>
    %dma_wait3A_1494 = arith.constant 0 : i32
    %dma_wait3A_1495 = tpu.memref_slice %arg5[%dma_wait3A_1489, %mul3A_1384, %dma_wait3A_1494] : memref<3x32768x128xf32, #tpu.memory_space<hbm>> -> memref<1x128x128xf32, #tpu.memory_space<hbm>>
    %dma_wait3A_1496 = tpu.memref_squeeze %dma_wait3A_1495 : memref<1x128x128xf32, #tpu.memory_space<hbm>> -> memref<128x128xf32, #tpu.memory_space<hbm>>
    %dma_wait3A_1497 = arith.constant 0 : i32
    %dma_wait3A_1498 = tpu.memref_slice %arg5[%dma_wait3A_1489, %mul3A_1384, %dma_wait3A_1497] : memref<3x32768x128xf32, #tpu.memory_space<hbm>> -> memref<1x128x128xf32, #tpu.memory_space<hbm>>
    %dma_wait3A_1499 = tpu.memref_squeeze %dma_wait3A_1498 : memref<1x128x128xf32, #tpu.memory_space<hbm>> -> memref<128x128xf32, #tpu.memory_space<hbm>>
    %dma_wait3A_1500 = arith.constant 0 : i32
    %dma_wait3A_1501 = arith.constant 0 : i32
    %dma_wait3A_1502 = tpu.memref_slice %arg7[%dma_wait3A_1487, %dma_wait3A_1488, %dma_wait3A_1500, %dma_wait3A_1501] : memref<2x3x128x128xf32, #tpu.memory_space<vmem>> -> memref<1x1x128x128xf32, #tpu.memory_space<vmem>>
    %dma_wait3A_1503 = tpu.memref_squeeze %dma_wait3A_1502 : memref<1x1x128x128xf32, #tpu.memory_space<vmem>> -> memref<128x128xf32, #tpu.memory_space<vmem>>
    tpu.wait_dma2 semaphore(%arg11 : memref<!tpu.dma_semaphore, #tpu.memory_space<semaphore_mem>>) src(%dma_wait3A_1503 : memref<128x128xf32, #tpu.memory_space<vmem>>) dst(%dma_wait3A_1499 : memref<128x128xf32, #tpu.memory_space<hbm>>)
    %dma_wait3A_1504 = arith.constant 1 : i32
    %dma_wait3A_1505 = arith.constant 1 : i32
    %dma_wait3A_1506 = arith.constant 1 : i32
    %dma_wait3A_1507 = arith.constant 0 : i32
    %dma_wait3A_1508 = arith.constant 0 : i32
    %dma_wait3A_1509 = tpu.memref_slice %arg7[%dma_wait3A_1504, %dma_wait3A_1505, %dma_wait3A_1507, %dma_wait3A_1508] : memref<2x3x128x128xf32, #tpu.memory_space<vmem>> -> memref<1x1x128x128xf32, #tpu.memory_space<vmem>>
    %dma_wait3A_1510 = tpu.memref_squeeze %dma_wait3A_1509 : memref<1x1x128x128xf32, #tpu.memory_space<vmem>> -> memref<128x128xf32, #tpu.memory_space<vmem>>
    %dma_wait3A_1511 = arith.constant 0 : i32
    %dma_wait3A_1512 = tpu.memref_slice %arg5[%dma_wait3A_1506, %mul3A_1384, %dma_wait3A_1511] : memref<3x32768x128xf32, #tpu.memory_space<hbm>> -> memref<1x128x128xf32, #tpu.memory_space<hbm>>
    %dma_wait3A_1513 = tpu.memref_squeeze %dma_wait3A_1512 : memref<1x128x128xf32, #tpu.memory_space<hbm>> -> memref<128x128xf32, #tpu.memory_space<hbm>>
    %dma_wait3A_1514 = arith.constant 0 : i32
    %dma_wait3A_1515 = tpu.memref_slice %arg5[%dma_wait3A_1506, %mul3A_1384, %dma_wait3A_1514] : memref<3x32768x128xf32, #tpu.memory_space<hbm>> -> memref<1x128x128xf32, #tpu.memory_space<hbm>>
    %dma_wait3A_1516 = tpu.memref_squeeze %dma_wait3A_1515 : memref<1x128x128xf32, #tpu.memory_space<hbm>> -> memref<128x128xf32, #tpu.memory_space<hbm>>
    %dma_wait3A_1517 = arith.constant 0 : i32
    %dma_wait3A_1518 = arith.constant 0 : i32
    %dma_wait3A_1519 = tpu.memref_slice %arg7[%dma_wait3A_1504, %dma_wait3A_1505, %dma_wait3A_1517, %dma_wait3A_1518] : memref<2x3x128x128xf32, #tpu.memory_space<vmem>> -> memref<1x1x128x128xf32, #tpu.memory_space<vmem>>
    %dma_wait3A_1520 = tpu.memref_squeeze %dma_wait3A_1519 : memref<1x1x128x128xf32, #tpu.memory_space<vmem>> -> memref<128x128xf32, #tpu.memory_space<vmem>>
    tpu.wait_dma2 semaphore(%arg11 : memref<!tpu.dma_semaphore, #tpu.memory_space<semaphore_mem>>) src(%dma_wait3A_1520 : memref<128x128xf32, #tpu.memory_space<vmem>>) dst(%dma_wait3A_1516 : memref<128x128xf32, #tpu.memory_space<hbm>>)
    %dma_wait3A_1521 = arith.constant 1 : i32
    %dma_wait3A_1522 = arith.constant 2 : i32
    %dma_wait3A_1523 = arith.constant 2 : i32
    %dma_wait3A_1524 = arith.constant 0 : i32
    %dma_wait3A_1525 = arith.constant 0 : i32
    %dma_wait3A_1526 = tpu.memref_slice %arg7[%dma_wait3A_1521, %dma_wait3A_1522, %dma_wait3A_1524, %dma_wait3A_1525] : memref<2x3x128x128xf32, #tpu.memory_space<vmem>> -> memref<1x1x128x128xf32, #tpu.memory_space<vmem>>
    %dma_wait3A_1527 = tpu.memref_squeeze %dma_wait3A_1526 : memref<1x1x128x128xf32, #tpu.memory_space<vmem>> -> memref<128x128xf32, #tpu.memory_space<vmem>>
    %dma_wait3A_1528 = arith.constant 0 : i32
    %dma_wait3A_1529 = tpu.memref_slice %arg5[%dma_wait3A_1523, %mul3A_1384, %dma_wait3A_1528] : memref<3x32768x128xf32, #tpu.memory_space<hbm>> -> memref<1x128x128xf32, #tpu.memory_space<hbm>>
    %dma_wait3A_1530 = tpu.memref_squeeze %dma_wait3A_1529 : memref<1x128x128xf32, #tpu.memory_space<hbm>> -> memref<128x128xf32, #tpu.memory_space<hbm>>
    %dma_wait3A_1531 = arith.constant 0 : i32
    %dma_wait3A_1532 = tpu.memref_slice %arg5[%dma_wait3A_1523, %mul3A_1384, %dma_wait3A_1531] : memref<3x32768x128xf32, #tpu.memory_space<hbm>> -> memref<1x128x128xf32, #tpu.memory_space<hbm>>
    %dma_wait3A_1533 = tpu.memref_squeeze %dma_wait3A_1532 : memref<1x128x128xf32, #tpu.memory_space<hbm>> -> memref<128x128xf32, #tpu.memory_space<hbm>>
    %dma_wait3A_1534 = arith.constant 0 : i32
    %dma_wait3A_1535 = arith.constant 0 : i32
    %dma_wait3A_1536 = tpu.memref_slice %arg7[%dma_wait3A_1521, %dma_wait3A_1522, %dma_wait3A_1534, %dma_wait3A_1535] : memref<2x3x128x128xf32, #tpu.memory_space<vmem>> -> memref<1x1x128x128xf32, #tpu.memory_space<vmem>>
    %dma_wait3A_1537 = tpu.memref_squeeze %dma_wait3A_1536 : memref<1x1x128x128xf32, #tpu.memory_space<vmem>> -> memref<128x128xf32, #tpu.memory_space<vmem>>
    tpu.wait_dma2 semaphore(%arg11 : memref<!tpu.dma_semaphore, #tpu.memory_space<semaphore_mem>>) src(%dma_wait3A_1537 : memref<128x128xf32, #tpu.memory_space<vmem>>) dst(%dma_wait3A_1533 : memref<128x128xf32, #tpu.memory_space<hbm>>)
    return
  }
}

</mosaic_0001>

<sc_bundles>
// kernel: kernel.3.cloned.1.call-start
scs
__scs_entry_jumppad:
0x0: {  	(pc) =	sbr.rel $0x88, $3  }
0x1: {  	(tag) =	ssettag $0x0;
	lr =	simm.s32 $0x1  }
0x2: {  	[smem:$0x3FA0] =	sst lr;
	_ =	strace $0xD0000000  }
0x3: {  	_ = 	snop  }
0x4: {  	_ = 	snop  }
0x5: {  	_ = 	snop  }
0x6: {  	_ = 	snop  }
0x7: {  	_ = 	snop  }
__scs_overlays_trampoline_lowered:
0x8: {  	[smem:$0x3FAF] =	sst s0  }
0x9: {  	[smem:$0x3FB0] =	sst s1  }
0xa: {  	[smem:$0x3FB1] =	sst s2  }
0xb: {  	[smem:$0x3FB2] =	sst s3  }
0xc: {  	[smem:$0x3FB3] =	sst s4  }
0xd: {  	[smem:$0x3FB4] =	sst s5  }
0xe: {  	[smem:$0x3FB5] =	sst s6  }
0xf: {  	[smem:$0x3FB6] =	sst s7  }
0x10: {  	[smem:$0x3FB7] =	sst s8  }
0x11: {  	[smem:$0x3FB8] =	sst s9;
	s0 =	simm.s32 @!p0 $0x0  }
0x12: {  	s1 =	sld [smem:$0x3F9E];
	s0 =	simm.s32 @p0 $0x1  }
0x13: {  	[smem:$0x3FB9] =	sst s0;
	s0 =	simm.s32 @!p1 $0x0  }
0x14: {  	s2 =	sld [smem:$0x3F9D];
	s0 =	simm.s32 @p1 $0x1  }
0x15: {  	[smem:$0x3FBA] =	sst s0;
	s0 =	simm.s32 @!p2 $0x0  }
0x16: {  	s3 =	sld [smem:$0x3FDB];
	s0 =	simm.s32 @p2 $0x1  }
0x17: {  	s4 =	simm.s32 $0x1BF5;
	[smem:$0x3FBC] =	sst s0  }
0x18: {  	s0 =	sld [smem:$0x3F9F];
	_ =	swait.ge [sflag:s4], $0x0  }
0x19: {  	s7 =	sld [smem:$0x3FA0]  }
0x1a: {  	s8 =	sadd.s32 $0xFFFFE003, lr  }
0x1b: {  	s9 =	sadd.s32 $0xFFFFFEF7, lr;
	s5 =	simm.s32 $0xFFFFFFFF;
	p2 =	slt.u32 s8, $0xFFFFF086  }
0x1c: {  	p1 =	slt.u32 s9, $0xF7A;
	s5 =	simm.s32 @!p2 $0x0  }
0x1d: {  	s5 =	simm.s32 @p1 $0x1;
	p0 =	seq.s32 s7, s2  }
0x1e: {  	s7 =	smul.u32 @!p0 $0xF7A, s2;
	p2 =	seq.s32 @!p0 s5, $0x0  }
0x1f: {  	s9 =	smul.u32 $0xF7A, s1;
	s8 =	simm.s32 @!p0 $0x1BF5;
	p2 =	por !p2, p0  }
0x20: {  	[sflag:s8] =	ssyncset.s32 @!p0 $0xFFFFF086;
	s6 =	sadd.s32 @!p0 s3, s7;
	s7 =	simm.s32 @!p0 $0x108  }
0x21: {  	s3 =	sadd.s32 s3, s9;
	s6 =	sadd.s32 @!p0 $0x88, s6;
	s7 =	simm.s32 @p2 $0x1082  }
0x22: {  	[simem:s7], [sflag:s8] =	dma.local @!p0 [hbm:s6], $0xF7A  }
0x23: {  	s9 =	sor.u32 $0xD0000000, s2;
	s6 =	simm.s32 $0x108;
	_ =	swait.ge @!p0 [sflag:s8], $0x0  }
0x24: {  	s3 =	sadd.s32 $0x88, s3;
	s6 =	simm.s32 @!p1 $0x1082;
	[sflag:s4] =	ssyncset.s32 $0xFFFFF086  }
0x25: {  	[simem:s6], [sflag:s4] =	dma.local [hbm:s3], $0xF7A  }
0x26: {  	[smem:$0x3FA0] =	sst s1;
	(tag) =	ssettag s2;
	_ =	strace s9  }
0x27: {  	s1 =	sld [smem:$0x3FB0]  }
0x28: {  	s2 =	sld [smem:$0x3FB1]  }
0x29: {  	s4 =	sld [smem:$0x3FB3]  }
0x2a: {  	p0 =	seq.s32 s5, $0x0;
	s5 =	sld [smem:$0x3FB4]  }
0x2b: {  	s6 =	sld [smem:$0x3FB5]  }
0x2c: {  	s7 =	sld [smem:$0x3FB6]  }
0x2d: {  	s3 =	simm.s32 $0x108;
	s8 =	sld [smem:$0x3FB7]  }
0x2e: {  	s3 =	simm.s32 @!p0 $0x1082;
	s9 =	sld [smem:$0x3FB8]  }
0x2f: {  	lr =	sadd.s32 s0, s3;
	s0 =	sld [smem:$0x3FAF]  }
0x30: {  	s3 =	sld [smem:$0x3FB2]  }
0x31: {  	[smem:$0x3FBB] =	sst s10  }
0x32: {  	s10 =	sld [smem:$0x3FB9];
	_ =	sdelay $0x3  }
0x33: {  	p0 =	seq.s32 s10, $0x1;
	s10 =	sld [smem:$0x3FBB];
	_ =	sdelay $0x3  }
0x34: {  	[smem:$0x3FBB] =	sst s10  }
0x35: {  	s10 =	sld [smem:$0x3FBA];
	_ =	sdelay $0x3  }
0x36: {  	p1 =	seq.s32 s10, $0x1;
	s10 =	sld [smem:$0x3FBB];
	_ =	sdelay $0x3  }
0x37: {  	[smem:$0x3FBB] =	sst s10  }
0x38: {  	s10 =	sld [smem:$0x3FBC]  }
0x39: {  	_ = 	snop;
	(pc) =	sbr.ind lr, $3  }
0x3a: {  	_ = 	snop  }
0x3b: {  	_ = 	snop  }
0x3c: {  	p2 =	seq.s32 s10, $0x1;
	s10 =	sld [smem:$0x3FBB]  }
0x3d: {  	_ =	shalt  }
0x3e: {  	_ =	shalt  }
0x3f: {  	_ =	shalt  }
0x40: {  	_ =	shalt  }
0x41: {  	_ =	shalt  }
0x42: {  	_ =	shalt  }
0x43: {  	_ =	shalt  }
0x44: {  	_ =	shalt  }
0x45: {  	_ =	shalt  }
0x46: {  	_ =	shalt  }
0x47: {  	_ =	shalt  }
0x48: {  	_ =	shalt  }
0x49: {  	_ =	shalt  }
0x4a: {  	_ =	shalt  }
0x4b: {  	_ =	shalt  }
0x4c: {  	_ =	shalt  }
0x4d: {  	_ =	shalt  }
0x4e: {  	_ =	shalt  }
0x4f: {  	_ =	shalt  }
0x50: {  	_ =	shalt  }
0x51: {  	_ =	shalt  }
0x52: {  	_ =	shalt  }
0x53: {  	_ =	shalt  }
0x54: {  	_ =	shalt  }
0x55: {  	_ =	shalt  }
0x56: {  	_ =	shalt  }
0x57: {  	_ =	shalt  }
0x58: {  	_ =	shalt  }
0x59: {  	_ =	shalt  }
0x5a: {  	_ =	shalt  }
0x5b: {  	_ =	shalt  }
0x5c: {  	_ =	shalt  }
0x5d: {  	_ =	shalt  }
0x5e: {  	_ =	shalt  }
0x5f: {  	_ =	shalt  }
0x60: {  	_ =	shalt  }
0x61: {  	_ =	shalt  }
0x62: {  	_ =	shalt  }
0x63: {  	_ =	shalt  }
0x64: {  	_ =	shalt  }
0x65: {  	_ =	shalt  }
0x66: {  	_ =	shalt  }
0x67: {  	_ =	shalt  }
0x68: {  	_ =	shalt  }
0x69: {  	_ =	shalt  }
0x6a: {  	_ =	shalt  }
0x6b: {  	_ =	shalt  }
0x6c: {  	_ =	shalt  }
0x6d: {  	_ =	shalt  }
0x6e: {  	_ =	shalt  }
0x6f: {  	_ =	shalt  }
0x70: {  	_ =	shalt  }
0x71: {  	_ =	shalt  }
0x72: {  	_ =	shalt  }
0x73: {  	_ =	shalt  }
0x74: {  	_ =	shalt  }
0x75: {  	_ =	shalt  }
0x76: {  	_ =	shalt  }
0x77: {  	_ =	shalt  }
0x78: {  	_ =	shalt  }
0x79: {  	_ =	shalt  }
0x7a: {  	_ =	shalt  }
0x7b: {  	_ =	shalt  }
0x7c: {  	_ =	shalt  }
0x7d: {  	_ =	shalt  }
0x7e: {  	_ =	shalt  }
0x7f: {  	_ =	shalt  }
0x80: {  	_ =	shalt  }
0x81: {  	_ =	shalt  }
0x82: {  	_ =	shalt  }
0x83: {  	_ =	shalt  }
0x84: {  	_ =	shalt  }
0x85: {  	_ =	shalt  }
0x86: {  	_ =	shalt  }
0x87: {  	_ =	shalt  }
.Lfunc_end0:
.L_simem_size_0:
called_computation_lowered:
.L_overlay_start_0:
0x88: {  	s2 =	sld [smem:$0x3FD9]  }
0x89: {  	s3 =	sld [smem:$0x3FFE];
	_ =	sdelay $0x1  }
0x8a: {  	s1 =	srdreg.scid  }
0x8b: {  	s0 =	sand.u32 $0x1, s1  }
0x8c: {  	s17 =	sshll.u32 s0, $0xA;
	s2 =	sadd.s32 s3, s2  }
0x8d: {  	s2 =	sadd.s32 s2, s17  }
0x8e: {  	[smem:$0x3FC7] =	sst s2  }
0x8f: {  	_ = 	snop  }
0x90: {  	s2 =	sld [smem:$0x3FD0];
	(tm) =	ssettm $0x1  }
0x91: {  	s18 =	sld [smem:$0x3FFB];
	_ =	sdelay $0x3  }
0x92: {  	_ =	strace s18  }
0x93: {  	s3 =	sld [smem:$0x3FFC];
	_ =	sdelay $0x3  }
0x94: {  	_ =	strace s3  }
0x95: {  	s3 =	sld [smem:$0x3FFD];
	_ =	sdelay $0x3  }
0x96: {  	_ =	strace s3  }
0x97: {  	_ =	strace $0x8FFFFFFF  }
0x98: {  	s19 =	sld [smem:$0x3FDB];
	_ =	sdelay $0x1  }
0x99: {  	s4 =	simm.s32 $_scs_section_size  }
0x9a: {  	s5 =	simm.s32 $_size__tile_overlayer_lowered;
	s6 =	simm.s32 $_tile_overlayer_lowered  }
0x9b: {  	s22 =	simm.s32 $0x1BFF;
	s21 =	sshll.u32 s6, $0x1;
	s3 =	sadd.s32 s4, s19  }
0x9c: {  	s7 =	simm.s32 $0x0;
	s20 =	sshll.u32 s5, $0x1;
	s5 =	sadd.s32 s21, s3  }
0x9d: {  	[timem:s7], [sflag:s22] =	dma.local [hbm:s5], s20  }
0x9e: {  	_ =	swait.ge [sflag:s22], s20  }
0x9f: {  	s4 =	ssub.s32 $0x0, s20;
	[sflag:s22] =	ssyncset.done $0x0  }
0xa0: {  	[sflag:s22] =	ssyncadd.s32 s4;
	_ =	sdelay $0x1  }
0xa1: {  	s23 =	simm.s32 $0x1B8B  }
0xa2: {  	_ =	swait.ge [sflag:s23], $0x1  }
0xa3: {  	[sflag:s23] =	ssyncset.done $0x0  }
0xa4: {  	s25 =	simm.s32 $0x1B8E;
	s24 =	sld [smem:$0x3FFE];
	[sflag:s23] =	ssyncadd.s32 $0xFFFFFFFF  }
0xa5: {  	s26 =	simm.s32 $execute0_lowered;
	[smem:$0x3FD2] =	sst s25  }
0xa6: {  	s5 =	sshll.u32 s26, $0x1;
	_ =	strace $0x80000046;
	[dreg:$0x1] =	wrdreg $0xFFFFFFFF  }
0xa7: {  	s28 =	simm.s32 $_size_execute0_lowered;
	s3 =	sadd.s32 s3, s5;
	[dreg:$0x0] =	wrdreg $0x0  }
0xa8: {  	s5 =	sshll.u32 s28, $0x1;
	[dreg:$0x2] =	wrdreg s3  }
0xa9: {  	[dreg:$0x3] =	wrdreg s5  }
0xaa: {  	[dreg:$0x4] =	wrdreg $0xC0  }
0xab: {  	_ =	task [dreg:s7], $0x5FFFF  }
0xac: {  	[dreg:$0x1] =	wrdreg $0xFFFFFFFF  }
0xad: {  	[dreg:$0x0] =	wrdreg $0x60  }
0xae: {  	[dreg:$0x2] =	wrdreg s24  }
0xaf: {  	[dreg:$0x3] =	wrdreg s2  }
0xb0: {  	[dreg:$0x4] =	wrdreg $0x9  }
0xb1: {  	_ =	task.clear_ibuf [dreg:s7], $0x5FFFF;
	_ =	strace $0x90000046  }
0xb2: {  	s29 =	simm.s32 $0x9;
	_ =	strace $0x80000048  }
0xb3: {  	_ =	swait.ge [sflag:s29], $0x1  }
0xb4: {  	[sflag:s29] =	ssyncadd.s32 $0xFFFFFFFF  }
0xb5: {  	_ =	strace $0x90000048  }
0xb6: {  	_ =	sfence  }
0xb7: {  	s30 =	sld [smem:$0x0];
	_ =	sdelay $0x2  }
0xb8: {  	s31 =	sshll.u32 s1, $0xD;
	s1 =	sshrl.u32 s1, $0x2  }
0xb9: {  	s3 =	sand.u32 $0x4000, s31;
	s1 =	sadd.s32 s1, s30  }
0xba: {  	s0 =	sor.u32 s3, s0;
	s1 =	sshll.u32 s1, $0x11  }
0xbb: {  	s0 =	sor.u32 s1, s0  }
0xbc: {  	s0 =	sadd.s32 $0x8F2B, s0  }
0xbd: {  	[sflag:s0] =	ssyncadd.remote.s32 $0x1  }
0xbe: {  	_ =	sfence.sel $0xFFFF  }
0xbf: {  	[dreg:$0x0] =	wrdreg $0xFFFFFFFF;
	(pc) =	sbr.abs _section_cstart, $3  }
0xc0: {  	[dreg:$0x1] =	wrdreg $0xFFFFFFFF  }
0xc1: {  	_ =	task.clear_ibuf [dreg:s7], $0x2FFFF;
	_ =	strace $0x9FFFFFFF  }
0xc2: {  	(tm) =	ssettm $0x7FFFFFFF  }
0xc3: {  	_ =	shalt  }
tec
execute0_lowered:
.L_overlay_start_1:
0x0: {  	(tag) =	ssettag $0x1  }
0x1: {  	s1 =	rddreg [dreg:$0x0]  }
0x2: {  	s0 =	rddreg [dreg:$0x1]  }
0x3: {  	s3 =	srdreg.scid;
	s4 =	stileid.u32  }
0x4: {  	s2 =	simm.s32 $0x0;
	s8 =	sand.u32 $0x1, s3;
	s22 =	sshll.u32 s4, $0x1  }
0x5: {  	[smem:$0x7FF] =	sst s2;
	s7 =	sor.u32 s8, s22  }
0x6: {  	s3 =	sadd.s32 $0x20600, s1;
	s4 =	sadd.s32 $0x600, s1;
	s5 =	sshll.u32 s7, $0xC  }
0x7: {  	_ =	strace $0x80000047;
	s6 =	sshll.u32 s7, $0x8;
	s9 =	sadd.s32 s3, s5  }
0x8: {  	s23 =	sadd.s32 s4, s5;
	s11 =	sor.u32 $0x20, s6;
	[dreg:$0x3] =	wrdreg s9  }
0x9: {  	s5 =	sadd.s32 s0, s5;
	[dreg:$0x4] =	wrdreg s23;
	s24 =	sshll.u32 s11, $0x4  }
0xa: {  	s12 =	sshll.u32 s7, $0xE;
	[dreg:$0x5] =	wrdreg s5;
	s10 =	sadd.s32 s3, s24  }
0xb: {  	s13 =	sor.u32 $0x40, s6;
	s25 =	sadd.s32 s4, s24;
	[dreg:$0x6] =	wrdreg s10  }
0xc: {  	s5 =	sadd.s32 $0x40600, s1;
	s9 =	sadd.s32 s0, s24;
	[dreg:$0x7] =	wrdreg s25  }
0xd: {  	s15 =	sshll.u32 s13, $0x4;
	s7 =	sadd.s32 s5, s12;
	[dreg:$0x8] =	wrdreg s9  }
0xe: {  	s16 =	sadd.s32 s3, s15;
	[dreg:$0x9] =	wrdreg s7  }
0xf: {  	s21 =	sor.u32 $0x60, s6;
	s17 =	sadd.s32 s4, s15;
	[dreg:$0xc] =	wrdreg s16  }
0x10: {  	s11 =	sshll.u32 s11, $0x6;
	s18 =	sadd.s32 s0, s15;
	[dreg:$0xd] =	wrdreg s17  }
0x11: {  	s23 =	sshll.u32 s21, $0x4;
	s19 =	sadd.s32 s5, s11;
	[dreg:$0xe] =	wrdreg s18  }
0x12: {  	s24 =	sadd.s32 s3, s23;
	[dreg:$0xf] =	wrdreg s19  }
0x13: {  	s7 =	sadd.s32 $0xC0600, s1;
	[dreg:$0x12] =	wrdreg s24;
	s25 =	sadd.s32 s4, s23  }
0x14: {  	s10 =	sadd.s32 $0x140600, s1;
	s26 =	sadd.s32 s12, s7;
	[dreg:$0x13] =	wrdreg s25  }
0x15: {  	s14 =	sadd.s32 s12, s10;
	[dreg:$0xa] =	wrdreg s26  }
0x16: {  	s20 =	sadd.s32 s11, s7;
	[dreg:$0xb] =	wrdreg s14  }
0x17: {  	s1 =	sshll.u32 s13, $0x6;
	s22 =	sadd.s32 s11, s10;
	[dreg:$0x10] =	wrdreg s20  }
0x18: {  	s11 =	sadd.s32 s5, s1;
	[dreg:$0x11] =	wrdreg s22  }
0x19: {  	s13 =	sadd.s32 s1, s7;
	[dreg:$0x15] =	wrdreg s11  }
0x1a: {  	s19 =	sshll.u32 s21, $0x6;
	s1 =	sadd.s32 s1, s10;
	[dreg:$0x16] =	wrdreg s13  }
0x1b: {  	s21 =	sadd.s32 s19, s7;
	[dreg:$0x17] =	wrdreg s1  }
0x1c: {  	[dreg:$0x1c] =	wrdreg s21  }
0x1d: {  	s26 =	sadd.s32 s0, s23;
	s1 =	rddreg [dreg:$0x3]  }
0x1e: {  	s14 =	sor.u32 $0x80, s6;
	s20 =	sadd.s32 s5, s19;
	[dreg:$0x14] =	wrdreg s26  }
0x1f: {  	s23 =	sadd.s32 s19, s10;
	s15 =	sshll.u32 s14, $0x4;
	[dreg:$0x1b] =	wrdreg s20  }
0x20: {  	s30 =	simm.s32 $0x1000;
	[dreg:$0x1d] =	wrdreg s23;
	s16 =	sadd.s32 s3, s15  }
0x21: {  	s22 =	sor.u32 $0xA0, s6;
	s17 =	sadd.s32 s4, s15;
	[dreg:$0x18] =	wrdreg s16  }
0x22: {  	s24 =	sshll.u32 s22, $0x4;
	s18 =	sadd.s32 s0, s15;
	[dreg:$0x19] =	wrdreg s17  }
0x23: {  	s31 =	simm.s32 $0x2000;
	s25 =	sadd.s32 s3, s24;
	[dreg:$0x1a] =	wrdreg s18  }
0x24: {  	s28 =	simm.s32 $0x5000;
	s26 =	sadd.s32 s4, s24;
	[dreg:$0x1e] =	wrdreg s25  }
0x25: {  	s14 =	sshll.u32 s14, $0x6;
	s13 =	sadd.s32 s0, s24;
	[dreg:$0x1f] =	wrdreg s26  }
0x26: {  	p0 =	por $0x0, $0x0;
	s15 =	sadd.s32 s5, s14;
	[smem:$0x7F8] =	sst s13  }
0x27: {  	s8 =	ssub.s32 $0x2, s8;
	s23 =	sadd.s32 s14, s10;
	[smem:$0x7F9] =	sst s15  }
0x28: {  	s16 =	sadd.s32 s14, s7;
	s17 =	sor.u32 $0xC0, s6;
	s13 =	sshrl.u32 s8, $0x1  }
0x29: {  	[smem:$0x7FB] =	sst s23;
	s6 =	sor.u32 $0xE0, s6;
	s15 =	simm.s32 $0x6000  }
0x2a: {  	[smem:$0x7FA] =	sst s16;
	s24 =	sshll.u32 s17, $0x4;
	s14 =	ssub.s32 s8, s13  }
0x2b: {  	s8 =	sshll.u32 s22, $0x6;
	s9 =	sshll.u32 s6, $0x4;
	s11 =	sshll.u32 s17, $0x6  }
0x2c: {  	s12 =	sshll.u32 s6, $0x6;
	s16 =	simm.s32 $0xA000;
	s17 =	simm.s32 $0xE000  }
0x2d: {  	s6 =	simm.s32 $0x4;
	s25 =	sadd.s32 s3, s24;
	s26 =	sadd.s32 s4, s24  }
0x2e: {  	s29 =	sadd.s32 s0, s24;
	s18 =	sadd.s32 s5, s8;
	s19 =	sadd.s32 s8, s7  }
0x2f: {  	s20 =	sadd.s32 s8, s10;
	s21 =	sadd.s32 s3, s9;
	s22 =	sadd.s32 s4, s9  }
0x30: {  	s23 =	sadd.s32 s0, s9;
	s8 =	sadd.s32 s5, s11;
	s14 =	smax.u32 s14, $0x1  }
0x31: {  	s9 =	sadd.s32 s11, s7;
	s13 =	sadd.s32 s11, s10;
	p1 =	sne.s32 s14, $0x1  }
.Ltmp0:
0x32: {  	s3 =	sadd.s32 s5, s12;
	s4 =	sadd.s32 s12, s7;
	(pc) =	sbr.rel @!p1 .LBB2_3-.Ltmp0, $4  }
0x33: {  	s5 =	sadd.s32 s12, s10;
	s24 =	simm.s32 $0x1;
	s10 =	simm.s32 $0x12000  }
0x34: {  	s11 =	simm.s32 $0x16000;
	s12 =	simm.s32 $0x1A000;
	[smem:$0x7FC] =	sst s25  }
0x35: {  	s7 =	simm.s32 $0x3;
	[smem:$0x7FD] =	sst s26;
	s25 =	simm.s32 $0x3000  }
0x36: {  	s26 =	simm.s32 $0x4000;
	s0 =	sadd.s32 $0xFFFFFFFF, s14;
	s14 =	simm.s32 $0x2  }
0x37: {  	[smem:$0x7F7] =	sst s0  }
0x38: {  	[tilespmem:s2], [sflag:$0x1] =	stream.linear.gather [hbm4b:s1+s2], $0x1000, $0x38;
	[tilespmem:$0x1E000] =	vst v63  }
0x39: {  	s0 =	rddreg [dreg:$0x4]  }
0x3a: {  	[tilespmem:s30], [sflag:$0x1] =	stream.linear.gather [hbm4b:s0+s2], $0x1000, $0x38;
	[tilespmem:$0x1E000] =	vst v63  }
0x3b: {  	s1 =	rddreg [dreg:$0x5]  }
0x3c: {  	[tilespmem:s31], [sflag:$0x1] =	stream.linear.gather [hbm4b:s1+s2], $0x1000, $0x38;
	[tilespmem:$0x1E000] =	vst v63  }
0x3d: {  	s0 =	rddreg [dreg:$0x6]  }
0x3e: {  	[tilespmem:s25], [sflag:$0x2] =	stream.linear.gather [hbm4b:s0+s2], $0x1000, $0x38;
	[tilespmem:$0x1E000] =	vst v63  }
0x3f: {  	s1 =	rddreg [dreg:$0x7]  }
0x40: {  	[tilespmem:s26], [sflag:$0x2] =	stream.linear.gather [hbm4b:s1+s2], $0x1000, $0x38;
	[tilespmem:$0x1E000] =	vst v63  }
0x41: {  	s0 =	rddreg [dreg:$0x8]  }
0x42: {  	[tilespmem:s28], [sflag:$0x2] =	stream.linear.gather [hbm4b:s0+s2], $0x1000, $0x38;
	[tilespmem:$0x1E000] =	vst v63  }
0x43: {  	_ =	swait.ge [sflag:s24], $0x1000  }
0x44: {  	[sflag:s24] =	ssyncset.done $0x0  }
0x45: {  	[sflag:s24] =	ssyncadd.s32 $0xFFFFF000  }
0x46: {  	_ =	swait.ge [sflag:s24], $0x1000  }
0x47: {  	[sflag:s24] =	ssyncset.done $0x0  }
0x48: {  	[sflag:s24] =	ssyncadd.s32 $0xFFFFF000  }
0x49: {  	_ =	swait.ge [sflag:s24], $0x1000  }
0x4a: {  	[sflag:s24] =	ssyncset.done $0x0  }
0x4b: {  	s0 =	rddreg [dreg:$0x9];
	[sflag:s24] =	ssyncadd.s32 $0xFFFFF000  }
0x4c: {  	[hbm4b:s0+s2] =	stream.linear.scatter [tilespmem:s15], [sflag:$0x3], $0x4000, $0x38;
	[tilespmem:$0x1E000] =	vst v63  }
0x4d: {  	s1 =	rddreg [dreg:$0xa]  }
0x4e: {  	[hbm4b:s1+s2] =	stream.linear.scatter [tilespmem:s16], [sflag:$0x3], $0x4000, $0x38;
	[tilespmem:$0x1E000] =	vst v63  }
0x4f: {  	s0 =	rddreg [dreg:$0xb]  }
0x50: {  	[hbm4b:s0+s2] =	stream.linear.scatter [tilespmem:s17], [sflag:$0x3], $0x4000, $0x38;
	[tilespmem:$0x1E000] =	vst v63  }
0x51: {  	s1 =	rddreg [dreg:$0xc]  }
0x52: {  	[tilespmem:s2], [sflag:$0x1] =	stream.linear.gather [hbm4b:s1+s2], $0x1000, $0x38;
	[tilespmem:$0x1E000] =	vst v63  }
0x53: {  	s0 =	rddreg [dreg:$0xd]  }
0x54: {  	[tilespmem:s30], [sflag:$0x1] =	stream.linear.gather [hbm4b:s0+s2], $0x1000, $0x38;
	[tilespmem:$0x1E000] =	vst v63  }
0x55: {  	s1 =	rddreg [dreg:$0xe]  }
0x56: {  	[tilespmem:s31], [sflag:$0x1] =	stream.linear.gather [hbm4b:s1+s2], $0x1000, $0x38;
	[tilespmem:$0x1E000] =	vst v63  }
0x57: {  	_ =	swait.ge [sflag:s14], $0x1000  }
0x58: {  	[sflag:s14] =	ssyncset.done $0x0  }
0x59: {  	[sflag:s14] =	ssyncadd.s32 $0xFFFFF000  }
0x5a: {  	_ =	swait.ge [sflag:s14], $0x1000  }
0x5b: {  	[sflag:s14] =	ssyncset.done $0x0  }
0x5c: {  	[sflag:s14] =	ssyncadd.s32 $0xFFFFF000  }
0x5d: {  	_ =	swait.ge [sflag:s14], $0x1000  }
0x5e: {  	[sflag:s14] =	ssyncset.done $0x0  }
0x5f: {  	s0 =	rddreg [dreg:$0xf];
	[sflag:s14] =	ssyncadd.s32 $0xFFFFF000  }
0x60: {  	[hbm4b:s0+s2] =	stream.linear.scatter [tilespmem:s10], [sflag:$0x4], $0x4000, $0x38;
	[tilespmem:$0x1E000] =	vst v63  }
0x61: {  	s1 =	rddreg [dreg:$0x10]  }
0x62: {  	[hbm4b:s1+s2] =	stream.linear.scatter [tilespmem:s11], [sflag:$0x4], $0x4000, $0x38;
	[tilespmem:$0x1E000] =	vst v63  }
0x63: {  	s0 =	rddreg [dreg:$0x11]  }
0x64: {  	[hbm4b:s0+s2] =	stream.linear.scatter [tilespmem:s12], [sflag:$0x4], $0x4000, $0x38;
	[tilespmem:$0x1E000] =	vst v63  }
0x65: {  	s1 =	rddreg [dreg:$0x12]  }
0x66: {  	[tilespmem:s25], [sflag:$0x2] =	stream.linear.gather [hbm4b:s1+s2], $0x1000, $0x38;
	[tilespmem:$0x1E000] =	vst v63  }
0x67: {  	s0 =	rddreg [dreg:$0x13]  }
0x68: {  	[tilespmem:s26], [sflag:$0x2] =	stream.linear.gather [hbm4b:s0+s2], $0x1000, $0x38;
	[tilespmem:$0x1E000] =	vst v63  }
0x69: {  	s1 =	rddreg [dreg:$0x14]  }
0x6a: {  	[tilespmem:s28], [sflag:$0x2] =	stream.linear.gather [hbm4b:s1+s2], $0x1000, $0x38;
	[tilespmem:$0x1E000] =	vst v63  }
0x6b: {  	_ =	swait.ge [sflag:s24], $0x1000  }
0x6c: {  	[sflag:s24] =	ssyncset.done $0x0  }
0x6d: {  	[sflag:s24] =	ssyncadd.s32 $0xFFFFF000  }
0x6e: {  	_ =	swait.ge [sflag:s24], $0x1000  }
0x6f: {  	[sflag:s24] =	ssyncset.done $0x0  }
0x70: {  	[sflag:s24] =	ssyncadd.s32 $0xFFFFF000  }
0x71: {  	_ =	swait.ge [sflag:s24], $0x1000  }
0x72: {  	[sflag:s24] =	ssyncset.done $0x0  }
0x73: {  	[sflag:s24] =	ssyncadd.s32 $0xFFFFF000  }
0x74: {  	_ =	swait.ge [sflag:s7], $0x4000  }
0x75: {  	[sflag:s7] =	ssyncset.done $0x0  }
0x76: {  	[sflag:s7] =	ssyncadd.s32 $0xFFFFC000  }
0x77: {  	_ =	swait.ge [sflag:s7], $0x4000  }
0x78: {  	[sflag:s7] =	ssyncset.done $0x0  }
0x79: {  	[sflag:s7] =	ssyncadd.s32 $0xFFFFC000  }
0x7a: {  	_ =	swait.ge [sflag:s7], $0x4000  }
0x7b: {  	[sflag:s7] =	ssyncset.done $0x0  }
0x7c: {  	s0 =	rddreg [dreg:$0x15];
	[sflag:s7] =	ssyncadd.s32 $0xFFFFC000  }
0x7d: {  	[hbm4b:s0+s2] =	stream.linear.scatter [tilespmem:s15], [sflag:$0x3], $0x4000, $0x38;
	[tilespmem:$0x1E000] =	vst v63  }
0x7e: {  	s1 =	rddreg [dreg:$0x16]  }
0x7f: {  	[hbm4b:s1+s2] =	stream.linear.scatter [tilespmem:s16], [sflag:$0x3], $0x4000, $0x38;
	[tilespmem:$0x1E000] =	vst v63  }
0x80: {  	s0 =	rddreg [dreg:$0x17]  }
0x81: {  	[hbm4b:s0+s2] =	stream.linear.scatter [tilespmem:s17], [sflag:$0x3], $0x4000, $0x38;
	[tilespmem:$0x1E000] =	vst v63  }
0x82: {  	s1 =	rddreg [dreg:$0x18]  }
0x83: {  	[tilespmem:s2], [sflag:$0x1] =	stream.linear.gather [hbm4b:s1+s2], $0x1000, $0x38;
	[tilespmem:$0x1E000] =	vst v63  }
0x84: {  	s0 =	rddreg [dreg:$0x19]  }
0x85: {  	[tilespmem:s30], [sflag:$0x1] =	stream.linear.gather [hbm4b:s0+s2], $0x1000, $0x38;
	[tilespmem:$0x1E000] =	vst v63  }
0x86: {  	s1 =	rddreg [dreg:$0x1a]  }
0x87: {  	[tilespmem:s31], [sflag:$0x1] =	stream.linear.gather [hbm4b:s1+s2], $0x1000, $0x38;
	[tilespmem:$0x1E000] =	vst v63  }
0x88: {  	_ =	swait.ge [sflag:s14], $0x1000  }
0x89: {  	[sflag:s14] =	ssyncset.done $0x0  }
0x8a: {  	[sflag:s14] =	ssyncadd.s32 $0xFFFFF000  }
0x8b: {  	_ =	swait.ge [sflag:s14], $0x1000  }
0x8c: {  	[sflag:s14] =	ssyncset.done $0x0  }
0x8d: {  	[sflag:s14] =	ssyncadd.s32 $0xFFFFF000  }
0x8e: {  	_ =	swait.ge [sflag:s14], $0x1000  }
0x8f: {  	[sflag:s14] =	ssyncset.done $0x0  }
0x90: {  	[sflag:s14] =	ssyncadd.s32 $0xFFFFF000  }
0x91: {  	_ =	swait.ge [sflag:s6], $0x4000  }
0x92: {  	[sflag:s6] =	ssyncset.done $0x0  }
0x93: {  	[sflag:s6] =	ssyncadd.s32 $0xFFFFC000  }
0x94: {  	_ =	swait.ge [sflag:s6], $0x4000  }
0x95: {  	[sflag:s6] =	ssyncset.done $0x0  }
0x96: {  	[sflag:s6] =	ssyncadd.s32 $0xFFFFC000  }
0x97: {  	_ =	swait.ge [sflag:s6], $0x4000  }
0x98: {  	s0 =	rddreg [dreg:$0x1b];
	[sflag:s6] =	ssyncset.done $0x0  }
0x99: {  	s1 =	rddreg [dreg:$0x1c];
	[sflag:s6] =	ssyncadd.s32 $0xFFFFC000  }
0x9a: {  	[hbm4b:s0+s2] =	stream.linear.scatter [tilespmem:s10], [sflag:$0x4], $0x4000, $0x38;
	[tilespmem:$0x1E000] =	vst v63  }
0x9b: {  	s0 =	rddreg [dreg:$0x1d]  }
0x9c: {  	[hbm4b:s1+s2] =	stream.linear.scatter [tilespmem:s11], [sflag:$0x4], $0x4000, $0x38;
	[tilespmem:$0x1E000] =	vst v63  }
0x9d: {  	s1 =	rddreg [dreg:$0x1e]  }
0x9e: {  	[hbm4b:s0+s2] =	stream.linear.scatter [tilespmem:s12], [sflag:$0x4], $0x4000, $0x38;
	[tilespmem:$0x1E000] =	vst v63  }
0x9f: {  	s0 =	rddreg [dreg:$0x1f]  }
0xa0: {  	[tilespmem:s25], [sflag:$0x2] =	stream.linear.gather [hbm4b:s1+s2], $0x1000, $0x38;
	[tilespmem:$0x1E000] =	vst v63  }
0xa1: {  	s1 =	sld [smem:$0x7F8]  }
0xa2: {  	[tilespmem:s26], [sflag:$0x2] =	stream.linear.gather [hbm4b:s0+s2], $0x1000, $0x38;
	[tilespmem:$0x1E000] =	vst v63  }
0xa3: {  	_ = 	snop  }
0xa4: {  	[tilespmem:s28], [sflag:$0x2] =	stream.linear.gather [hbm4b:s1+s2], $0x1000, $0x38;
	[tilespmem:$0x1E000] =	vst v63  }
0xa5: {  	_ =	swait.ge [sflag:s24], $0x1000  }
0xa6: {  	[sflag:s24] =	ssyncset.done $0x0  }
0xa7: {  	[sflag:s24] =	ssyncadd.s32 $0xFFFFF000  }
0xa8: {  	_ =	swait.ge [sflag:s24], $0x1000  }
0xa9: {  	[sflag:s24] =	ssyncset.done $0x0  }
0xaa: {  	[sflag:s24] =	ssyncadd.s32 $0xFFFFF000  }
0xab: {  	_ =	swait.ge [sflag:s24], $0x1000  }
0xac: {  	[sflag:s24] =	ssyncset.done $0x0  }
0xad: {  	[sflag:s24] =	ssyncadd.s32 $0xFFFFF000  }
0xae: {  	_ =	swait.ge [sflag:s7], $0x4000  }
0xaf: {  	[sflag:s7] =	ssyncset.done $0x0  }
0xb0: {  	[sflag:s7] =	ssyncadd.s32 $0xFFFFC000  }
0xb1: {  	_ =	swait.ge [sflag:s7], $0x4000  }
0xb2: {  	[sflag:s7] =	ssyncset.done $0x0  }
0xb3: {  	[sflag:s7] =	ssyncadd.s32 $0xFFFFC000  }
0xb4: {  	_ =	swait.ge [sflag:s7], $0x4000  }
0xb5: {  	s0 =	sld [smem:$0x7F9]  }
0xb6: {  	[sflag:s7] =	ssyncset.done $0x0  }
0xb7: {  	s1 =	sld [smem:$0x7FA];
	[sflag:s7] =	ssyncadd.s32 $0xFFFFC000  }
0xb8: {  	[hbm4b:s0+s2] =	stream.linear.scatter [tilespmem:s15], [sflag:$0x3], $0x4000, $0x38;
	[tilespmem:$0x1E000] =	vst v63  }
0xb9: {  	s0 =	sld [smem:$0x7FB]  }
0xba: {  	[hbm4b:s1+s2] =	stream.linear.scatter [tilespmem:s16], [sflag:$0x3], $0x4000, $0x38;
	[tilespmem:$0x1E000] =	vst v63  }
0xbb: {  	s1 =	sld [smem:$0x7FC]  }
0xbc: {  	[hbm4b:s0+s2] =	stream.linear.scatter [tilespmem:s17], [sflag:$0x3], $0x4000, $0x38;
	[tilespmem:$0x1E000] =	vst v63  }
0xbd: {  	s0 =	sld [smem:$0x7FD]  }
0xbe: {  	[tilespmem:s2], [sflag:$0x1] =	stream.linear.gather [hbm4b:s1+s2], $0x1000, $0x38;
	[tilespmem:$0x1E000] =	vst v63  }
0xbf: {  	_ = 	snop  }
0xc0: {  	[tilespmem:s30], [sflag:$0x1] =	stream.linear.gather [hbm4b:s0+s2], $0x1000, $0x38;
	[tilespmem:$0x1E000] =	vst v63  }
0xc1: {  	_ = 	snop  }
0xc2: {  	[tilespmem:s31], [sflag:$0x1] =	stream.linear.gather [hbm4b:s29+s2], $0x1000, $0x38;
	[tilespmem:$0x1E000] =	vst v63  }
0xc3: {  	_ =	swait.ge [sflag:s14], $0x1000  }
0xc4: {  	[sflag:s14] =	ssyncset.done $0x0  }
0xc5: {  	[sflag:s14] =	ssyncadd.s32 $0xFFFFF000  }
0xc6: {  	_ =	swait.ge [sflag:s14], $0x1000  }
0xc7: {  	[sflag:s14] =	ssyncset.done $0x0  }
0xc8: {  	[sflag:s14] =	ssyncadd.s32 $0xFFFFF000  }
0xc9: {  	_ =	swait.ge [sflag:s14], $0x1000  }
0xca: {  	[sflag:s14] =	ssyncset.done $0x0  }
0xcb: {  	[sflag:s14] =	ssyncadd.s32 $0xFFFFF000  }
0xcc: {  	_ =	swait.ge [sflag:s6], $0x4000  }
0xcd: {  	[sflag:s6] =	ssyncset.done $0x0  }
0xce: {  	[sflag:s6] =	ssyncadd.s32 $0xFFFFC000  }
0xcf: {  	_ =	swait.ge [sflag:s6], $0x4000  }
0xd0: {  	[sflag:s6] =	ssyncset.done $0x0  }
0xd1: {  	[sflag:s6] =	ssyncadd.s32 $0xFFFFC000  }
0xd2: {  	_ =	swait.ge [sflag:s6], $0x4000  }
0xd3: {  	[sflag:s6] =	ssyncset.done $0x0  }
0xd4: {  	[sflag:s6] =	ssyncadd.s32 $0xFFFFC000  }
0xd5: {  	[hbm4b:s18+s2] =	stream.linear.scatter [tilespmem:s10], [sflag:$0x4], $0x4000, $0x38;
	[tilespmem:$0x1E000] =	vst v63  }
0xd6: {  	_ = 	snop  }
0xd7: {  	[hbm4b:s19+s2] =	stream.linear.scatter [tilespmem:s11], [sflag:$0x4], $0x4000, $0x38;
	[tilespmem:$0x1E000] =	vst v63  }
0xd8: {  	_ = 	snop  }
0xd9: {  	[hbm4b:s20+s2] =	stream.linear.scatter [tilespmem:s12], [sflag:$0x4], $0x4000, $0x38;
	[tilespmem:$0x1E000] =	vst v63  }
0xda: {  	_ = 	snop  }
0xdb: {  	[tilespmem:s25], [sflag:$0x2] =	stream.linear.gather [hbm4b:s21+s2], $0x1000, $0x38;
	[tilespmem:$0x1E000] =	vst v63  }
0xdc: {  	_ = 	snop  }
0xdd: {  	[tilespmem:s26], [sflag:$0x2] =	stream.linear.gather [hbm4b:s22+s2], $0x1000, $0x38;
	[tilespmem:$0x1E000] =	vst v63  }
0xde: {  	_ = 	snop  }
0xdf: {  	[tilespmem:s28], [sflag:$0x2] =	stream.linear.gather [hbm4b:s23+s2], $0x1000, $0x38;
	[tilespmem:$0x1E000] =	vst v63  }
0xe0: {  	_ =	swait.ge [sflag:s24], $0x1000  }
0xe1: {  	[sflag:s24] =	ssyncset.done $0x0  }
0xe2: {  	[sflag:s24] =	ssyncadd.s32 $0xFFFFF000  }
0xe3: {  	_ =	swait.ge [sflag:s24], $0x1000  }
0xe4: {  	[sflag:s24] =	ssyncset.done $0x0  }
0xe5: {  	[sflag:s24] =	ssyncadd.s32 $0xFFFFF000  }
0xe6: {  	_ =	swait.ge [sflag:s24], $0x1000  }
0xe7: {  	[sflag:s24] =	ssyncset.done $0x0  }
0xe8: {  	[sflag:s24] =	ssyncadd.s32 $0xFFFFF000  }
0xe9: {  	_ =	swait.ge [sflag:s7], $0x4000  }
0xea: {  	[sflag:s7] =	ssyncset.done $0x0  }
0xeb: {  	[sflag:s7] =	ssyncadd.s32 $0xFFFFC000  }
0xec: {  	_ =	swait.ge [sflag:s7], $0x4000  }
0xed: {  	[sflag:s7] =	ssyncset.done $0x0  }
0xee: {  	[sflag:s7] =	ssyncadd.s32 $0xFFFFC000  }
0xef: {  	_ =	swait.ge [sflag:s7], $0x4000  }
0xf0: {  	[sflag:s7] =	ssyncset.done $0x0  }
0xf1: {  	[sflag:s7] =	ssyncadd.s32 $0xFFFFC000  }
0xf2: {  	[hbm4b:s8+s2] =	stream.linear.scatter [tilespmem:s15], [sflag:$0x3], $0x4000, $0x38;
	[tilespmem:$0x1E000] =	vst v63  }
0xf3: {  	_ = 	snop  }
0xf4: {  	[hbm4b:s9+s2] =	stream.linear.scatter [tilespmem:s16], [sflag:$0x3], $0x4000, $0x38;
	[tilespmem:$0x1E000] =	vst v63  }
0xf5: {  	_ = 	snop  }
0xf6: {  	[hbm4b:s13+s2] =	stream.linear.scatter [tilespmem:s17], [sflag:$0x3], $0x4000, $0x38;
	[tilespmem:$0x1E000] =	vst v63  }
0xf7: {  	_ =	swait.ge [sflag:s14], $0x1000  }
0xf8: {  	[sflag:s14] =	ssyncset.done $0x0  }
0xf9: {  	[sflag:s14] =	ssyncadd.s32 $0xFFFFF000  }
0xfa: {  	_ =	swait.ge [sflag:s14], $0x1000  }
0xfb: {  	[sflag:s14] =	ssyncset.done $0x0  }
0xfc: {  	[sflag:s14] =	ssyncadd.s32 $0xFFFFF000  }
0xfd: {  	_ =	swait.ge [sflag:s14], $0x1000  }
0xfe: {  	[sflag:s14] =	ssyncset.done $0x0  }
0xff: {  	[sflag:s14] =	ssyncadd.s32 $0xFFFFF000  }
0x100: {  	_ =	swait.ge [sflag:s6], $0x4000  }
0x101: {  	[sflag:s6] =	ssyncset.done $0x0  }
0x102: {  	[sflag:s6] =	ssyncadd.s32 $0xFFFFC000  }
0x103: {  	_ =	swait.ge [sflag:s6], $0x4000  }
0x104: {  	[sflag:s6] =	ssyncset.done $0x0  }
0x105: {  	[sflag:s6] =	ssyncadd.s32 $0xFFFFC000  }
0x106: {  	_ =	swait.ge [sflag:s6], $0x4000  }
0x107: {  	[sflag:s6] =	ssyncset.done $0x0  }
0x108: {  	[sflag:s6] =	ssyncadd.s32 $0xFFFFC000  }
0x109: {  	[hbm4b:s3+s2] =	stream.linear.scatter [tilespmem:s10], [sflag:$0x4], $0x4000, $0x38;
	[tilespmem:$0x1E000] =	vst v63  }
0x10a: {  	_ = 	snop  }
0x10b: {  	[hbm4b:s4+s2] =	stream.linear.scatter [tilespmem:s11], [sflag:$0x4], $0x4000, $0x38;
	[tilespmem:$0x1E000] =	vst v63  }
0x10c: {  	_ = 	snop  }
0x10d: {  	[hbm4b:s5+s2] =	stream.linear.scatter [tilespmem:s12], [sflag:$0x4], $0x4000, $0x38;
	[tilespmem:$0x1E000] =	vst v63  }
0x10e: {  	_ =	swait.ge [sflag:s7], $0x4000  }
0x10f: {  	[sflag:s7] =	ssyncset.done $0x0  }
0x110: {  	[sflag:s7] =	ssyncadd.s32 $0xFFFFC000  }
0x111: {  	_ =	swait.ge [sflag:s7], $0x4000  }
0x112: {  	[sflag:s7] =	ssyncset.done $0x0  }
0x113: {  	[sflag:s7] =	ssyncadd.s32 $0xFFFFC000  }
0x114: {  	_ =	swait.ge [sflag:s7], $0x4000  }
0x115: {  	[sflag:s7] =	ssyncset.done $0x0  }
0x116: {  	[sflag:s7] =	ssyncadd.s32 $0xFFFFC000  }
0x117: {  	_ =	swait.ge [sflag:s6], $0x4000  }
0x118: {  	[sflag:s6] =	ssyncset.done $0x0  }
0x119: {  	[sflag:s6] =	ssyncadd.s32 $0xFFFFC000  }
0x11a: {  	_ =	swait.ge [sflag:s6], $0x4000  }
0x11b: {  	s1 =	sld [smem:$0x7F7];
	_ =	sdelay $0x2  }
0x11c: {  	p1 =	sne.s32 s1, $0x1  }
.Ltmp1:
0x11d: {  	_ = 	snop;
	(pc) =	sbr.rel @!p1 .LBB2_3-.Ltmp1, $4  }
0x11e: {  	[sflag:s6] =	ssyncset.done $0x0  }
0x11f: {  	[sflag:s6] =	ssyncadd.s32 $0xFFFFC000  }
0x120: {  	p0 =	por $0x1, $0x1;
	_ =	swait.ge [sflag:s6], $0x4000  }
0x121: {  	s0 =	sadd.s32 $0xFFFFFFFF, s1;
	s1 =	rddreg [dreg:$0x3];
	[sflag:s6] =	ssyncset.done $0x0  }
.LBB2_2:
0x122: {  	[sflag:s6] =	ssyncadd.s32 $0xFFFFC000;
	s10 =	smov.u32 s29;
	s29 =	smov.u32 s23  }
0x123: {  	s23 =	smov.u32 s22;
	s22 =	smov.u32 s21;
	s21 =	smov.u32 s20  }
0x124: {  	s20 =	smov.u32 s19;
	s19 =	smov.u32 s18;
	s18 =	smov.u32 s13  }
0x125: {  	s13 =	smov.u32 s9;
	s9 =	smov.u32 s8;
	s8 =	smov.u32 s5  }
0x126: {  	[tilespmem:s2], [sflag:$0x1] =	stream.linear.gather [hbm4b:s1+s2], $0x1000, $0x38;
	[tilespmem:$0x1E000] =	vst v63  }
0x127: {  	s5 =	smov.u32 s4;
	s4 =	smov.u32 s3;
	s3 =	rddreg [dreg:$0x4]  }
0x128: {  	[tilespmem:s30], [sflag:$0x1] =	stream.linear.gather [hbm4b:s3+s2], $0x1000, $0x38;
	[tilespmem:$0x1E000] =	vst v63  }
0x129: {  	s1 =	rddreg [dreg:$0x5]  }
0x12a: {  	[tilespmem:s31], [sflag:$0x1] =	stream.linear.gather [hbm4b:s1+s2], $0x1000, $0x38;
	[tilespmem:$0x1E000] =	vst v63  }
0x12b: {  	s3 =	rddreg [dreg:$0x6]  }
0x12c: {  	[tilespmem:s25], [sflag:$0x2] =	stream.linear.gather [hbm4b:s3+s2], $0x1000, $0x38;
	[tilespmem:$0x1E000] =	vst v63  }
0x12d: {  	s1 =	rddreg [dreg:$0x7]  }
0x12e: {  	[tilespmem:s26], [sflag:$0x2] =	stream.linear.gather [hbm4b:s1+s2], $0x1000, $0x38;
	[tilespmem:$0x1E000] =	vst v63  }
0x12f: {  	s3 =	rddreg [dreg:$0x8]  }
0x130: {  	[tilespmem:s28], [sflag:$0x2] =	stream.linear.gather [hbm4b:s3+s2], $0x1000, $0x38;
	[tilespmem:$0x1E000] =	vst v63  }
0x131: {  	_ =	swait.ge [sflag:s24], $0x1000  }
0x132: {  	[sflag:s24] =	ssyncset.done $0x0  }
0x133: {  	[sflag:s24] =	ssyncadd.s32 $0xFFFFF000  }
0x134: {  	_ =	swait.ge [sflag:s24], $0x1000  }
0x135: {  	[sflag:s24] =	ssyncset.done $0x0  }
0x136: {  	[sflag:s24] =	ssyncadd.s32 $0xFFFFF000  }
0x137: {  	_ =	swait.ge [sflag:s24], $0x1000  }
0x138: {  	[sflag:s24] =	ssyncset.done $0x0  }
0x139: {  	s1 =	rddreg [dreg:$0x9];
	[sflag:s24] =	ssyncadd.s32 $0xFFFFF000  }
0x13a: {  	[hbm4b:s1+s2] =	stream.linear.scatter [tilespmem:s15], [sflag:$0x3], $0x4000, $0x38;
	[tilespmem:$0x1E000] =	vst v63  }
0x13b: {  	s3 =	rddreg [dreg:$0xa]  }
0x13c: {  	[hbm4b:s3+s2] =	stream.linear.scatter [tilespmem:s16], [sflag:$0x3], $0x4000, $0x38;
	[tilespmem:$0x1E000] =	vst v63  }
0x13d: {  	s1 =	rddreg [dreg:$0xb]  }
0x13e: {  	[hbm4b:s1+s2] =	stream.linear.scatter [tilespmem:s17], [sflag:$0x3], $0x4000, $0x38;
	[tilespmem:$0x1E000] =	vst v63  }
0x13f: {  	s3 =	rddreg [dreg:$0xc]  }
0x140: {  	[tilespmem:s2], [sflag:$0x1] =	stream.linear.gather [hbm4b:s3+s2], $0x1000, $0x38;
	[tilespmem:$0x1E000] =	vst v63  }
0x141: {  	s1 =	rddreg [dreg:$0xd]  }
0x142: {  	[tilespmem:s30], [sflag:$0x1] =	stream.linear.gather [hbm4b:s1+s2], $0x1000, $0x38;
	[tilespmem:$0x1E000] =	vst v63  }
0x143: {  	s3 =	rddreg [dreg:$0xe]  }
0x144: {  	[tilespmem:s31], [sflag:$0x1] =	stream.linear.gather [hbm4b:s3+s2], $0x1000, $0x38;
	[tilespmem:$0x1E000] =	vst v63  }
0x145: {  	_ =	swait.ge [sflag:s14], $0x1000  }
0x146: {  	[sflag:s14] =	ssyncset.done $0x0  }
0x147: {  	[sflag:s14] =	ssyncadd.s32 $0xFFFFF000  }
0x148: {  	_ =	swait.ge [sflag:s14], $0x1000  }
0x149: {  	[sflag:s14] =	ssyncset.done $0x0  }
0x14a: {  	[sflag:s14] =	ssyncadd.s32 $0xFFFFF000  }
0x14b: {  	_ =	swait.ge [sflag:s14], $0x1000  }
0x14c: {  	[sflag:s14] =	ssyncset.done $0x0  }
0x14d: {  	s11 =	simm.s32 $0x12000;
	s1 =	rddreg [dreg:$0xf];
	[sflag:s14] =	ssyncadd.s32 $0xFFFFF000  }
0x14e: {  	[hbm4b:s1+s2] =	stream.linear.scatter [tilespmem:s11], [sflag:$0x4], $0x4000, $0x38;
	[tilespmem:$0x1E000] =	vst v63  }
0x14f: {  	s12 =	simm.s32 $0x16000;
	s3 =	rddreg [dreg:$0x10]  }
0x150: {  	[hbm4b:s3+s2] =	stream.linear.scatter [tilespmem:s12], [sflag:$0x4], $0x4000, $0x38;
	[tilespmem:$0x1E000] =	vst v63  }
0x151: {  	s1 =	rddreg [dreg:$0x11];
	s12 =	simm.s32 $0x1A000  }
0x152: {  	[hbm4b:s1+s2] =	stream.linear.scatter [tilespmem:s12], [sflag:$0x4], $0x4000, $0x38;
	[tilespmem:$0x1E000] =	vst v63  }
0x153: {  	s3 =	rddreg [dreg:$0x12]  }
0x154: {  	[tilespmem:s25], [sflag:$0x2] =	stream.linear.gather [hbm4b:s3+s2], $0x1000, $0x38;
	[tilespmem:$0x1E000] =	vst v63  }
0x155: {  	s1 =	rddreg [dreg:$0x13]  }
0x156: {  	[tilespmem:s26], [sflag:$0x2] =	stream.linear.gather [hbm4b:s1+s2], $0x1000, $0x38;
	[tilespmem:$0x1E000] =	vst v63  }
0x157: {  	s3 =	rddreg [dreg:$0x14]  }
0x158: {  	[tilespmem:s28], [sflag:$0x2] =	stream.linear.gather [hbm4b:s3+s2], $0x1000, $0x38;
	[tilespmem:$0x1E000] =	vst v63  }
0x159: {  	_ =	swait.ge [sflag:s24], $0x1000  }
0x15a: {  	[sflag:s24] =	ssyncset.done $0x0  }
0x15b: {  	[sflag:s24] =	ssyncadd.s32 $0xFFFFF000  }
0x15c: {  	_ =	swait.ge [sflag:s24], $0x1000  }
0x15d: {  	[sflag:s24] =	ssyncset.done $0x0  }
0x15e: {  	[sflag:s24] =	ssyncadd.s32 $0xFFFFF000  }
0x15f: {  	_ =	swait.ge [sflag:s24], $0x1000  }
0x160: {  	[sflag:s24] =	ssyncset.done $0x0  }
0x161: {  	[sflag:s24] =	ssyncadd.s32 $0xFFFFF000  }
0x162: {  	_ =	swait.ge [sflag:s7], $0x4000  }
0x163: {  	[sflag:s7] =	ssyncset.done $0x0  }
0x164: {  	[sflag:s7] =	ssyncadd.s32 $0xFFFFC000  }
0x165: {  	_ =	swait.ge [sflag:s7], $0x4000  }
0x166: {  	[sflag:s7] =	ssyncset.done $0x0  }
0x167: {  	[sflag:s7] =	ssyncadd.s32 $0xFFFFC000  }
0x168: {  	_ =	swait.ge [sflag:s7], $0x4000  }
0x169: {  	[sflag:s7] =	ssyncset.done $0x0  }
0x16a: {  	s1 =	rddreg [dreg:$0x15];
	[sflag:s7] =	ssyncadd.s32 $0xFFFFC000  }
0x16b: {  	[hbm4b:s1+s2] =	stream.linear.scatter [tilespmem:s15], [sflag:$0x3], $0x4000, $0x38;
	[tilespmem:$0x1E000] =	vst v63  }
0x16c: {  	s3 =	rddreg [dreg:$0x16]  }
0x16d: {  	[hbm4b:s3+s2] =	stream.linear.scatter [tilespmem:s16], [sflag:$0x3], $0x4000, $0x38;
	[tilespmem:$0x1E000] =	vst v63  }
0x16e: {  	s1 =	rddreg [dreg:$0x17]  }
0x16f: {  	[hbm4b:s1+s2] =	stream.linear.scatter [tilespmem:s17], [sflag:$0x3], $0x4000, $0x38;
	[tilespmem:$0x1E000] =	vst v63  }
0x170: {  	s3 =	rddreg [dreg:$0x18]  }
0x171: {  	[tilespmem:s2], [sflag:$0x1] =	stream.linear.gather [hbm4b:s3+s2], $0x1000, $0x38;
	[tilespmem:$0x1E000] =	vst v63  }
0x172: {  	s1 =	rddreg [dreg:$0x19]  }
0x173: {  	[tilespmem:s30], [sflag:$0x1] =	stream.linear.gather [hbm4b:s1+s2], $0x1000, $0x38;
	[tilespmem:$0x1E000] =	vst v63  }
0x174: {  	s3 =	rddreg [dreg:$0x1a]  }
0x175: {  	[tilespmem:s31], [sflag:$0x1] =	stream.linear.gather [hbm4b:s3+s2], $0x1000, $0x38;
	[tilespmem:$0x1E000] =	vst v63  }
0x176: {  	_ =	swait.ge [sflag:s14], $0x1000  }
0x177: {  	[sflag:s14] =	ssyncset.done $0x0  }
0x178: {  	[sflag:s14] =	ssyncadd.s32 $0xFFFFF000  }
0x179: {  	_ =	swait.ge [sflag:s14], $0x1000  }
0x17a: {  	[sflag:s14] =	ssyncset.done $0x0  }
0x17b: {  	[sflag:s14] =	ssyncadd.s32 $0xFFFFF000  }
0x17c: {  	_ =	swait.ge [sflag:s14], $0x1000  }
0x17d: {  	[sflag:s14] =	ssyncset.done $0x0  }
0x17e: {  	[sflag:s14] =	ssyncadd.s32 $0xFFFFF000  }
0x17f: {  	_ =	swait.ge [sflag:s6], $0x4000  }
0x180: {  	[sflag:s6] =	ssyncset.done $0x0  }
0x181: {  	[sflag:s6] =	ssyncadd.s32 $0xFFFFC000  }
0x182: {  	_ =	swait.ge [sflag:s6], $0x4000  }
0x183: {  	[sflag:s6] =	ssyncset.done $0x0  }
0x184: {  	[sflag:s6] =	ssyncadd.s32 $0xFFFFC000  }
0x185: {  	_ =	swait.ge [sflag:s6], $0x4000  }
0x186: {  	s1 =	rddreg [dreg:$0x1b];
	[sflag:s6] =	ssyncset.done $0x0  }
0x187: {  	s3 =	rddreg [dreg:$0x1c];
	[sflag:s6] =	ssyncadd.s32 $0xFFFFC000  }
0x188: {  	[hbm4b:s1+s2] =	stream.linear.scatter [tilespmem:s11], [sflag:$0x4], $0x4000, $0x38;
	[tilespmem:$0x1E000] =	vst v63  }
0x189: {  	s11 =	simm.s32 $0x16000;
	s1 =	rddreg [dreg:$0x1d]  }
0x18a: {  	[hbm4b:s3+s2] =	stream.linear.scatter [tilespmem:s11], [sflag:$0x4], $0x4000, $0x38;
	[tilespmem:$0x1E000] =	vst v63  }
0x18b: {  	s3 =	rddreg [dreg:$0x1e]  }
0x18c: {  	[hbm4b:s1+s2] =	stream.linear.scatter [tilespmem:s12], [sflag:$0x4], $0x4000, $0x38;
	[tilespmem:$0x1E000] =	vst v63  }
0x18d: {  	s1 =	rddreg [dreg:$0x1f]  }
0x18e: {  	[tilespmem:s25], [sflag:$0x2] =	stream.linear.gather [hbm4b:s3+s2], $0x1000, $0x38;
	[tilespmem:$0x1E000] =	vst v63  }
0x18f: {  	s3 =	sld [smem:$0x7F8]  }
0x190: {  	[tilespmem:s26], [sflag:$0x2] =	stream.linear.gather [hbm4b:s1+s2], $0x1000, $0x38;
	[tilespmem:$0x1E000] =	vst v63  }
0x191: {  	_ = 	snop  }
0x192: {  	[tilespmem:s28], [sflag:$0x2] =	stream.linear.gather [hbm4b:s3+s2], $0x1000, $0x38;
	[tilespmem:$0x1E000] =	vst v63  }
0x193: {  	_ =	swait.ge [sflag:s24], $0x1000  }
0x194: {  	[sflag:s24] =	ssyncset.done $0x0  }
0x195: {  	[sflag:s24] =	ssyncadd.s32 $0xFFFFF000  }
0x196: {  	_ =	swait.ge [sflag:s24], $0x1000  }
0x197: {  	[sflag:s24] =	ssyncset.done $0x0  }
0x198: {  	[sflag:s24] =	ssyncadd.s32 $0xFFFFF000  }
0x199: {  	_ =	swait.ge [sflag:s24], $0x1000  }
0x19a: {  	[sflag:s24] =	ssyncset.done $0x0  }
0x19b: {  	[sflag:s24] =	ssyncadd.s32 $0xFFFFF000  }
0x19c: {  	_ =	swait.ge [sflag:s7], $0x4000  }
0x19d: {  	[sflag:s7] =	ssyncset.done $0x0  }
0x19e: {  	[sflag:s7] =	ssyncadd.s32 $0xFFFFC000  }
0x19f: {  	_ =	swait.ge [sflag:s7], $0x4000  }
0x1a0: {  	[sflag:s7] =	ssyncset.done $0x0  }
0x1a1: {  	[sflag:s7] =	ssyncadd.s32 $0xFFFFC000  }
0x1a2: {  	_ =	swait.ge [sflag:s7], $0x4000  }
0x1a3: {  	s1 =	sld [smem:$0x7F9]  }
0x1a4: {  	[sflag:s7] =	ssyncset.done $0x0  }
0x1a5: {  	s3 =	sld [smem:$0x7FA];
	[sflag:s7] =	ssyncadd.s32 $0xFFFFC000  }
0x1a6: {  	[hbm4b:s1+s2] =	stream.linear.scatter [tilespmem:s15], [sflag:$0x3], $0x4000, $0x38;
	[tilespmem:$0x1E000] =	vst v63  }
0x1a7: {  	s1 =	sld [smem:$0x7FB]  }
0x1a8: {  	[hbm4b:s3+s2] =	stream.linear.scatter [tilespmem:s16], [sflag:$0x3], $0x4000, $0x38;
	[tilespmem:$0x1E000] =	vst v63  }
0x1a9: {  	s3 =	sld [smem:$0x7FC]  }
0x1aa: {  	[hbm4b:s1+s2] =	stream.linear.scatter [tilespmem:s17], [sflag:$0x3], $0x4000, $0x38;
	[tilespmem:$0x1E000] =	vst v63  }
0x1ab: {  	_ = 	snop  }
0x1ac: {  	[tilespmem:s2], [sflag:$0x1] =	stream.linear.gather [hbm4b:s3+s2], $0x1000, $0x38;
	[tilespmem:$0x1E000] =	vst v63  }
0x1ad: {  	s1 =	sld [smem:$0x7FD];
	s3 =	smov.u32 s4  }
0x1ae: {  	s4 =	smov.u32 s5;
	s5 =	smov.u32 s8;
	s8 =	smov.u32 s9  }
0x1af: {  	s9 =	smov.u32 s13;
	s13 =	smov.u32 s18;
	s18 =	smov.u32 s19  }
0x1b0: {  	s19 =	smov.u32 s20;
	s20 =	smov.u32 s21;
	s21 =	smov.u32 s22  }
0x1b1: {  	[tilespmem:s30], [sflag:$0x1] =	stream.linear.gather [hbm4b:s1+s2], $0x1000, $0x38;
	[tilespmem:$0x1E000] =	vst v63  }
0x1b2: {  	s22 =	smov.u32 s23;
	s23 =	smov.u32 s29;
	s29 =	smov.u32 s10  }
0x1b3: {  	[tilespmem:s31], [sflag:$0x1] =	stream.linear.gather [hbm4b:s29+s2], $0x1000, $0x38;
	[tilespmem:$0x1E000] =	vst v63  }
0x1b4: {  	_ =	swait.ge [sflag:s14], $0x1000  }
0x1b5: {  	[sflag:s14] =	ssyncset.done $0x0  }
0x1b6: {  	[sflag:s14] =	ssyncadd.s32 $0xFFFFF000  }
0x1b7: {  	_ =	swait.ge [sflag:s14], $0x1000  }
0x1b8: {  	[sflag:s14] =	ssyncset.done $0x0  }
0x1b9: {  	[sflag:s14] =	ssyncadd.s32 $0xFFFFF000  }
0x1ba: {  	_ =	swait.ge [sflag:s14], $0x1000  }
0x1bb: {  	[sflag:s14] =	ssyncset.done $0x0  }
0x1bc: {  	[sflag:s14] =	ssyncadd.s32 $0xFFFFF000  }
0x1bd: {  	_ =	swait.ge [sflag:s6], $0x4000  }
0x1be: {  	[sflag:s6] =	ssyncset.done $0x0  }
0x1bf: {  	[sflag:s6] =	ssyncadd.s32 $0xFFFFC000  }
0x1c0: {  	_ =	swait.ge [sflag:s6], $0x4000  }
0x1c1: {  	[sflag:s6] =	ssyncset.done $0x0  }
0x1c2: {  	[sflag:s6] =	ssyncadd.s32 $0xFFFFC000  }
0x1c3: {  	_ =	swait.ge [sflag:s6], $0x4000  }
0x1c4: {  	[sflag:s6] =	ssyncset.done $0x0  }
0x1c5: {  	s10 =	simm.s32 $0x12000;
	[sflag:s6] =	ssyncadd.s32 $0xFFFFC000  }
0x1c6: {  	[hbm4b:s18+s2] =	stream.linear.scatter [tilespmem:s10], [sflag:$0x4], $0x4000, $0x38;
	[tilespmem:$0x1E000] =	vst v63  }
0x1c7: {  	_ = 	snop  }
0x1c8: {  	[hbm4b:s19+s2] =	stream.linear.scatter [tilespmem:s11], [sflag:$0x4], $0x4000, $0x38;
	[tilespmem:$0x1E000] =	vst v63  }
0x1c9: {  	_ = 	snop  }
0x1ca: {  	[hbm4b:s20+s2] =	stream.linear.scatter [tilespmem:s12], [sflag:$0x4], $0x4000, $0x38;
	[tilespmem:$0x1E000] =	vst v63  }
0x1cb: {  	_ = 	snop  }
0x1cc: {  	[tilespmem:s25], [sflag:$0x2] =	stream.linear.gather [hbm4b:s21+s2], $0x1000, $0x38;
	[tilespmem:$0x1E000] =	vst v63  }
0x1cd: {  	_ = 	snop  }
0x1ce: {  	[tilespmem:s26], [sflag:$0x2] =	stream.linear.gather [hbm4b:s22+s2], $0x1000, $0x38;
	[tilespmem:$0x1E000] =	vst v63  }
0x1cf: {  	_ = 	snop  }
0x1d0: {  	[tilespmem:s28], [sflag:$0x2] =	stream.linear.gather [hbm4b:s23+s2], $0x1000, $0x38;
	[tilespmem:$0x1E000] =	vst v63  }
0x1d1: {  	_ =	swait.ge [sflag:s24], $0x1000  }
0x1d2: {  	[sflag:s24] =	ssyncset.done $0x0  }
0x1d3: {  	[sflag:s24] =	ssyncadd.s32 $0xFFFFF000  }
0x1d4: {  	_ =	swait.ge [sflag:s24], $0x1000  }
0x1d5: {  	[sflag:s24] =	ssyncset.done $0x0  }
0x1d6: {  	[sflag:s24] =	ssyncadd.s32 $0xFFFFF000  }
0x1d7: {  	_ =	swait.ge [sflag:s24], $0x1000  }
0x1d8: {  	[sflag:s24] =	ssyncset.done $0x0  }
0x1d9: {  	[sflag:s24] =	ssyncadd.s32 $0xFFFFF000  }
0x1da: {  	_ =	swait.ge [sflag:s7], $0x4000  }
0x1db: {  	[sflag:s7] =	ssyncset.done $0x0  }
0x1dc: {  	[sflag:s7] =	ssyncadd.s32 $0xFFFFC000  }
0x1dd: {  	_ =	swait.ge [sflag:s7], $0x4000  }
0x1de: {  	[sflag:s7] =	ssyncset.done $0x0  }
0x1df: {  	[sflag:s7] =	ssyncadd.s32 $0xFFFFC000  }
0x1e0: {  	_ =	swait.ge [sflag:s7], $0x4000  }
0x1e1: {  	[sflag:s7] =	ssyncset.done $0x0  }
0x1e2: {  	[sflag:s7] =	ssyncadd.s32 $0xFFFFC000  }
0x1e3: {  	[hbm4b:s8+s2] =	stream.linear.scatter [tilespmem:s15], [sflag:$0x3], $0x4000, $0x38;
	[tilespmem:$0x1E000] =	vst v63  }
0x1e4: {  	_ = 	snop  }
0x1e5: {  	[hbm4b:s9+s2] =	stream.linear.scatter [tilespmem:s16], [sflag:$0x3], $0x4000, $0x38;
	[tilespmem:$0x1E000] =	vst v63  }
0x1e6: {  	_ = 	snop  }
0x1e7: {  	[hbm4b:s13+s2] =	stream.linear.scatter [tilespmem:s17], [sflag:$0x3], $0x4000, $0x38;
	[tilespmem:$0x1E000] =	vst v63  }
0x1e8: {  	_ =	swait.ge [sflag:s14], $0x1000  }
0x1e9: {  	[sflag:s14] =	ssyncset.done $0x0  }
0x1ea: {  	[sflag:s14] =	ssyncadd.s32 $0xFFFFF000  }
0x1eb: {  	_ =	swait.ge [sflag:s14], $0x1000  }
0x1ec: {  	[sflag:s14] =	ssyncset.done $0x0  }
0x1ed: {  	[sflag:s14] =	ssyncadd.s32 $0xFFFFF000  }
0x1ee: {  	_ =	swait.ge [sflag:s14], $0x1000  }
0x1ef: {  	[sflag:s14] =	ssyncset.done $0x0  }
0x1f0: {  	[sflag:s14] =	ssyncadd.s32 $0xFFFFF000  }
0x1f1: {  	_ =	swait.ge [sflag:s6], $0x4000  }
0x1f2: {  	[sflag:s6] =	ssyncset.done $0x0  }
0x1f3: {  	[sflag:s6] =	ssyncadd.s32 $0xFFFFC000  }
0x1f4: {  	_ =	swait.ge [sflag:s6], $0x4000  }
0x1f5: {  	[sflag:s6] =	ssyncset.done $0x0  }
0x1f6: {  	[sflag:s6] =	ssyncadd.s32 $0xFFFFC000  }
0x1f7: {  	_ =	swait.ge [sflag:s6], $0x4000  }
0x1f8: {  	[sflag:s6] =	ssyncset.done $0x0  }
0x1f9: {  	[sflag:s6] =	ssyncadd.s32 $0xFFFFC000  }
0x1fa: {  	[hbm4b:s3+s2] =	stream.linear.scatter [tilespmem:s10], [sflag:$0x4], $0x4000, $0x38;
	[tilespmem:$0x1E000] =	vst v63  }
0x1fb: {  	_ = 	snop  }
0x1fc: {  	[hbm4b:s4+s2] =	stream.linear.scatter [tilespmem:s11], [sflag:$0x4], $0x4000, $0x38;
	[tilespmem:$0x1E000] =	vst v63  }
0x1fd: {  	_ = 	snop  }
0x1fe: {  	[hbm4b:s5+s2] =	stream.linear.scatter [tilespmem:s12], [sflag:$0x4], $0x4000, $0x38;
	[tilespmem:$0x1E000] =	vst v63  }
0x1ff: {  	_ =	swait.ge [sflag:s7], $0x4000  }
0x200: {  	[sflag:s7] =	ssyncset.done $0x0  }
0x201: {  	[sflag:s7] =	ssyncadd.s32 $0xFFFFC000  }
0x202: {  	_ =	swait.ge [sflag:s7], $0x4000  }
0x203: {  	[sflag:s7] =	ssyncset.done $0x0  }
0x204: {  	[sflag:s7] =	ssyncadd.s32 $0xFFFFC000  }
0x205: {  	_ =	swait.ge [sflag:s7], $0x4000  }
0x206: {  	[sflag:s7] =	ssyncset.done $0x0  }
0x207: {  	[sflag:s7] =	ssyncadd.s32 $0xFFFFC000  }
0x208: {  	_ =	swait.ge [sflag:s6], $0x4000  }
0x209: {  	[sflag:s6] =	ssyncset.done $0x0  }
0x20a: {  	p1 =	sne.s32 s0, $0x1;
	[sflag:s6] =	ssyncadd.s32 $0xFFFFC000  }
.Ltmp2:
0x20b: {  	_ =	swait.ge [sflag:s6], $0x4000;
	(pc) =	sbr.rel @p1 .LBB2_2-.Ltmp2, $4  }
0x20c: {  	[sflag:s6] =	ssyncset.done $0x0  }
0x20d: {  	[sflag:s6] =	ssyncadd.s32 $0xFFFFC000  }
0x20e: {  	_ =	swait.ge [sflag:s6], $0x4000  }
0x20f: {  	s0 =	sadd.s32 $0xFFFFFFFF, s0;
	s1 =	rddreg [dreg:$0x3];
	[sflag:s6] =	ssyncset.done $0x0  }
.LBB2_3:
0x210: {  	[sflag:s6] =	ssyncadd.s32 @p0 $0xFFFFC000  }
0x211: {  	[tilespmem:s2], [sflag:$0x1] =	stream.linear.gather [hbm4b:s1+s2], $0x1000, $0x38;
	[tilespmem:$0x1E000] =	vst v63  }
0x212: {  	s0 =	rddreg [dreg:$0x4]  }
0x213: {  	[tilespmem:s30], [sflag:$0x1] =	stream.linear.gather [hbm4b:s0+s2], $0x1000, $0x38;
	[tilespmem:$0x1E000] =	vst v63  }
0x214: {  	s1 =	rddreg [dreg:$0x5]  }
0x215: {  	[tilespmem:s31], [sflag:$0x1] =	stream.linear.gather [hbm4b:s1+s2], $0x1000, $0x38;
	[tilespmem:$0x1E000] =	vst v63  }
0x216: {  	s0 =	rddreg [dreg:$0x6]  }
0x217: {  	[tilespmem:s25], [sflag:$0x2] =	stream.linear.gather [hbm4b:s0+s2], $0x1000, $0x38;
	[tilespmem:$0x1E000] =	vst v63  }
0x218: {  	s1 =	rddreg [dreg:$0x7]  }
0x219: {  	[tilespmem:s26], [sflag:$0x2] =	stream.linear.gather [hbm4b:s1+s2], $0x1000, $0x38;
	[tilespmem:$0x1E000] =	vst v63  }
0x21a: {  	s0 =	rddreg [dreg:$0x8]  }
0x21b: {  	[tilespmem:s28], [sflag:$0x2] =	stream.linear.gather [hbm4b:s0+s2], $0x1000, $0x38;
	[tilespmem:$0x1E000] =	vst v63  }
0x21c: {  	_ =	swait.ge [sflag:s24], $0x1000  }
0x21d: {  	[sflag:s24] =	ssyncset.done $0x0  }
0x21e: {  	[sflag:s24] =	ssyncadd.s32 $0xFFFFF000  }
0x21f: {  	_ =	swait.ge [sflag:s24], $0x1000  }
0x220: {  	[sflag:s24] =	ssyncset.done $0x0  }
0x221: {  	[sflag:s24] =	ssyncadd.s32 $0xFFFFF000  }
0x222: {  	_ =	swait.ge [sflag:s24], $0x1000  }
0x223: {  	[sflag:s24] =	ssyncset.done $0x0  }
0x224: {  	s0 =	rddreg [dreg:$0x9];
	[sflag:s24] =	ssyncadd.s32 $0xFFFFF000  }
0x225: {  	[hbm4b:s0+s2] =	stream.linear.scatter [tilespmem:s15], [sflag:$0x3], $0x4000, $0x38;
	[tilespmem:$0x1E000] =	vst v63  }
0x226: {  	s1 =	rddreg [dreg:$0xa]  }
0x227: {  	[hbm4b:s1+s2] =	stream.linear.scatter [tilespmem:s16], [sflag:$0x3], $0x4000, $0x38;
	[tilespmem:$0x1E000] =	vst v63  }
0x228: {  	s0 =	rddreg [dreg:$0xb]  }
0x229: {  	[hbm4b:s0+s2] =	stream.linear.scatter [tilespmem:s17], [sflag:$0x3], $0x4000, $0x38;
	[tilespmem:$0x1E000] =	vst v63  }
0x22a: {  	s1 =	rddreg [dreg:$0xc]  }
0x22b: {  	[tilespmem:s2], [sflag:$0x1] =	stream.linear.gather [hbm4b:s1+s2], $0x1000, $0x38;
	[tilespmem:$0x1E000] =	vst v63  }
0x22c: {  	s0 =	rddreg [dreg:$0xd]  }
0x22d: {  	[tilespmem:s30], [sflag:$0x1] =	stream.linear.gather [hbm4b:s0+s2], $0x1000, $0x38;
	[tilespmem:$0x1E000] =	vst v63  }
0x22e: {  	s1 =	rddreg [dreg:$0xe]  }
0x22f: {  	[tilespmem:s31], [sflag:$0x1] =	stream.linear.gather [hbm4b:s1+s2], $0x1000, $0x38;
	[tilespmem:$0x1E000] =	vst v63  }
0x230: {  	_ =	swait.ge [sflag:s14], $0x1000  }
0x231: {  	[sflag:s14] =	ssyncset.done $0x0  }
0x232: {  	[sflag:s14] =	ssyncadd.s32 $0xFFFFF000  }
0x233: {  	_ =	swait.ge [sflag:s14], $0x1000  }
0x234: {  	[sflag:s14] =	ssyncset.done $0x0  }
0x235: {  	[sflag:s14] =	ssyncadd.s32 $0xFFFFF000  }
0x236: {  	_ =	swait.ge [sflag:s14], $0x1000  }
0x237: {  	[sflag:s14] =	ssyncset.done $0x0  }
0x238: {  	s0 =	rddreg [dreg:$0xf];
	[sflag:s14] =	ssyncadd.s32 $0xFFFFF000  }
0x239: {  	[hbm4b:s0+s2] =	stream.linear.scatter [tilespmem:s10], [sflag:$0x4], $0x4000, $0x38;
	[tilespmem:$0x1E000] =	vst v63  }
0x23a: {  	s1 =	rddreg [dreg:$0x10]  }
0x23b: {  	[hbm4b:s1+s2] =	stream.linear.scatter [tilespmem:s11], [sflag:$0x4], $0x4000, $0x38;
	[tilespmem:$0x1E000] =	vst v63  }
0x23c: {  	s0 =	rddreg [dreg:$0x11]  }
0x23d: {  	[hbm4b:s0+s2] =	stream.linear.scatter [tilespmem:s12], [sflag:$0x4], $0x4000, $0x38;
	[tilespmem:$0x1E000] =	vst v63  }
0x23e: {  	s1 =	rddreg [dreg:$0x12]  }
0x23f: {  	[tilespmem:s25], [sflag:$0x2] =	stream.linear.gather [hbm4b:s1+s2], $0x1000, $0x38;
	[tilespmem:$0x1E000] =	vst v63  }
0x240: {  	s0 =	rddreg [dreg:$0x13]  }
0x241: {  	[tilespmem:s26], [sflag:$0x2] =	stream.linear.gather [hbm4b:s0+s2], $0x1000, $0x38;
	[tilespmem:$0x1E000] =	vst v63  }
0x242: {  	s1 =	rddreg [dreg:$0x14]  }
0x243: {  	[tilespmem:s28], [sflag:$0x2] =	stream.linear.gather [hbm4b:s1+s2], $0x1000, $0x38;
	[tilespmem:$0x1E000] =	vst v63  }
0x244: {  	_ =	swait.ge [sflag:s24], $0x1000  }
0x245: {  	[sflag:s24] =	ssyncset.done $0x0  }
0x246: {  	[sflag:s24] =	ssyncadd.s32 $0xFFFFF000  }
0x247: {  	_ =	swait.ge [sflag:s24], $0x1000  }
0x248: {  	[sflag:s24] =	ssyncset.done $0x0  }
0x249: {  	[sflag:s24] =	ssyncadd.s32 $0xFFFFF000  }
0x24a: {  	_ =	swait.ge [sflag:s24], $0x1000  }
0x24b: {  	[sflag:s24] =	ssyncset.done $0x0  }
0x24c: {  	[sflag:s24] =	ssyncadd.s32 $0xFFFFF000  }
0x24d: {  	_ =	swait.ge [sflag:s7], $0x4000  }
0x24e: {  	[sflag:s7] =	ssyncset.done $0x0  }
0x24f: {  	[sflag:s7] =	ssyncadd.s32 $0xFFFFC000  }
0x250: {  	_ =	swait.ge [sflag:s7], $0x4000  }
0x251: {  	[sflag:s7] =	ssyncset.done $0x0  }
0x252: {  	[sflag:s7] =	ssyncadd.s32 $0xFFFFC000  }
0x253: {  	_ =	swait.ge [sflag:s7], $0x4000  }
0x254: {  	[sflag:s7] =	ssyncset.done $0x0  }
0x255: {  	s0 =	rddreg [dreg:$0x15];
	[sflag:s7] =	ssyncadd.s32 $0xFFFFC000  }
0x256: {  	[hbm4b:s0+s2] =	stream.linear.scatter [tilespmem:s15], [sflag:$0x3], $0x4000, $0x38;
	[tilespmem:$0x1E000] =	vst v63  }
0x257: {  	s1 =	rddreg [dreg:$0x16]  }
0x258: {  	[hbm4b:s1+s2] =	stream.linear.scatter [tilespmem:s16], [sflag:$0x3], $0x4000, $0x38;
	[tilespmem:$0x1E000] =	vst v63  }
0x259: {  	s0 =	rddreg [dreg:$0x17]  }
0x25a: {  	[hbm4b:s0+s2] =	stream.linear.scatter [tilespmem:s17], [sflag:$0x3], $0x4000, $0x38;
	[tilespmem:$0x1E000] =	vst v63  }
0x25b: {  	s1 =	rddreg [dreg:$0x18]  }
0x25c: {  	[tilespmem:s2], [sflag:$0x1] =	stream.linear.gather [hbm4b:s1+s2], $0x1000, $0x38;
	[tilespmem:$0x1E000] =	vst v63  }
0x25d: {  	s0 =	rddreg [dreg:$0x19]  }
0x25e: {  	[tilespmem:s30], [sflag:$0x1] =	stream.linear.gather [hbm4b:s0+s2], $0x1000, $0x38;
	[tilespmem:$0x1E000] =	vst v63  }
0x25f: {  	s1 =	rddreg [dreg:$0x1a]  }
0x260: {  	[tilespmem:s31], [sflag:$0x1] =	stream.linear.gather [hbm4b:s1+s2], $0x1000, $0x38;
	[tilespmem:$0x1E000] =	vst v63  }
0x261: {  	_ =	swait.ge [sflag:s14], $0x1000  }
0x262: {  	[sflag:s14] =	ssyncset.done $0x0  }
0x263: {  	[sflag:s14] =	ssyncadd.s32 $0xFFFFF000  }
0x264: {  	_ =	swait.ge [sflag:s14], $0x1000  }
0x265: {  	[sflag:s14] =	ssyncset.done $0x0  }
0x266: {  	[sflag:s14] =	ssyncadd.s32 $0xFFFFF000  }
0x267: {  	_ =	swait.ge [sflag:s14], $0x1000  }
0x268: {  	[sflag:s14] =	ssyncset.done $0x0  }
0x269: {  	[sflag:s14] =	ssyncadd.s32 $0xFFFFF000  }
0x26a: {  	_ =	swait.ge [sflag:s6], $0x4000  }
0x26b: {  	[sflag:s6] =	ssyncset.done $0x0  }
0x26c: {  	[sflag:s6] =	ssyncadd.s32 $0xFFFFC000  }
0x26d: {  	_ =	swait.ge [sflag:s6], $0x4000  }
0x26e: {  	[sflag:s6] =	ssyncset.done $0x0  }
0x26f: {  	[sflag:s6] =	ssyncadd.s32 $0xFFFFC000  }
0x270: {  	_ =	swait.ge [sflag:s6], $0x4000  }
0x271: {  	s0 =	rddreg [dreg:$0x1b];
	[sflag:s6] =	ssyncset.done $0x0  }
0x272: {  	s1 =	rddreg [dreg:$0x1c];
	[sflag:s6] =	ssyncadd.s32 $0xFFFFC000  }
0x273: {  	[hbm4b:s0+s2] =	stream.linear.scatter [tilespmem:s10], [sflag:$0x4], $0x4000, $0x38;
	[tilespmem:$0x1E000] =	vst v63  }
0x274: {  	s0 =	rddreg [dreg:$0x1d]  }
0x275: {  	[hbm4b:s1+s2] =	stream.linear.scatter [tilespmem:s11], [sflag:$0x4], $0x4000, $0x38;
	[tilespmem:$0x1E000] =	vst v63  }
0x276: {  	s1 =	rddreg [dreg:$0x1e]  }
0x277: {  	[hbm4b:s0+s2] =	stream.linear.scatter [tilespmem:s12], [sflag:$0x4], $0x4000, $0x38;
	[tilespmem:$0x1E000] =	vst v63  }
0x278: {  	s0 =	rddreg [dreg:$0x1f]  }
0x279: {  	[tilespmem:s25], [sflag:$0x2] =	stream.linear.gather [hbm4b:s1+s2], $0x1000, $0x38;
	[tilespmem:$0x1E000] =	vst v63  }
0x27a: {  	s1 =	sld [smem:$0x7F8]  }
0x27b: {  	[tilespmem:s26], [sflag:$0x2] =	stream.linear.gather [hbm4b:s0+s2], $0x1000, $0x38;
	[tilespmem:$0x1E000] =	vst v63  }
0x27c: {  	_ = 	snop  }
0x27d: {  	[tilespmem:s28], [sflag:$0x2] =	stream.linear.gather [hbm4b:s1+s2], $0x1000, $0x38;
	[tilespmem:$0x1E000] =	vst v63  }
0x27e: {  	_ =	swait.ge [sflag:s24], $0x1000  }
0x27f: {  	[sflag:s24] =	ssyncset.done $0x0  }
0x280: {  	[sflag:s24] =	ssyncadd.s32 $0xFFFFF000  }
0x281: {  	_ =	swait.ge [sflag:s24], $0x1000  }
0x282: {  	[sflag:s24] =	ssyncset.done $0x0  }
0x283: {  	[sflag:s24] =	ssyncadd.s32 $0xFFFFF000  }
0x284: {  	_ =	swait.ge [sflag:s24], $0x1000  }
0x285: {  	[sflag:s24] =	ssyncset.done $0x0  }
0x286: {  	[sflag:s24] =	ssyncadd.s32 $0xFFFFF000  }
0x287: {  	_ =	swait.ge [sflag:s7], $0x4000  }
0x288: {  	[sflag:s7] =	ssyncset.done $0x0  }
0x289: {  	[sflag:s7] =	ssyncadd.s32 $0xFFFFC000  }
0x28a: {  	_ =	swait.ge [sflag:s7], $0x4000  }
0x28b: {  	[sflag:s7] =	ssyncset.done $0x0  }
0x28c: {  	[sflag:s7] =	ssyncadd.s32 $0xFFFFC000  }
0x28d: {  	_ =	swait.ge [sflag:s7], $0x4000  }
0x28e: {  	s0 =	sld [smem:$0x7F9]  }
0x28f: {  	[sflag:s7] =	ssyncset.done $0x0  }
0x290: {  	s1 =	sld [smem:$0x7FA];
	[sflag:s7] =	ssyncadd.s32 $0xFFFFC000  }
0x291: {  	[hbm4b:s0+s2] =	stream.linear.scatter [tilespmem:s15], [sflag:$0x3], $0x4000, $0x38;
	[tilespmem:$0x1E000] =	vst v63  }
0x292: {  	s0 =	sld [smem:$0x7FB]  }
0x293: {  	[hbm4b:s1+s2] =	stream.linear.scatter [tilespmem:s16], [sflag:$0x3], $0x4000, $0x38;
	[tilespmem:$0x1E000] =	vst v63  }
0x294: {  	s1 =	sld [smem:$0x7FC]  }
0x295: {  	[hbm4b:s0+s2] =	stream.linear.scatter [tilespmem:s17], [sflag:$0x3], $0x4000, $0x38;
	[tilespmem:$0x1E000] =	vst v63  }
0x296: {  	s0 =	sld [smem:$0x7FD]  }
0x297: {  	[tilespmem:s2], [sflag:$0x1] =	stream.linear.gather [hbm4b:s1+s2], $0x1000, $0x38;
	[tilespmem:$0x1E000] =	vst v63  }
0x298: {  	_ = 	snop  }
0x299: {  	[tilespmem:s30], [sflag:$0x1] =	stream.linear.gather [hbm4b:s0+s2], $0x1000, $0x38;
	[tilespmem:$0x1E000] =	vst v63  }
0x29a: {  	_ = 	snop  }
0x29b: {  	[tilespmem:s31], [sflag:$0x1] =	stream.linear.gather [hbm4b:s29+s2], $0x1000, $0x38;
	[tilespmem:$0x1E000] =	vst v63  }
0x29c: {  	_ =	swait.ge [sflag:s14], $0x1000  }
0x29d: {  	[sflag:s14] =	ssyncset.done $0x0  }
0x29e: {  	[sflag:s14] =	ssyncadd.s32 $0xFFFFF000  }
0x29f: {  	_ =	swait.ge [sflag:s14], $0x1000  }
0x2a0: {  	[sflag:s14] =	ssyncset.done $0x0  }
0x2a1: {  	[sflag:s14] =	ssyncadd.s32 $0xFFFFF000  }
0x2a2: {  	_ =	swait.ge [sflag:s14], $0x1000  }
0x2a3: {  	[sflag:s14] =	ssyncset.done $0x0  }
0x2a4: {  	[sflag:s14] =	ssyncadd.s32 $0xFFFFF000  }
0x2a5: {  	_ =	swait.ge [sflag:s6], $0x4000  }
0x2a6: {  	[sflag:s6] =	ssyncset.done $0x0  }
0x2a7: {  	[sflag:s6] =	ssyncadd.s32 $0xFFFFC000  }
0x2a8: {  	_ =	swait.ge [sflag:s6], $0x4000  }
0x2a9: {  	[sflag:s6] =	ssyncset.done $0x0  }
0x2aa: {  	[sflag:s6] =	ssyncadd.s32 $0xFFFFC000  }
0x2ab: {  	_ =	swait.ge [sflag:s6], $0x4000  }
0x2ac: {  	[sflag:s6] =	ssyncset.done $0x0  }
0x2ad: {  	[sflag:s6] =	ssyncadd.s32 $0xFFFFC000  }
0x2ae: {  	[hbm4b:s18+s2] =	stream.linear.scatter [tilespmem:s10], [sflag:$0x4], $0x4000, $0x38;
	[tilespmem:$0x1E000] =	vst v63  }
0x2af: {  	_ = 	snop  }
0x2b0: {  	[hbm4b:s19+s2] =	stream.linear.scatter [tilespmem:s11], [sflag:$0x4], $0x4000, $0x38;
	[tilespmem:$0x1E000] =	vst v63  }
0x2b1: {  	_ = 	snop  }
0x2b2: {  	[hbm4b:s20+s2] =	stream.linear.scatter [tilespmem:s12], [sflag:$0x4], $0x4000, $0x38;
	[tilespmem:$0x1E000] =	vst v63  }
0x2b3: {  	_ = 	snop  }
0x2b4: {  	[tilespmem:s25], [sflag:$0x2] =	stream.linear.gather [hbm4b:s21+s2], $0x1000, $0x38;
	[tilespmem:$0x1E000] =	vst v63  }
0x2b5: {  	_ = 	snop  }
0x2b6: {  	[tilespmem:s26], [sflag:$0x2] =	stream.linear.gather [hbm4b:s22+s2], $0x1000, $0x38;
	[tilespmem:$0x1E000] =	vst v63  }
0x2b7: {  	_ = 	snop  }
0x2b8: {  	[tilespmem:s28], [sflag:$0x2] =	stream.linear.gather [hbm4b:s23+s2], $0x1000, $0x38;
	[tilespmem:$0x1E000] =	vst v63  }
0x2b9: {  	_ =	swait.ge [sflag:s24], $0x1000  }
0x2ba: {  	[sflag:s24] =	ssyncset.done $0x0  }
0x2bb: {  	[sflag:s24] =	ssyncadd.s32 $0xFFFFF000  }
0x2bc: {  	_ =	swait.ge [sflag:s24], $0x1000  }
0x2bd: {  	[sflag:s24] =	ssyncset.done $0x0  }
0x2be: {  	[sflag:s24] =	ssyncadd.s32 $0xFFFFF000  }
0x2bf: {  	_ =	swait.ge [sflag:s24], $0x1000  }
0x2c0: {  	[sflag:s24] =	ssyncset.done $0x0  }
0x2c1: {  	[sflag:s24] =	ssyncadd.s32 $0xFFFFF000  }
0x2c2: {  	_ =	swait.ge [sflag:s7], $0x4000  }
0x2c3: {  	[sflag:s7] =	ssyncset.done $0x0  }
0x2c4: {  	[sflag:s7] =	ssyncadd.s32 $0xFFFFC000  }
0x2c5: {  	_ =	swait.ge [sflag:s7], $0x4000  }
0x2c6: {  	[sflag:s7] =	ssyncset.done $0x0  }
0x2c7: {  	[sflag:s7] =	ssyncadd.s32 $0xFFFFC000  }
0x2c8: {  	_ =	swait.ge [sflag:s7], $0x4000  }
0x2c9: {  	[sflag:s7] =	ssyncset.done $0x0  }
0x2ca: {  	[sflag:s7] =	ssyncadd.s32 $0xFFFFC000  }
0x2cb: {  	[hbm4b:s8+s2] =	stream.linear.scatter [tilespmem:s15], [sflag:$0x3], $0x4000, $0x38;
	[tilespmem:$0x1E000] =	vst v63  }
0x2cc: {  	_ = 	snop  }
0x2cd: {  	[hbm4b:s9+s2] =	stream.linear.scatter [tilespmem:s16], [sflag:$0x3], $0x4000, $0x38;
	[tilespmem:$0x1E000] =	vst v63  }
0x2ce: {  	_ = 	snop  }
0x2cf: {  	[hbm4b:s13+s2] =	stream.linear.scatter [tilespmem:s17], [sflag:$0x3], $0x4000, $0x38;
	[tilespmem:$0x1E000] =	vst v63  }
0x2d0: {  	_ =	swait.ge [sflag:s14], $0x1000  }
0x2d1: {  	[sflag:s14] =	ssyncset.done $0x0  }
0x2d2: {  	[sflag:s14] =	ssyncadd.s32 $0xFFFFF000  }
0x2d3: {  	_ =	swait.ge [sflag:s14], $0x1000  }
0x2d4: {  	[sflag:s14] =	ssyncset.done $0x0  }
0x2d5: {  	[sflag:s14] =	ssyncadd.s32 $0xFFFFF000  }
0x2d6: {  	_ =	swait.ge [sflag:s14], $0x1000  }
0x2d7: {  	[sflag:s14] =	ssyncset.done $0x0  }
0x2d8: {  	[sflag:s14] =	ssyncadd.s32 $0xFFFFF000  }
0x2d9: {  	_ =	swait.ge [sflag:s6], $0x4000  }
0x2da: {  	[sflag:s6] =	ssyncset.done $0x0  }
0x2db: {  	[sflag:s6] =	ssyncadd.s32 $0xFFFFC000  }
0x2dc: {  	_ =	swait.ge [sflag:s6], $0x4000  }
0x2dd: {  	[sflag:s6] =	ssyncset.done $0x0  }
0x2de: {  	[sflag:s6] =	ssyncadd.s32 $0xFFFFC000  }
0x2df: {  	_ =	swait.ge [sflag:s6], $0x4000  }
0x2e0: {  	[sflag:s6] =	ssyncset.done $0x0  }
0x2e1: {  	[sflag:s6] =	ssyncadd.s32 $0xFFFFC000  }
0x2e2: {  	[hbm4b:s3+s2] =	stream.linear.scatter [tilespmem:s10], [sflag:$0x4], $0x4000, $0x38;
	[tilespmem:$0x1E000] =	vst v63  }
0x2e3: {  	_ = 	snop  }
0x2e4: {  	[hbm4b:s4+s2] =	stream.linear.scatter [tilespmem:s11], [sflag:$0x4], $0x4000, $0x38;
	[tilespmem:$0x1E000] =	vst v63  }
0x2e5: {  	_ = 	snop  }
0x2e6: {  	[hbm4b:s5+s2] =	stream.linear.scatter [tilespmem:s12], [sflag:$0x4], $0x4000, $0x38;
	[tilespmem:$0x1E000] =	vst v63  }
0x2e7: {  	_ =	swait.ge [sflag:s7], $0x4000  }
0x2e8: {  	[sflag:s7] =	ssyncset.done $0x0  }
0x2e9: {  	[sflag:s7] =	ssyncadd.s32 $0xFFFFC000  }
0x2ea: {  	_ =	swait.ge [sflag:s7], $0x4000  }
0x2eb: {  	[sflag:s7] =	ssyncset.done $0x0  }
0x2ec: {  	[sflag:s7] =	ssyncadd.s32 $0xFFFFC000  }
0x2ed: {  	_ =	swait.ge [sflag:s7], $0x4000  }
0x2ee: {  	[sflag:s7] =	ssyncset.done $0x0  }
0x2ef: {  	[sflag:s7] =	ssyncadd.s32 $0xFFFFC000  }
0x2f0: {  	_ =	swait.ge [sflag:s6], $0x4000  }
0x2f1: {  	[sflag:s6] =	ssyncset.done $0x0  }
0x2f2: {  	[sflag:s6] =	ssyncadd.s32 $0xFFFFC000  }
0x2f3: {  	_ =	swait.ge [sflag:s6], $0x4000  }
0x2f4: {  	[sflag:s6] =	ssyncset.done $0x0  }
0x2f5: {  	[sflag:s6] =	ssyncadd.s32 $0xFFFFC000  }
0x2f6: {  	_ =	swait.ge [sflag:s6], $0x4000  }
0x2f7: {  	[sflag:s6] =	ssyncset.done $0x0  }
0x2f8: {  	[sflag:s6] =	ssyncadd.s32 $0xFFFFC000  }
0x2f9: {  	_ =	sfence.sel $0x180000  }
0x2fa: {  	[bflag:$0x0] =	sbarrier.arrive $0xFFFF  }
0x2fb: {  	_ =	strace $0x90000047  }
0x2fc: {  	s31 =	stileid.u32;
	[bflag:$0x2] =	sbarrier.arrive $0xFFFF  }
0x2fd: {  	p0 =	sne.s32 s31, $0x0;
	s0 =	rddreg [dreg:$0x2]  }
0x2fe: {  	s0 =	sadd.s32 @!p0 $0x100000, s0  }
0x2ff: {  	[sflag:s0] =	ssyncadd.tile.s32 @!p0 $0x1;
	_ =	shalt  }
.Lfunc_end2:
_tile_overlayer_lowered:
.L_overlay_start_2:
0x300: {  	(tag) =	ssettag $0x2  }
0x301: {  	s0 =	rddreg [dreg:$0x0];
	s2 =	stileid.u32  }
0x302: {  	s1 =	rddreg [dreg:$0x1];
	p0 =	sne.s32 s2, $0x0  }
0x303: {  	s3 =	rddreg [dreg:$0x2];
	[bflag:$0x3] =	sbarrier.arrive $0xFFFF;
	s2 =	simm.s32 @!p0 $0x1C05  }
0x304: {  	[timem:s3], [sflag:s2] =	dma.local @!p0 [hbm:s0], s1  }
0x305: {  	s0 =	simm.s32 @!p0 $0x5  }
0x306: {  	_ =	swait.ge @!p0 [sflag:s0], s1  }
0x307: {  	s1 =	ssub.s32 @!p0 $0x0, s1;
	[sflag:s0] =	ssyncset.done @!p0 $0x0  }
0x308: {  	[sflag:s0] =	ssyncadd.s32 @!p0 s1  }
0x309: {  	[bflag:$0x3] =	sbarrier.arrive $0xFFFF  }
0x30a: {  	_ =	shalt  }

</sc_bundles>
